<compile_context>
chip_gen: v7x
topology: tpu7x:2x2x1
jax: 0.10.2.dev20260603
libtpu: 0.0.44.dev20260713+nightly
codegen_flags: <defaults>
</compile_context>

<pallas_src>
import functools

import jax
import jax.numpy as jnp
from jax import lax
from jax.experimental import pallas as pl
from jax.experimental.pallas import tpu as pltpu
from jax.experimental.pallas import tpu_sc as plsc
from jax.experimental.layout import Format, Layout, with_layout_constraint

VOCAB = 1000000
EMBED_DIM = 64
BATCH = 4096
HIST = 200

NC = 2
NS = 16
NW = NC * NS
B_PER_W = BATCH // NW


ROWS_PER_CHUNK = 4
CHUNK_IDX = ROWS_PER_CHUNK * HIST
N_CHUNKS = B_PER_W // ROWS_PER_CHUNK


def _sc_pool_body(x_hbm, table_hbm, out_hbm, idx0, idx1, rows_v, pooled_v,
                  isem0, isem1, gsem0, gsem1):
    idxs = (idx0, idx1)
    isems = (isem0, isem1)
    gsems = (gsem0, gsem1)
    wid = lax.axis_index("s") * NC + lax.axis_index("c")
    base = wid * B_PER_W

    def issue_idx(c, b):
        pltpu.async_copy(
            x_hbm.at[pl.ds((base + c * ROWS_PER_CHUNK) * HIST, CHUNK_IDX)],
            idxs[b], isems[b])

    def wait_idx(b):
        pltpu.make_async_copy(x_hbm.at[pl.ds(0, CHUNK_IDX)], idxs[b],
                              isems[b]).wait()

    def issue_gather(b):
        pltpu.async_copy(table_hbm.at[idxs[b]], rows_v.at[b], gsems[b])

    def wait_gather(b):
        pltpu.make_async_copy(table_hbm.at[pl.ds(0, CHUNK_IDX)],
                              rows_v.at[b], gsems[b]).wait()

    issue_idx(0, 0)
    issue_idx(1, 1)
    wait_idx(0)
    issue_gather(0)

    def outer(i, carry):
        for b in range(2):
            c = i * 2 + b
            wait_gather(b)

            @pl.when(c + 2 < N_CHUNKS)
            def _():
                issue_idx(c + 2, b)

            for r in range(ROWS_PER_CHUNK):
                def red(l, accs, _r=r):
                    return tuple(
                        accs[j] + rows_v[b, _r * HIST + l, pl.ds(j * 16, 16)]
                        for j in range(EMBED_DIM // 16))

                accs = lax.fori_loop(
                    0, HIST, red,
                    tuple(jnp.zeros((16,), jnp.float32)
                          for _ in range(EMBED_DIM // 16)),
                    unroll=8)
                row = c * ROWS_PER_CHUNK + r
                for j in range(EMBED_DIM // 16):
                    pooled_v[row, pl.ds(j * 16, 16)] = accs[j] * (1.0 / HIST)

            @pl.when(c + 1 < N_CHUNKS)
            def _():
                wait_idx(1 - b)
                issue_gather(1 - b)
        return carry

    lax.fori_loop(0, N_CHUNKS // 2, outer, 0)
    pltpu.sync_copy(pooled_v, out_hbm.at[pl.ds(base, B_PER_W)])


@jax.jit
def _sc_pool(x_flat, table):
    table = with_layout_constraint(
        table, Layout(major_to_minor=(0, 1), tiling=((8,),)))
    mesh = plsc.VectorSubcoreMesh(core_axis_name="c", subcore_axis_name="s")
    f = functools.partial(
        pl.kernel,
        out_type=jax.ShapeDtypeStruct((BATCH, EMBED_DIM), jnp.float32),
        mesh=mesh,
        compiler_params=pltpu.CompilerParams(use_tc_tiling_on_sc=False),
        scratch_types=[
            pltpu.VMEM((CHUNK_IDX,), jnp.int32),
            pltpu.VMEM((CHUNK_IDX,), jnp.int32),
            pltpu.VMEM((2, CHUNK_IDX, EMBED_DIM), jnp.float32),
            pltpu.VMEM((B_PER_W, EMBED_DIM), jnp.float32),
            pltpu.SemaphoreType.DMA,
            pltpu.SemaphoreType.DMA,
            pltpu.SemaphoreType.DMA,
            pltpu.SemaphoreType.DMA,
        ],
    )(_sc_pool_body)
    return f(x_flat, table)


def _mlp_body(p_ref, w1_ref, b1_ref, w2_ref, b2_ref, o_ref):
    p = p_ref[...]
    h = lax.dot_general(p, w1_ref[...], (((1,), (1,)), ((), ())),
                        precision=lax.Precision.HIGHEST,
                        preferred_element_type=jnp.float32)
    h = jnp.maximum(h + b1_ref[...], 0.0)
    o_ref[...] = jnp.sum(h * w2_ref[...], axis=1, keepdims=True) + b2_ref[...]


@jax.jit
def _mlp(pooled, W1, b1, W2, b2):
    return pl.pallas_call(
        _mlp_body,
        out_shape=jax.ShapeDtypeStruct((BATCH, 1), jnp.float32),
    )(pooled, W1, b1.reshape(1, 256), W2, b2.reshape(1, 1))


def kernel(x, table, W1, b1, W2, b2):
    x_flat = (x.astype(jnp.int32) * 2).reshape(BATCH * HIST)
    pooled = _sc_pool(x_flat, table)
    return _mlp(pooled, W1, b1, W2, b2)

# --- scband reference (transcript-rebuilt; emitter-appended) ---
"""Pipeline reference for scband-bc2-65283502899256 (READ-ONLY COPY).

The authoritative reference and input builder live on the scoring server;
editing this copy changes nothing except your own understanding.
"""

import jax, jax.numpy as jnp
import numpy as np

VOCAB = 1000000
EMBED_DIM = 64
BATCH = 4096
HIST = 200

def setup_inputs(seed: int = 0) -> dict:
    key = jax.random.key(seed)
    k_tab, k_x, k_w1, k_b1, k_w2, k_b2 = jax.random.split(key, 6)
    table = jax.random.normal(k_tab, (VOCAB, EMBED_DIM), dtype=jnp.float32) * 0.05
    x = jax.random.randint(k_x, (BATCH, HIST), 0, VOCAB, dtype=jnp.int64)
    # torch Linear stores weight as [out_features, in_features]
    W1 = jax.random.normal(k_w1, (256, EMBED_DIM), dtype=jnp.float32) * (1.0 / np.sqrt(EMBED_DIM))
    b1 = jax.random.normal(k_b1, (256,), dtype=jnp.float32) * 0.02
    W2 = jax.random.normal(k_w2, (1, 256), dtype=jnp.float32) * (1.0 / np.sqrt(256.0))
    b2 = jax.random.normal(k_b2, (1,), dtype=jnp.float32) * 0.02
    return {"x": x, "table": table, "W1": W1, "b1": b1, "W2": W2, "b2": b2}

def reference(x, table, W1, b1, W2, b2):
    # Embedding lookup (frozen table): gather rows
    emb = jnp.take(table, x, axis=0)            # [B, L, D]
    pooled = jnp.mean(emb, axis=1)              # [B, D]
    h = pooled @ W1.T + b1                      # [B, 256]
    h = jnp.maximum(h, 0.0)                     # ReLU
    out = h @ W2.T + b2                         # [B, 1]
    return out

if __name__ == "__main__":
    import jax
    _d = setup_inputs()
    print(jax.jit(kernel)(*tuple(_d.values())))

</pallas_src>

<mosaic_0001>
#map = affine_map<(d0, d1) -> (0)>
#map1 = affine_map<(d0, d1) -> (0, 0)>
module attributes {stable_mosaic.version = 14 : i64} {
  func.func @_sc_pool_body(%arg0: i32, %arg1: i32, %arg2: memref<819200xi32, #tpu.memory_space<hbm>>, %arg3: memref<1000000x64xf32, #tpu.memory_space<hbm>>, %arg4: memref<4096x64xf32, #tpu.memory_space<hbm>>, %arg5: memref<800xi32, #tpu.memory_space<vmem>>, %arg6: memref<800xi32, #tpu.memory_space<vmem>>, %arg7: memref<2x800x64xf32, #tpu.memory_space<vmem>>, %arg8: memref<128x64xf32, #tpu.memory_space<vmem>>, %arg9: memref<!tpu.dma_semaphore, #tpu.memory_space<semaphore_mem>>, %arg10: memref<!tpu.dma_semaphore, #tpu.memory_space<semaphore_mem>>, %arg11: memref<!tpu.dma_semaphore, #tpu.memory_space<semaphore_mem>>, %arg12: memref<!tpu.dma_semaphore, #tpu.memory_space<semaphore_mem>>) attributes {dimension_semantics = [#tpu.dimension_semantics<core_parallel>, #tpu.dimension_semantics<subcore_parallel>], iteration_bounds = array<i64: 2, 16>, scalar_prefetch = 0 : i64, scratch_operands = 8 : i64, tpu.core_type = #tpu.core_type<sc_vector_subcore>, window_params = [{transform_indices = #map}, {transform_indices = #map1}, {transform_indices = #map1}]} {
    %mul3A = arith.constant 2 : i32
    %mul3A_0 = arith.muli %arg1, %mul3A : i32
    %add3A = arith.addi %mul3A_0, %arg0 : i32
    %mul3A_1 = arith.constant 128 : i32
    %mul3A_2 = arith.muli %add3A, %mul3A_1 : i32
    %add3A_3 = arith.constant 0 : i32
    %add3A_4 = arith.addi %mul3A_2, %add3A_3 : i32
    %mul3A_5 = arith.constant 200 : i32
    %mul3A_6 = arith.muli %add3A_4, %mul3A_5 : i32
    %dma_start3A = tpu.memref_slice %arg2[%mul3A_6] : memref<819200xi32, #tpu.memory_space<hbm>> -> memref<800xi32, #tpu.memory_space<hbm>>
    %dma_start3A_7 = tpu.memref_slice %arg2[%mul3A_6] : memref<819200xi32, #tpu.memory_space<hbm>> -> memref<800xi32, #tpu.memory_space<hbm>>
    tpu.enqueue_dma source(%dma_start3A_7 : memref<800xi32, #tpu.memory_space<hbm>>) target(%arg5 : memref<800xi32, #tpu.memory_space<vmem>>) target_semaphore(%arg9 : memref<!tpu.dma_semaphore, #tpu.memory_space<semaphore_mem>>)
    %add3A_8 = arith.constant 4 : i32
    %add3A_9 = arith.addi %mul3A_2, %add3A_8 : i32
    %mul3A_10 = arith.constant 200 : i32
    %mul3A_11 = arith.muli %add3A_9, %mul3A_10 : i32
    %dma_start3A_12 = tpu.memref_slice %arg2[%mul3A_11] : memref<819200xi32, #tpu.memory_space<hbm>> -> memref<800xi32, #tpu.memory_space<hbm>>
    %dma_start3A_13 = tpu.memref_slice %arg2[%mul3A_11] : memref<819200xi32, #tpu.memory_space<hbm>> -> memref<800xi32, #tpu.memory_space<hbm>>
    tpu.enqueue_dma source(%dma_start3A_13 : memref<800xi32, #tpu.memory_space<hbm>>) target(%arg6 : memref<800xi32, #tpu.memory_space<vmem>>) target_semaphore(%arg10 : memref<!tpu.dma_semaphore, #tpu.memory_space<semaphore_mem>>)
    %dma_wait3A = arith.constant 0 : i32
    %dma_wait3A_14 = tpu.memref_slice %arg2[%dma_wait3A] : memref<819200xi32, #tpu.memory_space<hbm>> -> memref<800xi32, #tpu.memory_space<hbm>>
    %dma_wait3A_15 = arith.constant 0 : i32
    %dma_wait3A_16 = tpu.memref_slice %arg2[%dma_wait3A_15] : memref<819200xi32, #tpu.memory_space<hbm>> -> memref<800xi32, #tpu.memory_space<hbm>>
    tpu.wait_dma2 semaphore(%arg9 : memref<!tpu.dma_semaphore, #tpu.memory_space<semaphore_mem>>) src(%dma_wait3A_16 : memref<800xi32, #tpu.memory_space<hbm>>) dst(%arg5 : memref<800xi32, #tpu.memory_space<vmem>>)
    %dma_start3A_17 = arith.constant 0 : i32
    %dma_start3A_18 = arith.constant 0 : i32
    %dma_start3A_19 = arith.constant 0 : i32
    %dma_start3A_20 = tpu.memref_slice %arg7[%dma_start3A_17, %dma_start3A_18, %dma_start3A_19] : memref<2x800x64xf32, #tpu.memory_space<vmem>> -> memref<1x800x64xf32, #tpu.memory_space<vmem>>
    %dma_start3A_21 = tpu.memref_squeeze %dma_start3A_20 : memref<1x800x64xf32, #tpu.memory_space<vmem>> -> memref<800x64xf32, #tpu.memory_space<vmem>>
    %dma_start3A_22 = arith.constant 0 : i32
    %dma_start3A_23 = arith.constant 0 : i32
    %dma_start3A_24 = tpu.memref_slice %arg3[%dma_start3A_22, %dma_start3A_23] : memref<1000000x64xf32, #tpu.memory_space<hbm>> -> memref<1000000x64xf32, #tpu.memory_space<hbm>>
    tpu.enqueue_indirect_dma source(%dma_start3A_24 : memref<1000000x64xf32, #tpu.memory_space<hbm>>) target(%dma_start3A_21 : memref<800x64xf32, #tpu.memory_space<vmem>>) offsets(%arg5 : memref<800xi32, #tpu.memory_space<vmem>>) semaphore(%arg11 : memref<!tpu.dma_semaphore, #tpu.memory_space<semaphore_mem>>)
    %scan3A = arith.constant 0 : i32
    %scan3A_25 = arith.constant 0 : i32
    %scan3A_26 = arith.constant 16 : i32
    %scan3A_27 = arith.addi %scan3A_25, %scan3A_26 : i32
    %scan3A_28 = arith.constant 1 : i32
    scf.for %scan3A_30 = %scan3A_25 to %scan3A_27 step %scan3A_28  : i32 {
      %mul3A_31 = arith.constant 2 : i32
      %mul3A_32 = arith.muli %scan3A_30, %mul3A_31 : i32
      %add3A_33 = arith.constant 0 : i32
      %add3A_34 = arith.addi %mul3A_32, %add3A_33 : i32
      %dma_wait3A_35 = arith.constant 0 : i32
      %dma_wait3A_36 = arith.constant 0 : i32
      %dma_wait3A_37 = arith.constant 0 : i32
      %dma_wait3A_38 = tpu.memref_slice %arg7[%dma_wait3A_35, %dma_wait3A_36, %dma_wait3A_37] : memref<2x800x64xf32, #tpu.memory_space<vmem>> -> memref<1x800x64xf32, #tpu.memory_space<vmem>>
      %dma_wait3A_39 = tpu.memref_squeeze %dma_wait3A_38 : memref<1x800x64xf32, #tpu.memory_space<vmem>> -> memref<800x64xf32, #tpu.memory_space<vmem>>
      %dma_wait3A_40 = arith.constant 0 : i32
      %dma_wait3A_41 = arith.constant 0 : i32
      %dma_wait3A_42 = tpu.memref_slice %arg3[%dma_wait3A_40, %dma_wait3A_41] : memref<1000000x64xf32, #tpu.memory_space<hbm>> -> memref<800x64xf32, #tpu.memory_space<hbm>>
      %dma_wait3A_43 = arith.constant 0 : i32
      %dma_wait3A_44 = arith.constant 0 : i32
      %dma_wait3A_45 = tpu.memref_slice %arg7[%dma_wait3A_35, %dma_wait3A_43, %dma_wait3A_44] : memref<2x800x64xf32, #tpu.memory_space<vmem>> -> memref<1x800x64xf32, #tpu.memory_space<vmem>>
      %dma_wait3A_46 = tpu.memref_squeeze %dma_wait3A_45 : memref<1x800x64xf32, #tpu.memory_space<vmem>> -> memref<800x64xf32, #tpu.memory_space<vmem>>
      %dma_wait3A_47 = arith.constant 0 : i32
      %dma_wait3A_48 = arith.constant 0 : i32
      %dma_wait3A_49 = tpu.memref_slice %arg3[%dma_wait3A_47, %dma_wait3A_48] : memref<1000000x64xf32, #tpu.memory_space<hbm>> -> memref<800x64xf32, #tpu.memory_space<hbm>>
      tpu.wait_dma2 semaphore(%arg11 : memref<!tpu.dma_semaphore, #tpu.memory_space<semaphore_mem>>) src(%dma_wait3A_49 : memref<800x64xf32, #tpu.memory_space<hbm>>) dst(%dma_wait3A_46 : memref<800x64xf32, #tpu.memory_space<vmem>>)
      %add3A_50 = arith.constant 2 : i32
      %add3A_51 = arith.addi %add3A_34, %add3A_50 : i32
      %lt3A = arith.constant 32 : i32
      %lt3A_52 = arith.cmpi slt, %add3A_51, %lt3A : i32
      %convert_element_type3A = arith.extui %lt3A_52 : i1 to i32
      %cond3A = arith.constant 0 : i32
      %cond3A_53 = arith.cmpi ne, %convert_element_type3A, %cond3A : i32
      scf.if %cond3A_53 {
        %add3A_492 = arith.constant 2 : i32
        %add3A_493 = arith.addi %add3A_34, %add3A_492 : i32
        %mul3A_494 = arith.constant 4 : i32
        %mul3A_495 = arith.muli %add3A_493, %mul3A_494 : i32
        %add3A_496 = arith.addi %mul3A_2, %mul3A_495 : i32
        %mul3A_497 = arith.constant 200 : i32
        %mul3A_498 = arith.muli %add3A_496, %mul3A_497 : i32
        %dma_start3A_499 = tpu.memref_slice %arg2[%mul3A_498] : memref<819200xi32, #tpu.memory_space<hbm>> -> memref<800xi32, #tpu.memory_space<hbm>>
        %dma_start3A_500 = tpu.memref_slice %arg2[%mul3A_498] : memref<819200xi32, #tpu.memory_space<hbm>> -> memref<800xi32, #tpu.memory_space<hbm>>
        tpu.enqueue_dma source(%dma_start3A_500 : memref<800xi32, #tpu.memory_space<hbm>>) target(%arg5 : memref<800xi32, #tpu.memory_space<vmem>>) target_semaphore(%arg9 : memref<!tpu.dma_semaphore, #tpu.memory_space<semaphore_mem>>)
      } else {
      }
      %broadcast_in_dim3A = arith.constant 0.000000e+00 : f32
      %broadcast_in_dim3A_54 = vector.broadcast %broadcast_in_dim3A : f32 to vector<16xf32>
      %broadcast_in_dim3A_55 = arith.constant 0.000000e+00 : f32
      %broadcast_in_dim3A_56 = vector.broadcast %broadcast_in_dim3A_55 : f32 to vector<16xf32>
      %broadcast_in_dim3A_57 = arith.constant 0.000000e+00 : f32
      %broadcast_in_dim3A_58 = vector.broadcast %broadcast_in_dim3A_57 : f32 to vector<16xf32>
      %broadcast_in_dim3A_59 = arith.constant 0.000000e+00 : f32
      %broadcast_in_dim3A_60 = vector.broadcast %broadcast_in_dim3A_59 : f32 to vector<16xf32>
      %scan3A_61 = arith.constant 0 : i32
      %scan3A_62 = arith.constant 200 : i32
      %scan3A_63 = arith.addi %scan3A_61, %scan3A_62 : i32
      %scan3A_64 = arith.constant 8 : i32
      %scan3A_65:4 = scf.for %scan3A_492 = %scan3A_61 to %scan3A_63 step %scan3A_64 iter_args(%scan3A_493 = %broadcast_in_dim3A_54, %scan3A_494 = %broadcast_in_dim3A_56, %scan3A_495 = %broadcast_in_dim3A_58, %scan3A_496 = %broadcast_in_dim3A_60) -> (vector<16xf32>, vector<16xf32>, vector<16xf32>, vector<16xf32>)  : i32 {
        %add3A_497 = arith.constant 0 : i32
        %add3A_498 = arith.addi %add3A_497, %scan3A_492 : i32
        %get3A = arith.constant 0 : i32
        %get3A_499 = arith.index_cast %get3A : i32 to index
        %get3A_500 = arith.index_cast %add3A_498 : i32 to index
        %get3A_501 = arith.constant 0 : index
        %get3A_502 = tpu.vector_load %arg7[%get3A_499, %get3A_500, %get3A_501] {strides = array<i32>} : memref<2x800x64xf32, #tpu.memory_space<vmem>>, vector<1x1x16xf32>,
        %get3A_503 = vector.shape_cast %get3A_502 : vector<1x1x16xf32> to vector<16xf32>
        %add3A_504 = arith.addf %scan3A_493, %get3A_503 : vector<16xf32>
        %add3A_505 = arith.constant 0 : i32
        %add3A_506 = arith.addi %add3A_505, %scan3A_492 : i32
        %get3A_507 = arith.constant 0 : i32
        %get3A_508 = arith.index_cast %get3A_507 : i32 to index
        %get3A_509 = arith.index_cast %add3A_506 : i32 to index
        %get3A_510 = arith.constant 16 : index
        %get3A_511 = tpu.vector_load %arg7[%get3A_508, %get3A_509, %get3A_510] {strides = array<i32>} : memref<2x800x64xf32, #tpu.memory_space<vmem>>, vector<1x1x16xf32>,
        %get3A_512 = vector.shape_cast %get3A_511 : vector<1x1x16xf32> to vector<16xf32>
        %add3A_513 = arith.addf %scan3A_494, %get3A_512 : vector<16xf32>
        %add3A_514 = arith.constant 0 : i32
        %add3A_515 = arith.addi %add3A_514, %scan3A_492 : i32
        %get3A_516 = arith.constant 0 : i32
        %get3A_517 = arith.index_cast %get3A_516 : i32 to index
        %get3A_518 = arith.index_cast %add3A_515 : i32 to index
        %get3A_519 = arith.constant 32 : index
        %get3A_520 = tpu.vector_load %arg7[%get3A_517, %get3A_518, %get3A_519] {strides = array<i32>} : memref<2x800x64xf32, #tpu.memory_space<vmem>>, vector<1x1x16xf32>,
        %get3A_521 = vector.shape_cast %get3A_520 : vector<1x1x16xf32> to vector<16xf32>
        %add3A_522 = arith.addf %scan3A_495, %get3A_521 : vector<16xf32>
        %add3A_523 = arith.constant 0 : i32
        %add3A_524 = arith.addi %add3A_523, %scan3A_492 : i32
        %get3A_525 = arith.constant 0 : i32
        %get3A_526 = arith.index_cast %get3A_525 : i32 to index
        %get3A_527 = arith.index_cast %add3A_524 : i32 to index
        %get3A_528 = arith.constant 48 : index
        %get3A_529 = tpu.vector_load %arg7[%get3A_526, %get3A_527, %get3A_528] {strides = array<i32>} : memref<2x800x64xf32, #tpu.memory_space<vmem>>, vector<1x1x16xf32>,
        %get3A_530 = vector.shape_cast %get3A_529 : vector<1x1x16xf32> to vector<16xf32>
        %add3A_531 = arith.addf %scan3A_496, %get3A_530 : vector<16xf32>
        %scan3A_532 = arith.constant 1 : i32
        %scan3A_533 = arith.addi %scan3A_492, %scan3A_532 : i32
        %add3A_534 = arith.constant 0 : i32
        %add3A_535 = arith.addi %add3A_534, %scan3A_533 : i32
        %get3A_536 = arith.constant 0 : i32
        %get3A_537 = arith.index_cast %get3A_536 : i32 to index
        %get3A_538 = arith.index_cast %add3A_535 : i32 to index
        %get3A_539 = arith.constant 0 : index
        %get3A_540 = tpu.vector_load %arg7[%get3A_537, %get3A_538, %get3A_539] {strides = array<i32>} : memref<2x800x64xf32, #tpu.memory_space<vmem>>, vector<1x1x16xf32>,
        %get3A_541 = vector.shape_cast %get3A_540 : vector<1x1x16xf32> to vector<16xf32>
        %add3A_542 = arith.addf %add3A_504, %get3A_541 : vector<16xf32>
        %add3A_543 = arith.constant 0 : i32
        %add3A_544 = arith.addi %add3A_543, %scan3A_533 : i32
        %get3A_545 = arith.constant 0 : i32
        %get3A_546 = arith.index_cast %get3A_545 : i32 to index
        %get3A_547 = arith.index_cast %add3A_544 : i32 to index
        %get3A_548 = arith.constant 16 : index
        %get3A_549 = tpu.vector_load %arg7[%get3A_546, %get3A_547, %get3A_548] {strides = array<i32>} : memref<2x800x64xf32, #tpu.memory_space<vmem>>, vector<1x1x16xf32>,
        %get3A_550 = vector.shape_cast %get3A_549 : vector<1x1x16xf32> to vector<16xf32>
        %add3A_551 = arith.addf %add3A_513, %get3A_550 : vector<16xf32>
        %add3A_552 = arith.constant 0 : i32
        %add3A_553 = arith.addi %add3A_552, %scan3A_533 : i32
        %get3A_554 = arith.constant 0 : i32
        %get3A_555 = arith.index_cast %get3A_554 : i32 to index
        %get3A_556 = arith.index_cast %add3A_553 : i32 to index
        %get3A_557 = arith.constant 32 : index
        %get3A_558 = tpu.vector_load %arg7[%get3A_555, %get3A_556, %get3A_557] {strides = array<i32>} : memref<2x800x64xf32, #tpu.memory_space<vmem>>, vector<1x1x16xf32>,
        %get3A_559 = vector.shape_cast %get3A_558 : vector<1x1x16xf32> to vector<16xf32>
        %add3A_560 = arith.addf %add3A_522, %get3A_559 : vector<16xf32>
        %add3A_561 = arith.constant 0 : i32
        %add3A_562 = arith.addi %add3A_561, %scan3A_533 : i32
        %get3A_563 = arith.constant 0 : i32
        %get3A_564 = arith.index_cast %get3A_563 : i32 to index
        %get3A_565 = arith.index_cast %add3A_562 : i32 to index
        %get3A_566 = arith.constant 48 : index
        %get3A_567 = tpu.vector_load %arg7[%get3A_564, %get3A_565, %get3A_566] {strides = array<i32>} : memref<2x800x64xf32, #tpu.memory_space<vmem>>, vector<1x1x16xf32>,
        %get3A_568 = vector.shape_cast %get3A_567 : vector<1x1x16xf32> to vector<16xf32>
        %add3A_569 = arith.addf %add3A_531, %get3A_568 : vector<16xf32>
        %scan3A_570 = arith.constant 2 : i32
        %scan3A_571 = arith.addi %scan3A_492, %scan3A_570 : i32
        %add3A_572 = arith.constant 0 : i32
        %add3A_573 = arith.addi %add3A_572, %scan3A_571 : i32
        %get3A_574 = arith.constant 0 : i32
        %get3A_575 = arith.index_cast %get3A_574 : i32 to index
        %get3A_576 = arith.index_cast %add3A_573 : i32 to index
        %get3A_577 = arith.constant 0 : index
        %get3A_578 = tpu.vector_load %arg7[%get3A_575, %get3A_576, %get3A_577] {strides = array<i32>} : memref<2x800x64xf32, #tpu.memory_space<vmem>>, vector<1x1x16xf32>,
        %get3A_579 = vector.shape_cast %get3A_578 : vector<1x1x16xf32> to vector<16xf32>
        %add3A_580 = arith.addf %add3A_542, %get3A_579 : vector<16xf32>
        %add3A_581 = arith.constant 0 : i32
        %add3A_582 = arith.addi %add3A_581, %scan3A_571 : i32
        %get3A_583 = arith.constant 0 : i32
        %get3A_584 = arith.index_cast %get3A_583 : i32 to index
        %get3A_585 = arith.index_cast %add3A_582 : i32 to index
        %get3A_586 = arith.constant 16 : index
        %get3A_587 = tpu.vector_load %arg7[%get3A_584, %get3A_585, %get3A_586] {strides = array<i32>} : memref<2x800x64xf32, #tpu.memory_space<vmem>>, vector<1x1x16xf32>,
        %get3A_588 = vector.shape_cast %get3A_587 : vector<1x1x16xf32> to vector<16xf32>
        %add3A_589 = arith.addf %add3A_551, %get3A_588 : vector<16xf32>
        %add3A_590 = arith.constant 0 : i32
        %add3A_591 = arith.addi %add3A_590, %scan3A_571 : i32
        %get3A_592 = arith.constant 0 : i32
        %get3A_593 = arith.index_cast %get3A_592 : i32 to index
        %get3A_594 = arith.index_cast %add3A_591 : i32 to index
        %get3A_595 = arith.constant 32 : index
        %get3A_596 = tpu.vector_load %arg7[%get3A_593, %get3A_594, %get3A_595] {strides = array<i32>} : memref<2x800x64xf32, #tpu.memory_space<vmem>>, vector<1x1x16xf32>,
        %get3A_597 = vector.shape_cast %get3A_596 : vector<1x1x16xf32> to vector<16xf32>
        %add3A_598 = arith.addf %add3A_560, %get3A_597 : vector<16xf32>
        %add3A_599 = arith.constant 0 : i32
        %add3A_600 = arith.addi %add3A_599, %scan3A_571 : i32
        %get3A_601 = arith.constant 0 : i32
        %get3A_602 = arith.index_cast %get3A_601 : i32 to index
        %get3A_603 = arith.index_cast %add3A_600 : i32 to index
        %get3A_604 = arith.constant 48 : index
        %get3A_605 = tpu.vector_load %arg7[%get3A_602, %get3A_603, %get3A_604] {strides = array<i32>} : memref<2x800x64xf32, #tpu.memory_space<vmem>>, vector<1x1x16xf32>,
        %get3A_606 = vector.shape_cast %get3A_605 : vector<1x1x16xf32> to vector<16xf32>
        %add3A_607 = arith.addf %add3A_569, %get3A_606 : vector<16xf32>
        %scan3A_608 = arith.constant 3 : i32
        %scan3A_609 = arith.addi %scan3A_492, %scan3A_608 : i32
        %add3A_610 = arith.constant 0 : i32
        %add3A_611 = arith.addi %add3A_610, %scan3A_609 : i32
        %get3A_612 = arith.constant 0 : i32
        %get3A_613 = arith.index_cast %get3A_612 : i32 to index
        %get3A_614 = arith.index_cast %add3A_611 : i32 to index
        %get3A_615 = arith.constant 0 : index
        %get3A_616 = tpu.vector_load %arg7[%get3A_613, %get3A_614, %get3A_615] {strides = array<i32>} : memref<2x800x64xf32, #tpu.memory_space<vmem>>, vector<1x1x16xf32>,
        %get3A_617 = vector.shape_cast %get3A_616 : vector<1x1x16xf32> to vector<16xf32>
        %add3A_618 = arith.addf %add3A_580, %get3A_617 : vector<16xf32>
        %add3A_619 = arith.constant 0 : i32
        %add3A_620 = arith.addi %add3A_619, %scan3A_609 : i32
        %get3A_621 = arith.constant 0 : i32
        %get3A_622 = arith.index_cast %get3A_621 : i32 to index
        %get3A_623 = arith.index_cast %add3A_620 : i32 to index
        %get3A_624 = arith.constant 16 : index
        %get3A_625 = tpu.vector_load %arg7[%get3A_622, %get3A_623, %get3A_624] {strides = array<i32>} : memref<2x800x64xf32, #tpu.memory_space<vmem>>, vector<1x1x16xf32>,
        %get3A_626 = vector.shape_cast %get3A_625 : vector<1x1x16xf32> to vector<16xf32>
        %add3A_627 = arith.addf %add3A_589, %get3A_626 : vector<16xf32>
        %add3A_628 = arith.constant 0 : i32
        %add3A_629 = arith.addi %add3A_628, %scan3A_609 : i32
        %get3A_630 = arith.constant 0 : i32
        %get3A_631 = arith.index_cast %get3A_630 : i32 to index
        %get3A_632 = arith.index_cast %add3A_629 : i32 to index
        %get3A_633 = arith.constant 32 : index
        %get3A_634 = tpu.vector_load %arg7[%get3A_631, %get3A_632, %get3A_633] {strides = array<i32>} : memref<2x800x64xf32, #tpu.memory_space<vmem>>, vector<1x1x16xf32>,
        %get3A_635 = vector.shape_cast %get3A_634 : vector<1x1x16xf32> to vector<16xf32>
        %add3A_636 = arith.addf %add3A_598, %get3A_635 : vector<16xf32>
        %add3A_637 = arith.constant 0 : i32
        %add3A_638 = arith.addi %add3A_637, %scan3A_609 : i32
        %get3A_639 = arith.constant 0 : i32
        %get3A_640 = arith.index_cast %get3A_639 : i32 to index
        %get3A_641 = arith.index_cast %add3A_638 : i32 to index
        %get3A_642 = arith.constant 48 : index
        %get3A_643 = tpu.vector_load %arg7[%get3A_640, %get3A_641, %get3A_642] {strides = array<i32>} : memref<2x800x64xf32, #tpu.memory_space<vmem>>, vector<1x1x16xf32>,
        %get3A_644 = vector.shape_cast %get3A_643 : vector<1x1x16xf32> to vector<16xf32>
        %add3A_645 = arith.addf %add3A_607, %get3A_644 : vector<16xf32>
        %scan3A_646 = arith.constant 4 : i32
        %scan3A_647 = arith.addi %scan3A_492, %scan3A_646 : i32
        %add3A_648 = arith.constant 0 : i32
        %add3A_649 = arith.addi %add3A_648, %scan3A_647 : i32
        %get3A_650 = arith.constant 0 : i32
        %get3A_651 = arith.index_cast %get3A_650 : i32 to index
        %get3A_652 = arith.index_cast %add3A_649 : i32 to index
        %get3A_653 = arith.constant 0 : index
        %get3A_654 = tpu.vector_load %arg7[%get3A_651, %get3A_652, %get3A_653] {strides = array<i32>} : memref<2x800x64xf32, #tpu.memory_space<vmem>>, vector<1x1x16xf32>,
        %get3A_655 = vector.shape_cast %get3A_654 : vector<1x1x16xf32> to vector<16xf32>
        %add3A_656 = arith.addf %add3A_618, %get3A_655 : vector<16xf32>
        %add3A_657 = arith.constant 0 : i32
        %add3A_658 = arith.addi %add3A_657, %scan3A_647 : i32
        %get3A_659 = arith.constant 0 : i32
        %get3A_660 = arith.index_cast %get3A_659 : i32 to index
        %get3A_661 = arith.index_cast %add3A_658 : i32 to index
        %get3A_662 = arith.constant 16 : index
        %get3A_663 = tpu.vector_load %arg7[%get3A_660, %get3A_661, %get3A_662] {strides = array<i32>} : memref<2x800x64xf32, #tpu.memory_space<vmem>>, vector<1x1x16xf32>,
        %get3A_664 = vector.shape_cast %get3A_663 : vector<1x1x16xf32> to vector<16xf32>
        %add3A_665 = arith.addf %add3A_627, %get3A_664 : vector<16xf32>
        %add3A_666 = arith.constant 0 : i32
        %add3A_667 = arith.addi %add3A_666, %scan3A_647 : i32
        %get3A_668 = arith.constant 0 : i32
        %get3A_669 = arith.index_cast %get3A_668 : i32 to index
        %get3A_670 = arith.index_cast %add3A_667 : i32 to index
        %get3A_671 = arith.constant 32 : index
        %get3A_672 = tpu.vector_load %arg7[%get3A_669, %get3A_670, %get3A_671] {strides = array<i32>} : memref<2x800x64xf32, #tpu.memory_space<vmem>>, vector<1x1x16xf32>,
        %get3A_673 = vector.shape_cast %get3A_672 : vector<1x1x16xf32> to vector<16xf32>
        %add3A_674 = arith.addf %add3A_636, %get3A_673 : vector<16xf32>
        %add3A_675 = arith.constant 0 : i32
        %add3A_676 = arith.addi %add3A_675, %scan3A_647 : i32
        %get3A_677 = arith.constant 0 : i32
        %get3A_678 = arith.index_cast %get3A_677 : i32 to index
        %get3A_679 = arith.index_cast %add3A_676 : i32 to index
        %get3A_680 = arith.constant 48 : index
        %get3A_681 = tpu.vector_load %arg7[%get3A_678, %get3A_679, %get3A_680] {strides = array<i32>} : memref<2x800x64xf32, #tpu.memory_space<vmem>>, vector<1x1x16xf32>,
        %get3A_682 = vector.shape_cast %get3A_681 : vector<1x1x16xf32> to vector<16xf32>
        %add3A_683 = arith.addf %add3A_645, %get3A_682 : vector<16xf32>
        %scan3A_684 = arith.constant 5 : i32
        %scan3A_685 = arith.addi %scan3A_492, %scan3A_684 : i32
        %add3A_686 = arith.constant 0 : i32
        %add3A_687 = arith.addi %add3A_686, %scan3A_685 : i32
        %get3A_688 = arith.constant 0 : i32
        %get3A_689 = arith.index_cast %get3A_688 : i32 to index
        %get3A_690 = arith.index_cast %add3A_687 : i32 to index
        %get3A_691 = arith.constant 0 : index
        %get3A_692 = tpu.vector_load %arg7[%get3A_689, %get3A_690, %get3A_691] {strides = array<i32>} : memref<2x800x64xf32, #tpu.memory_space<vmem>>, vector<1x1x16xf32>,
        %get3A_693 = vector.shape_cast %get3A_692 : vector<1x1x16xf32> to vector<16xf32>
        %add3A_694 = arith.addf %add3A_656, %get3A_693 : vector<16xf32>
        %add3A_695 = arith.constant 0 : i32
        %add3A_696 = arith.addi %add3A_695, %scan3A_685 : i32
        %get3A_697 = arith.constant 0 : i32
        %get3A_698 = arith.index_cast %get3A_697 : i32 to index
        %get3A_699 = arith.index_cast %add3A_696 : i32 to index
        %get3A_700 = arith.constant 16 : index
        %get3A_701 = tpu.vector_load %arg7[%get3A_698, %get3A_699, %get3A_700] {strides = array<i32>} : memref<2x800x64xf32, #tpu.memory_space<vmem>>, vector<1x1x16xf32>,
        %get3A_702 = vector.shape_cast %get3A_701 : vector<1x1x16xf32> to vector<16xf32>
        %add3A_703 = arith.addf %add3A_665, %get3A_702 : vector<16xf32>
        %add3A_704 = arith.constant 0 : i32
        %add3A_705 = arith.addi %add3A_704, %scan3A_685 : i32
        %get3A_706 = arith.constant 0 : i32
        %get3A_707 = arith.index_cast %get3A_706 : i32 to index
        %get3A_708 = arith.index_cast %add3A_705 : i32 to index
        %get3A_709 = arith.constant 32 : index
        %get3A_710 = tpu.vector_load %arg7[%get3A_707, %get3A_708, %get3A_709] {strides = array<i32>} : memref<2x800x64xf32, #tpu.memory_space<vmem>>, vector<1x1x16xf32>,
        %get3A_711 = vector.shape_cast %get3A_710 : vector<1x1x16xf32> to vector<16xf32>
        %add3A_712 = arith.addf %add3A_674, %get3A_711 : vector<16xf32>
        %add3A_713 = arith.constant 0 : i32
        %add3A_714 = arith.addi %add3A_713, %scan3A_685 : i32
        %get3A_715 = arith.constant 0 : i32
        %get3A_716 = arith.index_cast %get3A_715 : i32 to index
        %get3A_717 = arith.index_cast %add3A_714 : i32 to index
        %get3A_718 = arith.constant 48 : index
        %get3A_719 = tpu.vector_load %arg7[%get3A_716, %get3A_717, %get3A_718] {strides = array<i32>} : memref<2x800x64xf32, #tpu.memory_space<vmem>>, vector<1x1x16xf32>,
        %get3A_720 = vector.shape_cast %get3A_719 : vector<1x1x16xf32> to vector<16xf32>
        %add3A_721 = arith.addf %add3A_683, %get3A_720 : vector<16xf32>
        %scan3A_722 = arith.constant 6 : i32
        %scan3A_723 = arith.addi %scan3A_492, %scan3A_722 : i32
        %add3A_724 = arith.constant 0 : i32
        %add3A_725 = arith.addi %add3A_724, %scan3A_723 : i32
        %get3A_726 = arith.constant 0 : i32
        %get3A_727 = arith.index_cast %get3A_726 : i32 to index
        %get3A_728 = arith.index_cast %add3A_725 : i32 to index
        %get3A_729 = arith.constant 0 : index
        %get3A_730 = tpu.vector_load %arg7[%get3A_727, %get3A_728, %get3A_729] {strides = array<i32>} : memref<2x800x64xf32, #tpu.memory_space<vmem>>, vector<1x1x16xf32>,
        %get3A_731 = vector.shape_cast %get3A_730 : vector<1x1x16xf32> to vector<16xf32>
        %add3A_732 = arith.addf %add3A_694, %get3A_731 : vector<16xf32>
        %add3A_733 = arith.constant 0 : i32
        %add3A_734 = arith.addi %add3A_733, %scan3A_723 : i32
        %get3A_735 = arith.constant 0 : i32
        %get3A_736 = arith.index_cast %get3A_735 : i32 to index
        %get3A_737 = arith.index_cast %add3A_734 : i32 to index
        %get3A_738 = arith.constant 16 : index
        %get3A_739 = tpu.vector_load %arg7[%get3A_736, %get3A_737, %get3A_738] {strides = array<i32>} : memref<2x800x64xf32, #tpu.memory_space<vmem>>, vector<1x1x16xf32>,
        %get3A_740 = vector.shape_cast %get3A_739 : vector<1x1x16xf32> to vector<16xf32>
        %add3A_741 = arith.addf %add3A_703, %get3A_740 : vector<16xf32>
        %add3A_742 = arith.constant 0 : i32
        %add3A_743 = arith.addi %add3A_742, %scan3A_723 : i32
        %get3A_744 = arith.constant 0 : i32
        %get3A_745 = arith.index_cast %get3A_744 : i32 to index
        %get3A_746 = arith.index_cast %add3A_743 : i32 to index
        %get3A_747 = arith.constant 32 : index
        %get3A_748 = tpu.vector_load %arg7[%get3A_745, %get3A_746, %get3A_747] {strides = array<i32>} : memref<2x800x64xf32, #tpu.memory_space<vmem>>, vector<1x1x16xf32>,
        %get3A_749 = vector.shape_cast %get3A_748 : vector<1x1x16xf32> to vector<16xf32>
        %add3A_750 = arith.addf %add3A_712, %get3A_749 : vector<16xf32>
        %add3A_751 = arith.constant 0 : i32
        %add3A_752 = arith.addi %add3A_751, %scan3A_723 : i32
        %get3A_753 = arith.constant 0 : i32
        %get3A_754 = arith.index_cast %get3A_753 : i32 to index
        %get3A_755 = arith.index_cast %add3A_752 : i32 to index
        %get3A_756 = arith.constant 48 : index
        %get3A_757 = tpu.vector_load %arg7[%get3A_754, %get3A_755, %get3A_756] {strides = array<i32>} : memref<2x800x64xf32, #tpu.memory_space<vmem>>, vector<1x1x16xf32>,
        %get3A_758 = vector.shape_cast %get3A_757 : vector<1x1x16xf32> to vector<16xf32>
        %add3A_759 = arith.addf %add3A_721, %get3A_758 : vector<16xf32>
        %scan3A_760 = arith.constant 7 : i32
        %scan3A_761 = arith.addi %scan3A_492, %scan3A_760 : i32
        %add3A_762 = arith.constant 0 : i32
        %add3A_763 = arith.addi %add3A_762, %scan3A_761 : i32
        %get3A_764 = arith.constant 0 : i32
        %get3A_765 = arith.index_cast %get3A_764 : i32 to index
        %get3A_766 = arith.index_cast %add3A_763 : i32 to index
        %get3A_767 = arith.constant 0 : index
        %get3A_768 = tpu.vector_load %arg7[%get3A_765, %get3A_766, %get3A_767] {strides = array<i32>} : memref<2x800x64xf32, #tpu.memory_space<vmem>>, vector<1x1x16xf32>,
        %get3A_769 = vector.shape_cast %get3A_768 : vector<1x1x16xf32> to vector<16xf32>
        %add3A_770 = arith.addf %add3A_732, %get3A_769 : vector<16xf32>
        %add3A_771 = arith.constant 0 : i32
        %add3A_772 = arith.addi %add3A_771, %scan3A_761 : i32
        %get3A_773 = arith.constant 0 : i32
        %get3A_774 = arith.index_cast %get3A_773 : i32 to index
        %get3A_775 = arith.index_cast %add3A_772 : i32 to index
        %get3A_776 = arith.constant 16 : index
        %get3A_777 = tpu.vector_load %arg7[%get3A_774, %get3A_775, %get3A_776] {strides = array<i32>} : memref<2x800x64xf32, #tpu.memory_space<vmem>>, vector<1x1x16xf32>,
        %get3A_778 = vector.shape_cast %get3A_777 : vector<1x1x16xf32> to vector<16xf32>
        %add3A_779 = arith.addf %add3A_741, %get3A_778 : vector<16xf32>
        %add3A_780 = arith.constant 0 : i32
        %add3A_781 = arith.addi %add3A_780, %scan3A_761 : i32
        %get3A_782 = arith.constant 0 : i32
        %get3A_783 = arith.index_cast %get3A_782 : i32 to index
        %get3A_784 = arith.index_cast %add3A_781 : i32 to index
        %get3A_785 = arith.constant 32 : index
        %get3A_786 = tpu.vector_load %arg7[%get3A_783, %get3A_784, %get3A_785] {strides = array<i32>} : memref<2x800x64xf32, #tpu.memory_space<vmem>>, vector<1x1x16xf32>,
        %get3A_787 = vector.shape_cast %get3A_786 : vector<1x1x16xf32> to vector<16xf32>
        %add3A_788 = arith.addf %add3A_750, %get3A_787 : vector<16xf32>
        %add3A_789 = arith.constant 0 : i32
        %add3A_790 = arith.addi %add3A_789, %scan3A_761 : i32
        %get3A_791 = arith.constant 0 : i32
        %get3A_792 = arith.index_cast %get3A_791 : i32 to index
        %get3A_793 = arith.index_cast %add3A_790 : i32 to index
        %get3A_794 = arith.constant 48 : index
        %get3A_795 = tpu.vector_load %arg7[%get3A_792, %get3A_793, %get3A_794] {strides = array<i32>} : memref<2x800x64xf32, #tpu.memory_space<vmem>>, vector<1x1x16xf32>,
        %get3A_796 = vector.shape_cast %get3A_795 : vector<1x1x16xf32> to vector<16xf32>
        %add3A_797 = arith.addf %add3A_759, %get3A_796 : vector<16xf32>
        scf.yield %add3A_770, %add3A_779, %add3A_788, %add3A_797 : vector<16xf32>, vector<16xf32>, vector<16xf32>, vector<16xf32>
      }
      %scan3A_66 = arith.constant 200 : i32
      %mul3A_67 = arith.constant 4 : i32
      %mul3A_68 = arith.muli %add3A_34, %mul3A_67 : i32
      %add3A_69 = arith.constant 0 : i32
      %add3A_70 = arith.addi %mul3A_68, %add3A_69 : i32
      %mul3A_71 = arith.constant 5.000000e-03 : f32
      %mul3A_72 = vector.broadcast %mul3A_71 : f32 to vector<16xf32>
      %mul3A_73 = arith.mulf %scan3A_65#0, %mul3A_72 : vector<16xf32>
      %swap3A = arith.index_cast %add3A_70 : i32 to index
      %swap3A_74 = arith.constant 0 : index
      %swap3A_75 = tpu.vector_load %arg8[%swap3A, %swap3A_74] {strides = array<i32>} : memref<128x64xf32, #tpu.memory_space<vmem>>, vector<1x16xf32>,
      %swap3A_76 = vector.shape_cast %swap3A_75 : vector<1x16xf32> to vector<16xf32>
      %swap3A_77 = vector.shape_cast %mul3A_73 : vector<16xf32> to vector<1x16xf32>
      tpu.vector_store %arg8[%swap3A, %swap3A_74], %swap3A_77 {strides = array<i32>} : memref<128x64xf32, #tpu.memory_space<vmem>>, vector<1x16xf32>,
      %mul3A_78 = arith.constant 5.000000e-03 : f32
      %mul3A_79 = vector.broadcast %mul3A_78 : f32 to vector<16xf32>
      %mul3A_80 = arith.mulf %scan3A_65#1, %mul3A_79 : vector<16xf32>
      %swap3A_81 = arith.index_cast %add3A_70 : i32 to index
      %swap3A_82 = arith.constant 16 : index
      %swap3A_83 = tpu.vector_load %arg8[%swap3A_81, %swap3A_82] {strides = array<i32>} : memref<128x64xf32, #tpu.memory_space<vmem>>, vector<1x16xf32>,
      %swap3A_84 = vector.shape_cast %swap3A_83 : vector<1x16xf32> to vector<16xf32>
      %swap3A_85 = vector.shape_cast %mul3A_80 : vector<16xf32> to vector<1x16xf32>
      tpu.vector_store %arg8[%swap3A_81, %swap3A_82], %swap3A_85 {strides = array<i32>} : memref<128x64xf32, #tpu.memory_space<vmem>>, vector<1x16xf32>,
      %mul3A_86 = arith.constant 5.000000e-03 : f32
      %mul3A_87 = vector.broadcast %mul3A_86 : f32 to vector<16xf32>
      %mul3A_88 = arith.mulf %scan3A_65#2, %mul3A_87 : vector<16xf32>
      %swap3A_89 = arith.index_cast %add3A_70 : i32 to index
      %swap3A_90 = arith.constant 32 : index
      %swap3A_91 = tpu.vector_load %arg8[%swap3A_89, %swap3A_90] {strides = array<i32>} : memref<128x64xf32, #tpu.memory_space<vmem>>, vector<1x16xf32>,
      %swap3A_92 = vector.shape_cast %swap3A_91 : vector<1x16xf32> to vector<16xf32>
      %swap3A_93 = vector.shape_cast %mul3A_88 : vector<16xf32> to vector<1x16xf32>
      tpu.vector_store %arg8[%swap3A_89, %swap3A_90], %swap3A_93 {strides = array<i32>} : memref<128x64xf32, #tpu.memory_space<vmem>>, vector<1x16xf32>,
      %mul3A_94 = arith.constant 5.000000e-03 : f32
      %mul3A_95 = vector.broadcast %mul3A_94 : f32 to vector<16xf32>
      %mul3A_96 = arith.mulf %scan3A_65#3, %mul3A_95 : vector<16xf32>
      %swap3A_97 = arith.index_cast %add3A_70 : i32 to index
      %swap3A_98 = arith.constant 48 : index
      %swap3A_99 = tpu.vector_load %arg8[%swap3A_97, %swap3A_98] {strides = array<i32>} : memref<128x64xf32, #tpu.memory_space<vmem>>, vector<1x16xf32>,
      %swap3A_100 = vector.shape_cast %swap3A_99 : vector<1x16xf32> to vector<16xf32>
      %swap3A_101 = vector.shape_cast %mul3A_96 : vector<16xf32> to vector<1x16xf32>
      tpu.vector_store %arg8[%swap3A_97, %swap3A_98], %swap3A_101 {strides = array<i32>} : memref<128x64xf32, #tpu.memory_space<vmem>>, vector<1x16xf32>,
      %broadcast_in_dim3A_102 = arith.constant 0.000000e+00 : f32
      %broadcast_in_dim3A_103 = vector.broadcast %broadcast_in_dim3A_102 : f32 to vector<16xf32>
      %broadcast_in_dim3A_104 = arith.constant 0.000000e+00 : f32
      %broadcast_in_dim3A_105 = vector.broadcast %broadcast_in_dim3A_104 : f32 to vector<16xf32>
      %broadcast_in_dim3A_106 = arith.constant 0.000000e+00 : f32
      %broadcast_in_dim3A_107 = vector.broadcast %broadcast_in_dim3A_106 : f32 to vector<16xf32>
      %broadcast_in_dim3A_108 = arith.constant 0.000000e+00 : f32
      %broadcast_in_dim3A_109 = vector.broadcast %broadcast_in_dim3A_108 : f32 to vector<16xf32>
      %scan3A_110 = arith.constant 0 : i32
      %scan3A_111 = arith.constant 200 : i32
      %scan3A_112 = arith.addi %scan3A_110, %scan3A_111 : i32
      %scan3A_113 = arith.constant 8 : i32
      %scan3A_114:4 = scf.for %scan3A_492 = %scan3A_110 to %scan3A_112 step %scan3A_113 iter_args(%scan3A_493 = %broadcast_in_dim3A_103, %scan3A_494 = %broadcast_in_dim3A_105, %scan3A_495 = %broadcast_in_dim3A_107, %scan3A_496 = %broadcast_in_dim3A_109) -> (vector<16xf32>, vector<16xf32>, vector<16xf32>, vector<16xf32>)  : i32 {
        %add3A_497 = arith.constant 200 : i32
        %add3A_498 = arith.addi %add3A_497, %scan3A_492 : i32
        %get3A = arith.constant 0 : i32
        %get3A_499 = arith.index_cast %get3A : i32 to index
        %get3A_500 = arith.index_cast %add3A_498 : i32 to index
        %get3A_501 = arith.constant 0 : index
        %get3A_502 = tpu.vector_load %arg7[%get3A_499, %get3A_500, %get3A_501] {strides = array<i32>} : memref<2x800x64xf32, #tpu.memory_space<vmem>>, vector<1x1x16xf32>,
        %get3A_503 = vector.shape_cast %get3A_502 : vector<1x1x16xf32> to vector<16xf32>
        %add3A_504 = arith.addf %scan3A_493, %get3A_503 : vector<16xf32>
        %add3A_505 = arith.constant 200 : i32
        %add3A_506 = arith.addi %add3A_505, %scan3A_492 : i32
        %get3A_507 = arith.constant 0 : i32
        %get3A_508 = arith.index_cast %get3A_507 : i32 to index
        %get3A_509 = arith.index_cast %add3A_506 : i32 to index
        %get3A_510 = arith.constant 16 : index
        %get3A_511 = tpu.vector_load %arg7[%get3A_508, %get3A_509, %get3A_510] {strides = array<i32>} : memref<2x800x64xf32, #tpu.memory_space<vmem>>, vector<1x1x16xf32>,
        %get3A_512 = vector.shape_cast %get3A_511 : vector<1x1x16xf32> to vector<16xf32>
        %add3A_513 = arith.addf %scan3A_494, %get3A_512 : vector<16xf32>
        %add3A_514 = arith.constant 200 : i32
        %add3A_515 = arith.addi %add3A_514, %scan3A_492 : i32
        %get3A_516 = arith.constant 0 : i32
        %get3A_517 = arith.index_cast %get3A_516 : i32 to index
        %get3A_518 = arith.index_cast %add3A_515 : i32 to index
        %get3A_519 = arith.constant 32 : index
        %get3A_520 = tpu.vector_load %arg7[%get3A_517, %get3A_518, %get3A_519] {strides = array<i32>} : memref<2x800x64xf32, #tpu.memory_space<vmem>>, vector<1x1x16xf32>,
        %get3A_521 = vector.shape_cast %get3A_520 : vector<1x1x16xf32> to vector<16xf32>
        %add3A_522 = arith.addf %scan3A_495, %get3A_521 : vector<16xf32>
        %add3A_523 = arith.constant 200 : i32
        %add3A_524 = arith.addi %add3A_523, %scan3A_492 : i32
        %get3A_525 = arith.constant 0 : i32
        %get3A_526 = arith.index_cast %get3A_525 : i32 to index
        %get3A_527 = arith.index_cast %add3A_524 : i32 to index
        %get3A_528 = arith.constant 48 : index
        %get3A_529 = tpu.vector_load %arg7[%get3A_526, %get3A_527, %get3A_528] {strides = array<i32>} : memref<2x800x64xf32, #tpu.memory_space<vmem>>, vector<1x1x16xf32>,
        %get3A_530 = vector.shape_cast %get3A_529 : vector<1x1x16xf32> to vector<16xf32>
        %add3A_531 = arith.addf %scan3A_496, %get3A_530 : vector<16xf32>
        %scan3A_532 = arith.constant 1 : i32
        %scan3A_533 = arith.addi %scan3A_492, %scan3A_532 : i32
        %add3A_534 = arith.constant 200 : i32
        %add3A_535 = arith.addi %add3A_534, %scan3A_533 : i32
        %get3A_536 = arith.constant 0 : i32
        %get3A_537 = arith.index_cast %get3A_536 : i32 to index
        %get3A_538 = arith.index_cast %add3A_535 : i32 to index
        %get3A_539 = arith.constant 0 : index
        %get3A_540 = tpu.vector_load %arg7[%get3A_537, %get3A_538, %get3A_539] {strides = array<i32>} : memref<2x800x64xf32, #tpu.memory_space<vmem>>, vector<1x1x16xf32>,
        %get3A_541 = vector.shape_cast %get3A_540 : vector<1x1x16xf32> to vector<16xf32>
        %add3A_542 = arith.addf %add3A_504, %get3A_541 : vector<16xf32>
        %add3A_543 = arith.constant 200 : i32
        %add3A_544 = arith.addi %add3A_543, %scan3A_533 : i32
        %get3A_545 = arith.constant 0 : i32
        %get3A_546 = arith.index_cast %get3A_545 : i32 to index
        %get3A_547 = arith.index_cast %add3A_544 : i32 to index
        %get3A_548 = arith.constant 16 : index
        %get3A_549 = tpu.vector_load %arg7[%get3A_546, %get3A_547, %get3A_548] {strides = array<i32>} : memref<2x800x64xf32, #tpu.memory_space<vmem>>, vector<1x1x16xf32>,
        %get3A_550 = vector.shape_cast %get3A_549 : vector<1x1x16xf32> to vector<16xf32>
        %add3A_551 = arith.addf %add3A_513, %get3A_550 : vector<16xf32>
        %add3A_552 = arith.constant 200 : i32
        %add3A_553 = arith.addi %add3A_552, %scan3A_533 : i32
        %get3A_554 = arith.constant 0 : i32
        %get3A_555 = arith.index_cast %get3A_554 : i32 to index
        %get3A_556 = arith.index_cast %add3A_553 : i32 to index
        %get3A_557 = arith.constant 32 : index
        %get3A_558 = tpu.vector_load %arg7[%get3A_555, %get3A_556, %get3A_557] {strides = array<i32>} : memref<2x800x64xf32, #tpu.memory_space<vmem>>, vector<1x1x16xf32>,
        %get3A_559 = vector.shape_cast %get3A_558 : vector<1x1x16xf32> to vector<16xf32>
        %add3A_560 = arith.addf %add3A_522, %get3A_559 : vector<16xf32>
        %add3A_561 = arith.constant 200 : i32
        %add3A_562 = arith.addi %add3A_561, %scan3A_533 : i32
        %get3A_563 = arith.constant 0 : i32
        %get3A_564 = arith.index_cast %get3A_563 : i32 to index
        %get3A_565 = arith.index_cast %add3A_562 : i32 to index
        %get3A_566 = arith.constant 48 : index
        %get3A_567 = tpu.vector_load %arg7[%get3A_564, %get3A_565, %get3A_566] {strides = array<i32>} : memref<2x800x64xf32, #tpu.memory_space<vmem>>, vector<1x1x16xf32>,
        %get3A_568 = vector.shape_cast %get3A_567 : vector<1x1x16xf32> to vector<16xf32>
        %add3A_569 = arith.addf %add3A_531, %get3A_568 : vector<16xf32>
        %scan3A_570 = arith.constant 2 : i32
        %scan3A_571 = arith.addi %scan3A_492, %scan3A_570 : i32
        %add3A_572 = arith.constant 200 : i32
        %add3A_573 = arith.addi %add3A_572, %scan3A_571 : i32
        %get3A_574 = arith.constant 0 : i32
        %get3A_575 = arith.index_cast %get3A_574 : i32 to index
        %get3A_576 = arith.index_cast %add3A_573 : i32 to index
        %get3A_577 = arith.constant 0 : index
        %get3A_578 = tpu.vector_load %arg7[%get3A_575, %get3A_576, %get3A_577] {strides = array<i32>} : memref<2x800x64xf32, #tpu.memory_space<vmem>>, vector<1x1x16xf32>,
        %get3A_579 = vector.shape_cast %get3A_578 : vector<1x1x16xf32> to vector<16xf32>
        %add3A_580 = arith.addf %add3A_542, %get3A_579 : vector<16xf32>
        %add3A_581 = arith.constant 200 : i32
        %add3A_582 = arith.addi %add3A_581, %scan3A_571 : i32
        %get3A_583 = arith.constant 0 : i32
        %get3A_584 = arith.index_cast %get3A_583 : i32 to index
        %get3A_585 = arith.index_cast %add3A_582 : i32 to index
        %get3A_586 = arith.constant 16 : index
        %get3A_587 = tpu.vector_load %arg7[%get3A_584, %get3A_585, %get3A_586] {strides = array<i32>} : memref<2x800x64xf32, #tpu.memory_space<vmem>>, vector<1x1x16xf32>,
        %get3A_588 = vector.shape_cast %get3A_587 : vector<1x1x16xf32> to vector<16xf32>
        %add3A_589 = arith.addf %add3A_551, %get3A_588 : vector<16xf32>
        %add3A_590 = arith.constant 200 : i32
        %add3A_591 = arith.addi %add3A_590, %scan3A_571 : i32
        %get3A_592 = arith.constant 0 : i32
        %get3A_593 = arith.index_cast %get3A_592 : i32 to index
        %get3A_594 = arith.index_cast %add3A_591 : i32 to index
        %get3A_595 = arith.constant 32 : index
        %get3A_596 = tpu.vector_load %arg7[%get3A_593, %get3A_594, %get3A_595] {strides = array<i32>} : memref<2x800x64xf32, #tpu.memory_space<vmem>>, vector<1x1x16xf32>,
        %get3A_597 = vector.shape_cast %get3A_596 : vector<1x1x16xf32> to vector<16xf32>
        %add3A_598 = arith.addf %add3A_560, %get3A_597 : vector<16xf32>
        %add3A_599 = arith.constant 200 : i32
        %add3A_600 = arith.addi %add3A_599, %scan3A_571 : i32
        %get3A_601 = arith.constant 0 : i32
        %get3A_602 = arith.index_cast %get3A_601 : i32 to index
        %get3A_603 = arith.index_cast %add3A_600 : i32 to index
        %get3A_604 = arith.constant 48 : index
        %get3A_605 = tpu.vector_load %arg7[%get3A_602, %get3A_603, %get3A_604] {strides = array<i32>} : memref<2x800x64xf32, #tpu.memory_space<vmem>>, vector<1x1x16xf32>,
        %get3A_606 = vector.shape_cast %get3A_605 : vector<1x1x16xf32> to vector<16xf32>
        %add3A_607 = arith.addf %add3A_569, %get3A_606 : vector<16xf32>
        %scan3A_608 = arith.constant 3 : i32
        %scan3A_609 = arith.addi %scan3A_492, %scan3A_608 : i32
        %add3A_610 = arith.constant 200 : i32
        %add3A_611 = arith.addi %add3A_610, %scan3A_609 : i32
        %get3A_612 = arith.constant 0 : i32
        %get3A_613 = arith.index_cast %get3A_612 : i32 to index
        %get3A_614 = arith.index_cast %add3A_611 : i32 to index
        %get3A_615 = arith.constant 0 : index
        %get3A_616 = tpu.vector_load %arg7[%get3A_613, %get3A_614, %get3A_615] {strides = array<i32>} : memref<2x800x64xf32, #tpu.memory_space<vmem>>, vector<1x1x16xf32>,
        %get3A_617 = vector.shape_cast %get3A_616 : vector<1x1x16xf32> to vector<16xf32>
        %add3A_618 = arith.addf %add3A_580, %get3A_617 : vector<16xf32>
        %add3A_619 = arith.constant 200 : i32
        %add3A_620 = arith.addi %add3A_619, %scan3A_609 : i32
        %get3A_621 = arith.constant 0 : i32
        %get3A_622 = arith.index_cast %get3A_621 : i32 to index
        %get3A_623 = arith.index_cast %add3A_620 : i32 to index
        %get3A_624 = arith.constant 16 : index
        %get3A_625 = tpu.vector_load %arg7[%get3A_622, %get3A_623, %get3A_624] {strides = array<i32>} : memref<2x800x64xf32, #tpu.memory_space<vmem>>, vector<1x1x16xf32>,
        %get3A_626 = vector.shape_cast %get3A_625 : vector<1x1x16xf32> to vector<16xf32>
        %add3A_627 = arith.addf %add3A_589, %get3A_626 : vector<16xf32>
        %add3A_628 = arith.constant 200 : i32
        %add3A_629 = arith.addi %add3A_628, %scan3A_609 : i32
        %get3A_630 = arith.constant 0 : i32
        %get3A_631 = arith.index_cast %get3A_630 : i32 to index
        %get3A_632 = arith.index_cast %add3A_629 : i32 to index
        %get3A_633 = arith.constant 32 : index
        %get3A_634 = tpu.vector_load %arg7[%get3A_631, %get3A_632, %get3A_633] {strides = array<i32>} : memref<2x800x64xf32, #tpu.memory_space<vmem>>, vector<1x1x16xf32>,
        %get3A_635 = vector.shape_cast %get3A_634 : vector<1x1x16xf32> to vector<16xf32>
        %add3A_636 = arith.addf %add3A_598, %get3A_635 : vector<16xf32>
        %add3A_637 = arith.constant 200 : i32
        %add3A_638 = arith.addi %add3A_637, %scan3A_609 : i32
        %get3A_639 = arith.constant 0 : i32
        %get3A_640 = arith.index_cast %get3A_639 : i32 to index
        %get3A_641 = arith.index_cast %add3A_638 : i32 to index
        %get3A_642 = arith.constant 48 : index
        %get3A_643 = tpu.vector_load %arg7[%get3A_640, %get3A_641, %get3A_642] {strides = array<i32>} : memref<2x800x64xf32, #tpu.memory_space<vmem>>, vector<1x1x16xf32>,
        %get3A_644 = vector.shape_cast %get3A_643 : vector<1x1x16xf32> to vector<16xf32>
        %add3A_645 = arith.addf %add3A_607, %get3A_644 : vector<16xf32>
        %scan3A_646 = arith.constant 4 : i32
        %scan3A_647 = arith.addi %scan3A_492, %scan3A_646 : i32
        %add3A_648 = arith.constant 200 : i32
        %add3A_649 = arith.addi %add3A_648, %scan3A_647 : i32
        %get3A_650 = arith.constant 0 : i32
        %get3A_651 = arith.index_cast %get3A_650 : i32 to index
        %get3A_652 = arith.index_cast %add3A_649 : i32 to index
        %get3A_653 = arith.constant 0 : index
        %get3A_654 = tpu.vector_load %arg7[%get3A_651, %get3A_652, %get3A_653] {strides = array<i32>} : memref<2x800x64xf32, #tpu.memory_space<vmem>>, vector<1x1x16xf32>,
        %get3A_655 = vector.shape_cast %get3A_654 : vector<1x1x16xf32> to vector<16xf32>
        %add3A_656 = arith.addf %add3A_618, %get3A_655 : vector<16xf32>
        %add3A_657 = arith.constant 200 : i32
        %add3A_658 = arith.addi %add3A_657, %scan3A_647 : i32
        %get3A_659 = arith.constant 0 : i32
        %get3A_660 = arith.index_cast %get3A_659 : i32 to index
        %get3A_661 = arith.index_cast %add3A_658 : i32 to index
        %get3A_662 = arith.constant 16 : index
        %get3A_663 = tpu.vector_load %arg7[%get3A_660, %get3A_661, %get3A_662] {strides = array<i32>} : memref<2x800x64xf32, #tpu.memory_space<vmem>>, vector<1x1x16xf32>,
        %get3A_664 = vector.shape_cast %get3A_663 : vector<1x1x16xf32> to vector<16xf32>
        %add3A_665 = arith.addf %add3A_627, %get3A_664 : vector<16xf32>
        %add3A_666 = arith.constant 200 : i32
        %add3A_667 = arith.addi %add3A_666, %scan3A_647 : i32
        %get3A_668 = arith.constant 0 : i32
        %get3A_669 = arith.index_cast %get3A_668 : i32 to index
        %get3A_670 = arith.index_cast %add3A_667 : i32 to index
        %get3A_671 = arith.constant 32 : index
        %get3A_672 = tpu.vector_load %arg7[%get3A_669, %get3A_670, %get3A_671] {strides = array<i32>} : memref<2x800x64xf32, #tpu.memory_space<vmem>>, vector<1x1x16xf32>,
        %get3A_673 = vector.shape_cast %get3A_672 : vector<1x1x16xf32> to vector<16xf32>
        %add3A_674 = arith.addf %add3A_636, %get3A_673 : vector<16xf32>
        %add3A_675 = arith.constant 200 : i32
        %add3A_676 = arith.addi %add3A_675, %scan3A_647 : i32
        %get3A_677 = arith.constant 0 : i32
        %get3A_678 = arith.index_cast %get3A_677 : i32 to index
        %get3A_679 = arith.index_cast %add3A_676 : i32 to index
        %get3A_680 = arith.constant 48 : index
        %get3A_681 = tpu.vector_load %arg7[%get3A_678, %get3A_679, %get3A_680] {strides = array<i32>} : memref<2x800x64xf32, #tpu.memory_space<vmem>>, vector<1x1x16xf32>,
        %get3A_682 = vector.shape_cast %get3A_681 : vector<1x1x16xf32> to vector<16xf32>
        %add3A_683 = arith.addf %add3A_645, %get3A_682 : vector<16xf32>
        %scan3A_684 = arith.constant 5 : i32
        %scan3A_685 = arith.addi %scan3A_492, %scan3A_684 : i32
        %add3A_686 = arith.constant 200 : i32
        %add3A_687 = arith.addi %add3A_686, %scan3A_685 : i32
        %get3A_688 = arith.constant 0 : i32
        %get3A_689 = arith.index_cast %get3A_688 : i32 to index
        %get3A_690 = arith.index_cast %add3A_687 : i32 to index
        %get3A_691 = arith.constant 0 : index
        %get3A_692 = tpu.vector_load %arg7[%get3A_689, %get3A_690, %get3A_691] {strides = array<i32>} : memref<2x800x64xf32, #tpu.memory_space<vmem>>, vector<1x1x16xf32>,
        %get3A_693 = vector.shape_cast %get3A_692 : vector<1x1x16xf32> to vector<16xf32>
        %add3A_694 = arith.addf %add3A_656, %get3A_693 : vector<16xf32>
        %add3A_695 = arith.constant 200 : i32
        %add3A_696 = arith.addi %add3A_695, %scan3A_685 : i32
        %get3A_697 = arith.constant 0 : i32
        %get3A_698 = arith.index_cast %get3A_697 : i32 to index
        %get3A_699 = arith.index_cast %add3A_696 : i32 to index
        %get3A_700 = arith.constant 16 : index
        %get3A_701 = tpu.vector_load %arg7[%get3A_698, %get3A_699, %get3A_700] {strides = array<i32>} : memref<2x800x64xf32, #tpu.memory_space<vmem>>, vector<1x1x16xf32>,
        %get3A_702 = vector.shape_cast %get3A_701 : vector<1x1x16xf32> to vector<16xf32>
        %add3A_703 = arith.addf %add3A_665, %get3A_702 : vector<16xf32>
        %add3A_704 = arith.constant 200 : i32
        %add3A_705 = arith.addi %add3A_704, %scan3A_685 : i32
        %get3A_706 = arith.constant 0 : i32
        %get3A_707 = arith.index_cast %get3A_706 : i32 to index
        %get3A_708 = arith.index_cast %add3A_705 : i32 to index
        %get3A_709 = arith.constant 32 : index
        %get3A_710 = tpu.vector_load %arg7[%get3A_707, %get3A_708, %get3A_709] {strides = array<i32>} : memref<2x800x64xf32, #tpu.memory_space<vmem>>, vector<1x1x16xf32>,
        %get3A_711 = vector.shape_cast %get3A_710 : vector<1x1x16xf32> to vector<16xf32>
        %add3A_712 = arith.addf %add3A_674, %get3A_711 : vector<16xf32>
        %add3A_713 = arith.constant 200 : i32
        %add3A_714 = arith.addi %add3A_713, %scan3A_685 : i32
        %get3A_715 = arith.constant 0 : i32
        %get3A_716 = arith.index_cast %get3A_715 : i32 to index
        %get3A_717 = arith.index_cast %add3A_714 : i32 to index
        %get3A_718 = arith.constant 48 : index
        %get3A_719 = tpu.vector_load %arg7[%get3A_716, %get3A_717, %get3A_718] {strides = array<i32>} : memref<2x800x64xf32, #tpu.memory_space<vmem>>, vector<1x1x16xf32>,
        %get3A_720 = vector.shape_cast %get3A_719 : vector<1x1x16xf32> to vector<16xf32>
        %add3A_721 = arith.addf %add3A_683, %get3A_720 : vector<16xf32>
        %scan3A_722 = arith.constant 6 : i32
        %scan3A_723 = arith.addi %scan3A_492, %scan3A_722 : i32
        %add3A_724 = arith.constant 200 : i32
        %add3A_725 = arith.addi %add3A_724, %scan3A_723 : i32
        %get3A_726 = arith.constant 0 : i32
        %get3A_727 = arith.index_cast %get3A_726 : i32 to index
        %get3A_728 = arith.index_cast %add3A_725 : i32 to index
        %get3A_729 = arith.constant 0 : index
        %get3A_730 = tpu.vector_load %arg7[%get3A_727, %get3A_728, %get3A_729] {strides = array<i32>} : memref<2x800x64xf32, #tpu.memory_space<vmem>>, vector<1x1x16xf32>,
        %get3A_731 = vector.shape_cast %get3A_730 : vector<1x1x16xf32> to vector<16xf32>
        %add3A_732 = arith.addf %add3A_694, %get3A_731 : vector<16xf32>
        %add3A_733 = arith.constant 200 : i32
        %add3A_734 = arith.addi %add3A_733, %scan3A_723 : i32
        %get3A_735 = arith.constant 0 : i32
        %get3A_736 = arith.index_cast %get3A_735 : i32 to index
        %get3A_737 = arith.index_cast %add3A_734 : i32 to index
        %get3A_738 = arith.constant 16 : index
        %get3A_739 = tpu.vector_load %arg7[%get3A_736, %get3A_737, %get3A_738] {strides = array<i32>} : memref<2x800x64xf32, #tpu.memory_space<vmem>>, vector<1x1x16xf32>,
        %get3A_740 = vector.shape_cast %get3A_739 : vector<1x1x16xf32> to vector<16xf32>
        %add3A_741 = arith.addf %add3A_703, %get3A_740 : vector<16xf32>
        %add3A_742 = arith.constant 200 : i32
        %add3A_743 = arith.addi %add3A_742, %scan3A_723 : i32
        %get3A_744 = arith.constant 0 : i32
        %get3A_745 = arith.index_cast %get3A_744 : i32 to index
        %get3A_746 = arith.index_cast %add3A_743 : i32 to index
        %get3A_747 = arith.constant 32 : index
        %get3A_748 = tpu.vector_load %arg7[%get3A_745, %get3A_746, %get3A_747] {strides = array<i32>} : memref<2x800x64xf32, #tpu.memory_space<vmem>>, vector<1x1x16xf32>,
        %get3A_749 = vector.shape_cast %get3A_748 : vector<1x1x16xf32> to vector<16xf32>
        %add3A_750 = arith.addf %add3A_712, %get3A_749 : vector<16xf32>
        %add3A_751 = arith.constant 200 : i32
        %add3A_752 = arith.addi %add3A_751, %scan3A_723 : i32
        %get3A_753 = arith.constant 0 : i32
        %get3A_754 = arith.index_cast %get3A_753 : i32 to index
        %get3A_755 = arith.index_cast %add3A_752 : i32 to index
        %get3A_756 = arith.constant 48 : index
        %get3A_757 = tpu.vector_load %arg7[%get3A_754, %get3A_755, %get3A_756] {strides = array<i32>} : memref<2x800x64xf32, #tpu.memory_space<vmem>>, vector<1x1x16xf32>,
        %get3A_758 = vector.shape_cast %get3A_757 : vector<1x1x16xf32> to vector<16xf32>
        %add3A_759 = arith.addf %add3A_721, %get3A_758 : vector<16xf32>
        %scan3A_760 = arith.constant 7 : i32
        %scan3A_761 = arith.addi %scan3A_492, %scan3A_760 : i32
        %add3A_762 = arith.constant 200 : i32
        %add3A_763 = arith.addi %add3A_762, %scan3A_761 : i32
        %get3A_764 = arith.constant 0 : i32
        %get3A_765 = arith.index_cast %get3A_764 : i32 to index
        %get3A_766 = arith.index_cast %add3A_763 : i32 to index
        %get3A_767 = arith.constant 0 : index
        %get3A_768 = tpu.vector_load %arg7[%get3A_765, %get3A_766, %get3A_767] {strides = array<i32>} : memref<2x800x64xf32, #tpu.memory_space<vmem>>, vector<1x1x16xf32>,
        %get3A_769 = vector.shape_cast %get3A_768 : vector<1x1x16xf32> to vector<16xf32>
        %add3A_770 = arith.addf %add3A_732, %get3A_769 : vector<16xf32>
        %add3A_771 = arith.constant 200 : i32
        %add3A_772 = arith.addi %add3A_771, %scan3A_761 : i32
        %get3A_773 = arith.constant 0 : i32
        %get3A_774 = arith.index_cast %get3A_773 : i32 to index
        %get3A_775 = arith.index_cast %add3A_772 : i32 to index
        %get3A_776 = arith.constant 16 : index
        %get3A_777 = tpu.vector_load %arg7[%get3A_774, %get3A_775, %get3A_776] {strides = array<i32>} : memref<2x800x64xf32, #tpu.memory_space<vmem>>, vector<1x1x16xf32>,
        %get3A_778 = vector.shape_cast %get3A_777 : vector<1x1x16xf32> to vector<16xf32>
        %add3A_779 = arith.addf %add3A_741, %get3A_778 : vector<16xf32>
        %add3A_780 = arith.constant 200 : i32
        %add3A_781 = arith.addi %add3A_780, %scan3A_761 : i32
        %get3A_782 = arith.constant 0 : i32
        %get3A_783 = arith.index_cast %get3A_782 : i32 to index
        %get3A_784 = arith.index_cast %add3A_781 : i32 to index
        %get3A_785 = arith.constant 32 : index
        %get3A_786 = tpu.vector_load %arg7[%get3A_783, %get3A_784, %get3A_785] {strides = array<i32>} : memref<2x800x64xf32, #tpu.memory_space<vmem>>, vector<1x1x16xf32>,
        %get3A_787 = vector.shape_cast %get3A_786 : vector<1x1x16xf32> to vector<16xf32>
        %add3A_788 = arith.addf %add3A_750, %get3A_787 : vector<16xf32>
        %add3A_789 = arith.constant 200 : i32
        %add3A_790 = arith.addi %add3A_789, %scan3A_761 : i32
        %get3A_791 = arith.constant 0 : i32
        %get3A_792 = arith.index_cast %get3A_791 : i32 to index
        %get3A_793 = arith.index_cast %add3A_790 : i32 to index
        %get3A_794 = arith.constant 48 : index
        %get3A_795 = tpu.vector_load %arg7[%get3A_792, %get3A_793, %get3A_794] {strides = array<i32>} : memref<2x800x64xf32, #tpu.memory_space<vmem>>, vector<1x1x16xf32>,
        %get3A_796 = vector.shape_cast %get3A_795 : vector<1x1x16xf32> to vector<16xf32>
        %add3A_797 = arith.addf %add3A_759, %get3A_796 : vector<16xf32>
        scf.yield %add3A_770, %add3A_779, %add3A_788, %add3A_797 : vector<16xf32>, vector<16xf32>, vector<16xf32>, vector<16xf32>
      }
      %scan3A_115 = arith.constant 200 : i32
      %mul3A_116 = arith.constant 4 : i32
      %mul3A_117 = arith.muli %add3A_34, %mul3A_116 : i32
      %add3A_118 = arith.constant 1 : i32
      %add3A_119 = arith.addi %mul3A_117, %add3A_118 : i32
      %mul3A_120 = arith.constant 5.000000e-03 : f32
      %mul3A_121 = vector.broadcast %mul3A_120 : f32 to vector<16xf32>
      %mul3A_122 = arith.mulf %scan3A_114#0, %mul3A_121 : vector<16xf32>
      %swap3A_123 = arith.index_cast %add3A_119 : i32 to index
      %swap3A_124 = arith.constant 0 : index
      %swap3A_125 = tpu.vector_load %arg8[%swap3A_123, %swap3A_124] {strides = array<i32>} : memref<128x64xf32, #tpu.memory_space<vmem>>, vector<1x16xf32>,
      %swap3A_126 = vector.shape_cast %swap3A_125 : vector<1x16xf32> to vector<16xf32>
      %swap3A_127 = vector.shape_cast %mul3A_122 : vector<16xf32> to vector<1x16xf32>
      tpu.vector_store %arg8[%swap3A_123, %swap3A_124], %swap3A_127 {strides = array<i32>} : memref<128x64xf32, #tpu.memory_space<vmem>>, vector<1x16xf32>,
      %mul3A_128 = arith.constant 5.000000e-03 : f32
      %mul3A_129 = vector.broadcast %mul3A_128 : f32 to vector<16xf32>
      %mul3A_130 = arith.mulf %scan3A_114#1, %mul3A_129 : vector<16xf32>
      %swap3A_131 = arith.index_cast %add3A_119 : i32 to index
      %swap3A_132 = arith.constant 16 : index
      %swap3A_133 = tpu.vector_load %arg8[%swap3A_131, %swap3A_132] {strides = array<i32>} : memref<128x64xf32, #tpu.memory_space<vmem>>, vector<1x16xf32>,
      %swap3A_134 = vector.shape_cast %swap3A_133 : vector<1x16xf32> to vector<16xf32>
      %swap3A_135 = vector.shape_cast %mul3A_130 : vector<16xf32> to vector<1x16xf32>
      tpu.vector_store %arg8[%swap3A_131, %swap3A_132], %swap3A_135 {strides = array<i32>} : memref<128x64xf32, #tpu.memory_space<vmem>>, vector<1x16xf32>,
      %mul3A_136 = arith.constant 5.000000e-03 : f32
      %mul3A_137 = vector.broadcast %mul3A_136 : f32 to vector<16xf32>
      %mul3A_138 = arith.mulf %scan3A_114#2, %mul3A_137 : vector<16xf32>
      %swap3A_139 = arith.index_cast %add3A_119 : i32 to index
      %swap3A_140 = arith.constant 32 : index
      %swap3A_141 = tpu.vector_load %arg8[%swap3A_139, %swap3A_140] {strides = array<i32>} : memref<128x64xf32, #tpu.memory_space<vmem>>, vector<1x16xf32>,
      %swap3A_142 = vector.shape_cast %swap3A_141 : vector<1x16xf32> to vector<16xf32>
      %swap3A_143 = vector.shape_cast %mul3A_138 : vector<16xf32> to vector<1x16xf32>
      tpu.vector_store %arg8[%swap3A_139, %swap3A_140], %swap3A_143 {strides = array<i32>} : memref<128x64xf32, #tpu.memory_space<vmem>>, vector<1x16xf32>,
      %mul3A_144 = arith.constant 5.000000e-03 : f32
      %mul3A_145 = vector.broadcast %mul3A_144 : f32 to vector<16xf32>
      %mul3A_146 = arith.mulf %scan3A_114#3, %mul3A_145 : vector<16xf32>
      %swap3A_147 = arith.index_cast %add3A_119 : i32 to index
      %swap3A_148 = arith.constant 48 : index
      %swap3A_149 = tpu.vector_load %arg8[%swap3A_147, %swap3A_148] {strides = array<i32>} : memref<128x64xf32, #tpu.memory_space<vmem>>, vector<1x16xf32>,
      %swap3A_150 = vector.shape_cast %swap3A_149 : vector<1x16xf32> to vector<16xf32>
      %swap3A_151 = vector.shape_cast %mul3A_146 : vector<16xf32> to vector<1x16xf32>
      tpu.vector_store %arg8[%swap3A_147, %swap3A_148], %swap3A_151 {strides = array<i32>} : memref<128x64xf32, #tpu.memory_space<vmem>>, vector<1x16xf32>,
      %broadcast_in_dim3A_152 = arith.constant 0.000000e+00 : f32
      %broadcast_in_dim3A_153 = vector.broadcast %broadcast_in_dim3A_152 : f32 to vector<16xf32>
      %broadcast_in_dim3A_154 = arith.constant 0.000000e+00 : f32
      %broadcast_in_dim3A_155 = vector.broadcast %broadcast_in_dim3A_154 : f32 to vector<16xf32>
      %broadcast_in_dim3A_156 = arith.constant 0.000000e+00 : f32
      %broadcast_in_dim3A_157 = vector.broadcast %broadcast_in_dim3A_156 : f32 to vector<16xf32>
      %broadcast_in_dim3A_158 = arith.constant 0.000000e+00 : f32
      %broadcast_in_dim3A_159 = vector.broadcast %broadcast_in_dim3A_158 : f32 to vector<16xf32>
      %scan3A_160 = arith.constant 0 : i32
      %scan3A_161 = arith.constant 200 : i32
      %scan3A_162 = arith.addi %scan3A_160, %scan3A_161 : i32
      %scan3A_163 = arith.constant 8 : i32
      %scan3A_164:4 = scf.for %scan3A_492 = %scan3A_160 to %scan3A_162 step %scan3A_163 iter_args(%scan3A_493 = %broadcast_in_dim3A_153, %scan3A_494 = %broadcast_in_dim3A_155, %scan3A_495 = %broadcast_in_dim3A_157, %scan3A_496 = %broadcast_in_dim3A_159) -> (vector<16xf32>, vector<16xf32>, vector<16xf32>, vector<16xf32>)  : i32 {
        %add3A_497 = arith.constant 400 : i32
        %add3A_498 = arith.addi %add3A_497, %scan3A_492 : i32
        %get3A = arith.constant 0 : i32
        %get3A_499 = arith.index_cast %get3A : i32 to index
        %get3A_500 = arith.index_cast %add3A_498 : i32 to index
        %get3A_501 = arith.constant 0 : index
        %get3A_502 = tpu.vector_load %arg7[%get3A_499, %get3A_500, %get3A_501] {strides = array<i32>} : memref<2x800x64xf32, #tpu.memory_space<vmem>>, vector<1x1x16xf32>,
        %get3A_503 = vector.shape_cast %get3A_502 : vector<1x1x16xf32> to vector<16xf32>
        %add3A_504 = arith.addf %scan3A_493, %get3A_503 : vector<16xf32>
        %add3A_505 = arith.constant 400 : i32
        %add3A_506 = arith.addi %add3A_505, %scan3A_492 : i32
        %get3A_507 = arith.constant 0 : i32
        %get3A_508 = arith.index_cast %get3A_507 : i32 to index
        %get3A_509 = arith.index_cast %add3A_506 : i32 to index
        %get3A_510 = arith.constant 16 : index
        %get3A_511 = tpu.vector_load %arg7[%get3A_508, %get3A_509, %get3A_510] {strides = array<i32>} : memref<2x800x64xf32, #tpu.memory_space<vmem>>, vector<1x1x16xf32>,
        %get3A_512 = vector.shape_cast %get3A_511 : vector<1x1x16xf32> to vector<16xf32>
        %add3A_513 = arith.addf %scan3A_494, %get3A_512 : vector<16xf32>
        %add3A_514 = arith.constant 400 : i32
        %add3A_515 = arith.addi %add3A_514, %scan3A_492 : i32
        %get3A_516 = arith.constant 0 : i32
        %get3A_517 = arith.index_cast %get3A_516 : i32 to index
        %get3A_518 = arith.index_cast %add3A_515 : i32 to index
        %get3A_519 = arith.constant 32 : index
        %get3A_520 = tpu.vector_load %arg7[%get3A_517, %get3A_518, %get3A_519] {strides = array<i32>} : memref<2x800x64xf32, #tpu.memory_space<vmem>>, vector<1x1x16xf32>,
        %get3A_521 = vector.shape_cast %get3A_520 : vector<1x1x16xf32> to vector<16xf32>
        %add3A_522 = arith.addf %scan3A_495, %get3A_521 : vector<16xf32>
        %add3A_523 = arith.constant 400 : i32
        %add3A_524 = arith.addi %add3A_523, %scan3A_492 : i32
        %get3A_525 = arith.constant 0 : i32
        %get3A_526 = arith.index_cast %get3A_525 : i32 to index
        %get3A_527 = arith.index_cast %add3A_524 : i32 to index
        %get3A_528 = arith.constant 48 : index
        %get3A_529 = tpu.vector_load %arg7[%get3A_526, %get3A_527, %get3A_528] {strides = array<i32>} : memref<2x800x64xf32, #tpu.memory_space<vmem>>, vector<1x1x16xf32>,
        %get3A_530 = vector.shape_cast %get3A_529 : vector<1x1x16xf32> to vector<16xf32>
        %add3A_531 = arith.addf %scan3A_496, %get3A_530 : vector<16xf32>
        %scan3A_532 = arith.constant 1 : i32
        %scan3A_533 = arith.addi %scan3A_492, %scan3A_532 : i32
        %add3A_534 = arith.constant 400 : i32
        %add3A_535 = arith.addi %add3A_534, %scan3A_533 : i32
        %get3A_536 = arith.constant 0 : i32
        %get3A_537 = arith.index_cast %get3A_536 : i32 to index
        %get3A_538 = arith.index_cast %add3A_535 : i32 to index
        %get3A_539 = arith.constant 0 : index
        %get3A_540 = tpu.vector_load %arg7[%get3A_537, %get3A_538, %get3A_539] {strides = array<i32>} : memref<2x800x64xf32, #tpu.memory_space<vmem>>, vector<1x1x16xf32>,
        %get3A_541 = vector.shape_cast %get3A_540 : vector<1x1x16xf32> to vector<16xf32>
        %add3A_542 = arith.addf %add3A_504, %get3A_541 : vector<16xf32>
        %add3A_543 = arith.constant 400 : i32
        %add3A_544 = arith.addi %add3A_543, %scan3A_533 : i32
        %get3A_545 = arith.constant 0 : i32
        %get3A_546 = arith.index_cast %get3A_545 : i32 to index
        %get3A_547 = arith.index_cast %add3A_544 : i32 to index
        %get3A_548 = arith.constant 16 : index
        %get3A_549 = tpu.vector_load %arg7[%get3A_546, %get3A_547, %get3A_548] {strides = array<i32>} : memref<2x800x64xf32, #tpu.memory_space<vmem>>, vector<1x1x16xf32>,
        %get3A_550 = vector.shape_cast %get3A_549 : vector<1x1x16xf32> to vector<16xf32>
        %add3A_551 = arith.addf %add3A_513, %get3A_550 : vector<16xf32>
        %add3A_552 = arith.constant 400 : i32
        %add3A_553 = arith.addi %add3A_552, %scan3A_533 : i32
        %get3A_554 = arith.constant 0 : i32
        %get3A_555 = arith.index_cast %get3A_554 : i32 to index
        %get3A_556 = arith.index_cast %add3A_553 : i32 to index
        %get3A_557 = arith.constant 32 : index
        %get3A_558 = tpu.vector_load %arg7[%get3A_555, %get3A_556, %get3A_557] {strides = array<i32>} : memref<2x800x64xf32, #tpu.memory_space<vmem>>, vector<1x1x16xf32>,
        %get3A_559 = vector.shape_cast %get3A_558 : vector<1x1x16xf32> to vector<16xf32>
        %add3A_560 = arith.addf %add3A_522, %get3A_559 : vector<16xf32>
        %add3A_561 = arith.constant 400 : i32
        %add3A_562 = arith.addi %add3A_561, %scan3A_533 : i32
        %get3A_563 = arith.constant 0 : i32
        %get3A_564 = arith.index_cast %get3A_563 : i32 to index
        %get3A_565 = arith.index_cast %add3A_562 : i32 to index
        %get3A_566 = arith.constant 48 : index
        %get3A_567 = tpu.vector_load %arg7[%get3A_564, %get3A_565, %get3A_566] {strides = array<i32>} : memref<2x800x64xf32, #tpu.memory_space<vmem>>, vector<1x1x16xf32>,
        %get3A_568 = vector.shape_cast %get3A_567 : vector<1x1x16xf32> to vector<16xf32>
        %add3A_569 = arith.addf %add3A_531, %get3A_568 : vector<16xf32>
        %scan3A_570 = arith.constant 2 : i32
        %scan3A_571 = arith.addi %scan3A_492, %scan3A_570 : i32
        %add3A_572 = arith.constant 400 : i32
        %add3A_573 = arith.addi %add3A_572, %scan3A_571 : i32
        %get3A_574 = arith.constant 0 : i32
        %get3A_575 = arith.index_cast %get3A_574 : i32 to index
        %get3A_576 = arith.index_cast %add3A_573 : i32 to index
        %get3A_577 = arith.constant 0 : index
        %get3A_578 = tpu.vector_load %arg7[%get3A_575, %get3A_576, %get3A_577] {strides = array<i32>} : memref<2x800x64xf32, #tpu.memory_space<vmem>>, vector<1x1x16xf32>,
        %get3A_579 = vector.shape_cast %get3A_578 : vector<1x1x16xf32> to vector<16xf32>
        %add3A_580 = arith.addf %add3A_542, %get3A_579 : vector<16xf32>
        %add3A_581 = arith.constant 400 : i32
        %add3A_582 = arith.addi %add3A_581, %scan3A_571 : i32
        %get3A_583 = arith.constant 0 : i32
        %get3A_584 = arith.index_cast %get3A_583 : i32 to index
        %get3A_585 = arith.index_cast %add3A_582 : i32 to index
        %get3A_586 = arith.constant 16 : index
        %get3A_587 = tpu.vector_load %arg7[%get3A_584, %get3A_585, %get3A_586] {strides = array<i32>} : memref<2x800x64xf32, #tpu.memory_space<vmem>>, vector<1x1x16xf32>,
        %get3A_588 = vector.shape_cast %get3A_587 : vector<1x1x16xf32> to vector<16xf32>
        %add3A_589 = arith.addf %add3A_551, %get3A_588 : vector<16xf32>
        %add3A_590 = arith.constant 400 : i32
        %add3A_591 = arith.addi %add3A_590, %scan3A_571 : i32
        %get3A_592 = arith.constant 0 : i32
        %get3A_593 = arith.index_cast %get3A_592 : i32 to index
        %get3A_594 = arith.index_cast %add3A_591 : i32 to index
        %get3A_595 = arith.constant 32 : index
        %get3A_596 = tpu.vector_load %arg7[%get3A_593, %get3A_594, %get3A_595] {strides = array<i32>} : memref<2x800x64xf32, #tpu.memory_space<vmem>>, vector<1x1x16xf32>,
        %get3A_597 = vector.shape_cast %get3A_596 : vector<1x1x16xf32> to vector<16xf32>
        %add3A_598 = arith.addf %add3A_560, %get3A_597 : vector<16xf32>
        %add3A_599 = arith.constant 400 : i32
        %add3A_600 = arith.addi %add3A_599, %scan3A_571 : i32
        %get3A_601 = arith.constant 0 : i32
        %get3A_602 = arith.index_cast %get3A_601 : i32 to index
        %get3A_603 = arith.index_cast %add3A_600 : i32 to index
        %get3A_604 = arith.constant 48 : index
        %get3A_605 = tpu.vector_load %arg7[%get3A_602, %get3A_603, %get3A_604] {strides = array<i32>} : memref<2x800x64xf32, #tpu.memory_space<vmem>>, vector<1x1x16xf32>,
        %get3A_606 = vector.shape_cast %get3A_605 : vector<1x1x16xf32> to vector<16xf32>
        %add3A_607 = arith.addf %add3A_569, %get3A_606 : vector<16xf32>
        %scan3A_608 = arith.constant 3 : i32
        %scan3A_609 = arith.addi %scan3A_492, %scan3A_608 : i32
        %add3A_610 = arith.constant 400 : i32
        %add3A_611 = arith.addi %add3A_610, %scan3A_609 : i32
        %get3A_612 = arith.constant 0 : i32
        %get3A_613 = arith.index_cast %get3A_612 : i32 to index
        %get3A_614 = arith.index_cast %add3A_611 : i32 to index
        %get3A_615 = arith.constant 0 : index
        %get3A_616 = tpu.vector_load %arg7[%get3A_613, %get3A_614, %get3A_615] {strides = array<i32>} : memref<2x800x64xf32, #tpu.memory_space<vmem>>, vector<1x1x16xf32>,
        %get3A_617 = vector.shape_cast %get3A_616 : vector<1x1x16xf32> to vector<16xf32>
        %add3A_618 = arith.addf %add3A_580, %get3A_617 : vector<16xf32>
        %add3A_619 = arith.constant 400 : i32
        %add3A_620 = arith.addi %add3A_619, %scan3A_609 : i32
        %get3A_621 = arith.constant 0 : i32
        %get3A_622 = arith.index_cast %get3A_621 : i32 to index
        %get3A_623 = arith.index_cast %add3A_620 : i32 to index
        %get3A_624 = arith.constant 16 : index
        %get3A_625 = tpu.vector_load %arg7[%get3A_622, %get3A_623, %get3A_624] {strides = array<i32>} : memref<2x800x64xf32, #tpu.memory_space<vmem>>, vector<1x1x16xf32>,
        %get3A_626 = vector.shape_cast %get3A_625 : vector<1x1x16xf32> to vector<16xf32>
        %add3A_627 = arith.addf %add3A_589, %get3A_626 : vector<16xf32>
        %add3A_628 = arith.constant 400 : i32
        %add3A_629 = arith.addi %add3A_628, %scan3A_609 : i32
        %get3A_630 = arith.constant 0 : i32
        %get3A_631 = arith.index_cast %get3A_630 : i32 to index
        %get3A_632 = arith.index_cast %add3A_629 : i32 to index
        %get3A_633 = arith.constant 32 : index
        %get3A_634 = tpu.vector_load %arg7[%get3A_631, %get3A_632, %get3A_633] {strides = array<i32>} : memref<2x800x64xf32, #tpu.memory_space<vmem>>, vector<1x1x16xf32>,
        %get3A_635 = vector.shape_cast %get3A_634 : vector<1x1x16xf32> to vector<16xf32>
        %add3A_636 = arith.addf %add3A_598, %get3A_635 : vector<16xf32>
        %add3A_637 = arith.constant 400 : i32
        %add3A_638 = arith.addi %add3A_637, %scan3A_609 : i32
        %get3A_639 = arith.constant 0 : i32
        %get3A_640 = arith.index_cast %get3A_639 : i32 to index
        %get3A_641 = arith.index_cast %add3A_638 : i32 to index
        %get3A_642 = arith.constant 48 : index
        %get3A_643 = tpu.vector_load %arg7[%get3A_640, %get3A_641, %get3A_642] {strides = array<i32>} : memref<2x800x64xf32, #tpu.memory_space<vmem>>, vector<1x1x16xf32>,
        %get3A_644 = vector.shape_cast %get3A_643 : vector<1x1x16xf32> to vector<16xf32>
        %add3A_645 = arith.addf %add3A_607, %get3A_644 : vector<16xf32>
        %scan3A_646 = arith.constant 4 : i32
        %scan3A_647 = arith.addi %scan3A_492, %scan3A_646 : i32
        %add3A_648 = arith.constant 400 : i32
        %add3A_649 = arith.addi %add3A_648, %scan3A_647 : i32
        %get3A_650 = arith.constant 0 : i32
        %get3A_651 = arith.index_cast %get3A_650 : i32 to index
        %get3A_652 = arith.index_cast %add3A_649 : i32 to index
        %get3A_653 = arith.constant 0 : index
        %get3A_654 = tpu.vector_load %arg7[%get3A_651, %get3A_652, %get3A_653] {strides = array<i32>} : memref<2x800x64xf32, #tpu.memory_space<vmem>>, vector<1x1x16xf32>,
        %get3A_655 = vector.shape_cast %get3A_654 : vector<1x1x16xf32> to vector<16xf32>
        %add3A_656 = arith.addf %add3A_618, %get3A_655 : vector<16xf32>
        %add3A_657 = arith.constant 400 : i32
        %add3A_658 = arith.addi %add3A_657, %scan3A_647 : i32
        %get3A_659 = arith.constant 0 : i32
        %get3A_660 = arith.index_cast %get3A_659 : i32 to index
        %get3A_661 = arith.index_cast %add3A_658 : i32 to index
        %get3A_662 = arith.constant 16 : index
        %get3A_663 = tpu.vector_load %arg7[%get3A_660, %get3A_661, %get3A_662] {strides = array<i32>} : memref<2x800x64xf32, #tpu.memory_space<vmem>>, vector<1x1x16xf32>,
        %get3A_664 = vector.shape_cast %get3A_663 : vector<1x1x16xf32> to vector<16xf32>
        %add3A_665 = arith.addf %add3A_627, %get3A_664 : vector<16xf32>
        %add3A_666 = arith.constant 400 : i32
        %add3A_667 = arith.addi %add3A_666, %scan3A_647 : i32
        %get3A_668 = arith.constant 0 : i32
        %get3A_669 = arith.index_cast %get3A_668 : i32 to index
        %get3A_670 = arith.index_cast %add3A_667 : i32 to index
        %get3A_671 = arith.constant 32 : index
        %get3A_672 = tpu.vector_load %arg7[%get3A_669, %get3A_670, %get3A_671] {strides = array<i32>} : memref<2x800x64xf32, #tpu.memory_space<vmem>>, vector<1x1x16xf32>,
        %get3A_673 = vector.shape_cast %get3A_672 : vector<1x1x16xf32> to vector<16xf32>
        %add3A_674 = arith.addf %add3A_636, %get3A_673 : vector<16xf32>
        %add3A_675 = arith.constant 400 : i32
        %add3A_676 = arith.addi %add3A_675, %scan3A_647 : i32
        %get3A_677 = arith.constant 0 : i32
        %get3A_678 = arith.index_cast %get3A_677 : i32 to index
        %get3A_679 = arith.index_cast %add3A_676 : i32 to index
        %get3A_680 = arith.constant 48 : index
        %get3A_681 = tpu.vector_load %arg7[%get3A_678, %get3A_679, %get3A_680] {strides = array<i32>} : memref<2x800x64xf32, #tpu.memory_space<vmem>>, vector<1x1x16xf32>,
        %get3A_682 = vector.shape_cast %get3A_681 : vector<1x1x16xf32> to vector<16xf32>
        %add3A_683 = arith.addf %add3A_645, %get3A_682 : vector<16xf32>
        %scan3A_684 = arith.constant 5 : i32
        %scan3A_685 = arith.addi %scan3A_492, %scan3A_684 : i32
        %add3A_686 = arith.constant 400 : i32
        %add3A_687 = arith.addi %add3A_686, %scan3A_685 : i32
        %get3A_688 = arith.constant 0 : i32
        %get3A_689 = arith.index_cast %get3A_688 : i32 to index
        %get3A_690 = arith.index_cast %add3A_687 : i32 to index
        %get3A_691 = arith.constant 0 : index
        %get3A_692 = tpu.vector_load %arg7[%get3A_689, %get3A_690, %get3A_691] {strides = array<i32>} : memref<2x800x64xf32, #tpu.memory_space<vmem>>, vector<1x1x16xf32>,
        %get3A_693 = vector.shape_cast %get3A_692 : vector<1x1x16xf32> to vector<16xf32>
        %add3A_694 = arith.addf %add3A_656, %get3A_693 : vector<16xf32>
        %add3A_695 = arith.constant 400 : i32
        %add3A_696 = arith.addi %add3A_695, %scan3A_685 : i32
        %get3A_697 = arith.constant 0 : i32
        %get3A_698 = arith.index_cast %get3A_697 : i32 to index
        %get3A_699 = arith.index_cast %add3A_696 : i32 to index
        %get3A_700 = arith.constant 16 : index
        %get3A_701 = tpu.vector_load %arg7[%get3A_698, %get3A_699, %get3A_700] {strides = array<i32>} : memref<2x800x64xf32, #tpu.memory_space<vmem>>, vector<1x1x16xf32>,
        %get3A_702 = vector.shape_cast %get3A_701 : vector<1x1x16xf32> to vector<16xf32>
        %add3A_703 = arith.addf %add3A_665, %get3A_702 : vector<16xf32>
        %add3A_704 = arith.constant 400 : i32
        %add3A_705 = arith.addi %add3A_704, %scan3A_685 : i32
        %get3A_706 = arith.constant 0 : i32
        %get3A_707 = arith.index_cast %get3A_706 : i32 to index
        %get3A_708 = arith.index_cast %add3A_705 : i32 to index
        %get3A_709 = arith.constant 32 : index
        %get3A_710 = tpu.vector_load %arg7[%get3A_707, %get3A_708, %get3A_709] {strides = array<i32>} : memref<2x800x64xf32, #tpu.memory_space<vmem>>, vector<1x1x16xf32>,
        %get3A_711 = vector.shape_cast %get3A_710 : vector<1x1x16xf32> to vector<16xf32>
        %add3A_712 = arith.addf %add3A_674, %get3A_711 : vector<16xf32>
        %add3A_713 = arith.constant 400 : i32
        %add3A_714 = arith.addi %add3A_713, %scan3A_685 : i32
        %get3A_715 = arith.constant 0 : i32
        %get3A_716 = arith.index_cast %get3A_715 : i32 to index
        %get3A_717 = arith.index_cast %add3A_714 : i32 to index
        %get3A_718 = arith.constant 48 : index
        %get3A_719 = tpu.vector_load %arg7[%get3A_716, %get3A_717, %get3A_718] {strides = array<i32>} : memref<2x800x64xf32, #tpu.memory_space<vmem>>, vector<1x1x16xf32>,
        %get3A_720 = vector.shape_cast %get3A_719 : vector<1x1x16xf32> to vector<16xf32>
        %add3A_721 = arith.addf %add3A_683, %get3A_720 : vector<16xf32>
        %scan3A_722 = arith.constant 6 : i32
        %scan3A_723 = arith.addi %scan3A_492, %scan3A_722 : i32
        %add3A_724 = arith.constant 400 : i32
        %add3A_725 = arith.addi %add3A_724, %scan3A_723 : i32
        %get3A_726 = arith.constant 0 : i32
        %get3A_727 = arith.index_cast %get3A_726 : i32 to index
        %get3A_728 = arith.index_cast %add3A_725 : i32 to index
        %get3A_729 = arith.constant 0 : index
        %get3A_730 = tpu.vector_load %arg7[%get3A_727, %get3A_728, %get3A_729] {strides = array<i32>} : memref<2x800x64xf32, #tpu.memory_space<vmem>>, vector<1x1x16xf32>,
        %get3A_731 = vector.shape_cast %get3A_730 : vector<1x1x16xf32> to vector<16xf32>
        %add3A_732 = arith.addf %add3A_694, %get3A_731 : vector<16xf32>
        %add3A_733 = arith.constant 400 : i32
        %add3A_734 = arith.addi %add3A_733, %scan3A_723 : i32
        %get3A_735 = arith.constant 0 : i32
        %get3A_736 = arith.index_cast %get3A_735 : i32 to index
        %get3A_737 = arith.index_cast %add3A_734 : i32 to index
        %get3A_738 = arith.constant 16 : index
        %get3A_739 = tpu.vector_load %arg7[%get3A_736, %get3A_737, %get3A_738] {strides = array<i32>} : memref<2x800x64xf32, #tpu.memory_space<vmem>>, vector<1x1x16xf32>,
        %get3A_740 = vector.shape_cast %get3A_739 : vector<1x1x16xf32> to vector<16xf32>
        %add3A_741 = arith.addf %add3A_703, %get3A_740 : vector<16xf32>
        %add3A_742 = arith.constant 400 : i32
        %add3A_743 = arith.addi %add3A_742, %scan3A_723 : i32
        %get3A_744 = arith.constant 0 : i32
        %get3A_745 = arith.index_cast %get3A_744 : i32 to index
        %get3A_746 = arith.index_cast %add3A_743 : i32 to index
        %get3A_747 = arith.constant 32 : index
        %get3A_748 = tpu.vector_load %arg7[%get3A_745, %get3A_746, %get3A_747] {strides = array<i32>} : memref<2x800x64xf32, #tpu.memory_space<vmem>>, vector<1x1x16xf32>,
        %get3A_749 = vector.shape_cast %get3A_748 : vector<1x1x16xf32> to vector<16xf32>
        %add3A_750 = arith.addf %add3A_712, %get3A_749 : vector<16xf32>
        %add3A_751 = arith.constant 400 : i32
        %add3A_752 = arith.addi %add3A_751, %scan3A_723 : i32
        %get3A_753 = arith.constant 0 : i32
        %get3A_754 = arith.index_cast %get3A_753 : i32 to index
        %get3A_755 = arith.index_cast %add3A_752 : i32 to index
        %get3A_756 = arith.constant 48 : index
        %get3A_757 = tpu.vector_load %arg7[%get3A_754, %get3A_755, %get3A_756] {strides = array<i32>} : memref<2x800x64xf32, #tpu.memory_space<vmem>>, vector<1x1x16xf32>,
        %get3A_758 = vector.shape_cast %get3A_757 : vector<1x1x16xf32> to vector<16xf32>
        %add3A_759 = arith.addf %add3A_721, %get3A_758 : vector<16xf32>
        %scan3A_760 = arith.constant 7 : i32
        %scan3A_761 = arith.addi %scan3A_492, %scan3A_760 : i32
        %add3A_762 = arith.constant 400 : i32
        %add3A_763 = arith.addi %add3A_762, %scan3A_761 : i32
        %get3A_764 = arith.constant 0 : i32
        %get3A_765 = arith.index_cast %get3A_764 : i32 to index
        %get3A_766 = arith.index_cast %add3A_763 : i32 to index
        %get3A_767 = arith.constant 0 : index
        %get3A_768 = tpu.vector_load %arg7[%get3A_765, %get3A_766, %get3A_767] {strides = array<i32>} : memref<2x800x64xf32, #tpu.memory_space<vmem>>, vector<1x1x16xf32>,
        %get3A_769 = vector.shape_cast %get3A_768 : vector<1x1x16xf32> to vector<16xf32>
        %add3A_770 = arith.addf %add3A_732, %get3A_769 : vector<16xf32>
        %add3A_771 = arith.constant 400 : i32
        %add3A_772 = arith.addi %add3A_771, %scan3A_761 : i32
        %get3A_773 = arith.constant 0 : i32
        %get3A_774 = arith.index_cast %get3A_773 : i32 to index
        %get3A_775 = arith.index_cast %add3A_772 : i32 to index
        %get3A_776 = arith.constant 16 : index
        %get3A_777 = tpu.vector_load %arg7[%get3A_774, %get3A_775, %get3A_776] {strides = array<i32>} : memref<2x800x64xf32, #tpu.memory_space<vmem>>, vector<1x1x16xf32>,
        %get3A_778 = vector.shape_cast %get3A_777 : vector<1x1x16xf32> to vector<16xf32>
        %add3A_779 = arith.addf %add3A_741, %get3A_778 : vector<16xf32>
        %add3A_780 = arith.constant 400 : i32
        %add3A_781 = arith.addi %add3A_780, %scan3A_761 : i32
        %get3A_782 = arith.constant 0 : i32
        %get3A_783 = arith.index_cast %get3A_782 : i32 to index
        %get3A_784 = arith.index_cast %add3A_781 : i32 to index
        %get3A_785 = arith.constant 32 : index
        %get3A_786 = tpu.vector_load %arg7[%get3A_783, %get3A_784, %get3A_785] {strides = array<i32>} : memref<2x800x64xf32, #tpu.memory_space<vmem>>, vector<1x1x16xf32>,
        %get3A_787 = vector.shape_cast %get3A_786 : vector<1x1x16xf32> to vector<16xf32>
        %add3A_788 = arith.addf %add3A_750, %get3A_787 : vector<16xf32>
        %add3A_789 = arith.constant 400 : i32
        %add3A_790 = arith.addi %add3A_789, %scan3A_761 : i32
        %get3A_791 = arith.constant 0 : i32
        %get3A_792 = arith.index_cast %get3A_791 : i32 to index
        %get3A_793 = arith.index_cast %add3A_790 : i32 to index
        %get3A_794 = arith.constant 48 : index
        %get3A_795 = tpu.vector_load %arg7[%get3A_792, %get3A_793, %get3A_794] {strides = array<i32>} : memref<2x800x64xf32, #tpu.memory_space<vmem>>, vector<1x1x16xf32>,
        %get3A_796 = vector.shape_cast %get3A_795 : vector<1x1x16xf32> to vector<16xf32>
        %add3A_797 = arith.addf %add3A_759, %get3A_796 : vector<16xf32>
        scf.yield %add3A_770, %add3A_779, %add3A_788, %add3A_797 : vector<16xf32>, vector<16xf32>, vector<16xf32>, vector<16xf32>
      }
      %scan3A_165 = arith.constant 200 : i32
      %mul3A_166 = arith.constant 4 : i32
      %mul3A_167 = arith.muli %add3A_34, %mul3A_166 : i32
      %add3A_168 = arith.constant 2 : i32
      %add3A_169 = arith.addi %mul3A_167, %add3A_168 : i32
      %mul3A_170 = arith.constant 5.000000e-03 : f32
      %mul3A_171 = vector.broadcast %mul3A_170 : f32 to vector<16xf32>
      %mul3A_172 = arith.mulf %scan3A_164#0, %mul3A_171 : vector<16xf32>
      %swap3A_173 = arith.index_cast %add3A_169 : i32 to index
      %swap3A_174 = arith.constant 0 : index
      %swap3A_175 = tpu.vector_load %arg8[%swap3A_173, %swap3A_174] {strides = array<i32>} : memref<128x64xf32, #tpu.memory_space<vmem>>, vector<1x16xf32>,
      %swap3A_176 = vector.shape_cast %swap3A_175 : vector<1x16xf32> to vector<16xf32>
      %swap3A_177 = vector.shape_cast %mul3A_172 : vector<16xf32> to vector<1x16xf32>
      tpu.vector_store %arg8[%swap3A_173, %swap3A_174], %swap3A_177 {strides = array<i32>} : memref<128x64xf32, #tpu.memory_space<vmem>>, vector<1x16xf32>,
      %mul3A_178 = arith.constant 5.000000e-03 : f32
      %mul3A_179 = vector.broadcast %mul3A_178 : f32 to vector<16xf32>
      %mul3A_180 = arith.mulf %scan3A_164#1, %mul3A_179 : vector<16xf32>
      %swap3A_181 = arith.index_cast %add3A_169 : i32 to index
      %swap3A_182 = arith.constant 16 : index
      %swap3A_183 = tpu.vector_load %arg8[%swap3A_181, %swap3A_182] {strides = array<i32>} : memref<128x64xf32, #tpu.memory_space<vmem>>, vector<1x16xf32>,
      %swap3A_184 = vector.shape_cast %swap3A_183 : vector<1x16xf32> to vector<16xf32>
      %swap3A_185 = vector.shape_cast %mul3A_180 : vector<16xf32> to vector<1x16xf32>
      tpu.vector_store %arg8[%swap3A_181, %swap3A_182], %swap3A_185 {strides = array<i32>} : memref<128x64xf32, #tpu.memory_space<vmem>>, vector<1x16xf32>,
      %mul3A_186 = arith.constant 5.000000e-03 : f32
      %mul3A_187 = vector.broadcast %mul3A_186 : f32 to vector<16xf32>
      %mul3A_188 = arith.mulf %scan3A_164#2, %mul3A_187 : vector<16xf32>
      %swap3A_189 = arith.index_cast %add3A_169 : i32 to index
      %swap3A_190 = arith.constant 32 : index
      %swap3A_191 = tpu.vector_load %arg8[%swap3A_189, %swap3A_190] {strides = array<i32>} : memref<128x64xf32, #tpu.memory_space<vmem>>, vector<1x16xf32>,
      %swap3A_192 = vector.shape_cast %swap3A_191 : vector<1x16xf32> to vector<16xf32>
      %swap3A_193 = vector.shape_cast %mul3A_188 : vector<16xf32> to vector<1x16xf32>
      tpu.vector_store %arg8[%swap3A_189, %swap3A_190], %swap3A_193 {strides = array<i32>} : memref<128x64xf32, #tpu.memory_space<vmem>>, vector<1x16xf32>,
      %mul3A_194 = arith.constant 5.000000e-03 : f32
      %mul3A_195 = vector.broadcast %mul3A_194 : f32 to vector<16xf32>
      %mul3A_196 = arith.mulf %scan3A_164#3, %mul3A_195 : vector<16xf32>
      %swap3A_197 = arith.index_cast %add3A_169 : i32 to index
      %swap3A_198 = arith.constant 48 : index
      %swap3A_199 = tpu.vector_load %arg8[%swap3A_197, %swap3A_198] {strides = array<i32>} : memref<128x64xf32, #tpu.memory_space<vmem>>, vector<1x16xf32>,
      %swap3A_200 = vector.shape_cast %swap3A_199 : vector<1x16xf32> to vector<16xf32>
      %swap3A_201 = vector.shape_cast %mul3A_196 : vector<16xf32> to vector<1x16xf32>
      tpu.vector_store %arg8[%swap3A_197, %swap3A_198], %swap3A_201 {strides = array<i32>} : memref<128x64xf32, #tpu.memory_space<vmem>>, vector<1x16xf32>,
      %broadcast_in_dim3A_202 = arith.constant 0.000000e+00 : f32
      %broadcast_in_dim3A_203 = vector.broadcast %broadcast_in_dim3A_202 : f32 to vector<16xf32>
      %broadcast_in_dim3A_204 = arith.constant 0.000000e+00 : f32
      %broadcast_in_dim3A_205 = vector.broadcast %broadcast_in_dim3A_204 : f32 to vector<16xf32>
      %broadcast_in_dim3A_206 = arith.constant 0.000000e+00 : f32
      %broadcast_in_dim3A_207 = vector.broadcast %broadcast_in_dim3A_206 : f32 to vector<16xf32>
      %broadcast_in_dim3A_208 = arith.constant 0.000000e+00 : f32
      %broadcast_in_dim3A_209 = vector.broadcast %broadcast_in_dim3A_208 : f32 to vector<16xf32>
      %scan3A_210 = arith.constant 0 : i32
      %scan3A_211 = arith.constant 200 : i32
      %scan3A_212 = arith.addi %scan3A_210, %scan3A_211 : i32
      %scan3A_213 = arith.constant 8 : i32
      %scan3A_214:4 = scf.for %scan3A_492 = %scan3A_210 to %scan3A_212 step %scan3A_213 iter_args(%scan3A_493 = %broadcast_in_dim3A_203, %scan3A_494 = %broadcast_in_dim3A_205, %scan3A_495 = %broadcast_in_dim3A_207, %scan3A_496 = %broadcast_in_dim3A_209) -> (vector<16xf32>, vector<16xf32>, vector<16xf32>, vector<16xf32>)  : i32 {
        %add3A_497 = arith.constant 600 : i32
        %add3A_498 = arith.addi %add3A_497, %scan3A_492 : i32
        %get3A = arith.constant 0 : i32
        %get3A_499 = arith.index_cast %get3A : i32 to index
        %get3A_500 = arith.index_cast %add3A_498 : i32 to index
        %get3A_501 = arith.constant 0 : index
        %get3A_502 = tpu.vector_load %arg7[%get3A_499, %get3A_500, %get3A_501] {strides = array<i32>} : memref<2x800x64xf32, #tpu.memory_space<vmem>>, vector<1x1x16xf32>,
        %get3A_503 = vector.shape_cast %get3A_502 : vector<1x1x16xf32> to vector<16xf32>
        %add3A_504 = arith.addf %scan3A_493, %get3A_503 : vector<16xf32>
        %add3A_505 = arith.constant 600 : i32
        %add3A_506 = arith.addi %add3A_505, %scan3A_492 : i32
        %get3A_507 = arith.constant 0 : i32
        %get3A_508 = arith.index_cast %get3A_507 : i32 to index
        %get3A_509 = arith.index_cast %add3A_506 : i32 to index
        %get3A_510 = arith.constant 16 : index
        %get3A_511 = tpu.vector_load %arg7[%get3A_508, %get3A_509, %get3A_510] {strides = array<i32>} : memref<2x800x64xf32, #tpu.memory_space<vmem>>, vector<1x1x16xf32>,
        %get3A_512 = vector.shape_cast %get3A_511 : vector<1x1x16xf32> to vector<16xf32>
        %add3A_513 = arith.addf %scan3A_494, %get3A_512 : vector<16xf32>
        %add3A_514 = arith.constant 600 : i32
        %add3A_515 = arith.addi %add3A_514, %scan3A_492 : i32
        %get3A_516 = arith.constant 0 : i32
        %get3A_517 = arith.index_cast %get3A_516 : i32 to index
        %get3A_518 = arith.index_cast %add3A_515 : i32 to index
        %get3A_519 = arith.constant 32 : index
        %get3A_520 = tpu.vector_load %arg7[%get3A_517, %get3A_518, %get3A_519] {strides = array<i32>} : memref<2x800x64xf32, #tpu.memory_space<vmem>>, vector<1x1x16xf32>,
        %get3A_521 = vector.shape_cast %get3A_520 : vector<1x1x16xf32> to vector<16xf32>
        %add3A_522 = arith.addf %scan3A_495, %get3A_521 : vector<16xf32>
        %add3A_523 = arith.constant 600 : i32
        %add3A_524 = arith.addi %add3A_523, %scan3A_492 : i32
        %get3A_525 = arith.constant 0 : i32
        %get3A_526 = arith.index_cast %get3A_525 : i32 to index
        %get3A_527 = arith.index_cast %add3A_524 : i32 to index
        %get3A_528 = arith.constant 48 : index
        %get3A_529 = tpu.vector_load %arg7[%get3A_526, %get3A_527, %get3A_528] {strides = array<i32>} : memref<2x800x64xf32, #tpu.memory_space<vmem>>, vector<1x1x16xf32>,
        %get3A_530 = vector.shape_cast %get3A_529 : vector<1x1x16xf32> to vector<16xf32>
        %add3A_531 = arith.addf %scan3A_496, %get3A_530 : vector<16xf32>
        %scan3A_532 = arith.constant 1 : i32
        %scan3A_533 = arith.addi %scan3A_492, %scan3A_532 : i32
        %add3A_534 = arith.constant 600 : i32
        %add3A_535 = arith.addi %add3A_534, %scan3A_533 : i32
        %get3A_536 = arith.constant 0 : i32
        %get3A_537 = arith.index_cast %get3A_536 : i32 to index
        %get3A_538 = arith.index_cast %add3A_535 : i32 to index
        %get3A_539 = arith.constant 0 : index
        %get3A_540 = tpu.vector_load %arg7[%get3A_537, %get3A_538, %get3A_539] {strides = array<i32>} : memref<2x800x64xf32, #tpu.memory_space<vmem>>, vector<1x1x16xf32>,
        %get3A_541 = vector.shape_cast %get3A_540 : vector<1x1x16xf32> to vector<16xf32>
        %add3A_542 = arith.addf %add3A_504, %get3A_541 : vector<16xf32>
        %add3A_543 = arith.constant 600 : i32
        %add3A_544 = arith.addi %add3A_543, %scan3A_533 : i32
        %get3A_545 = arith.constant 0 : i32
        %get3A_546 = arith.index_cast %get3A_545 : i32 to index
        %get3A_547 = arith.index_cast %add3A_544 : i32 to index
        %get3A_548 = arith.constant 16 : index
        %get3A_549 = tpu.vector_load %arg7[%get3A_546, %get3A_547, %get3A_548] {strides = array<i32>} : memref<2x800x64xf32, #tpu.memory_space<vmem>>, vector<1x1x16xf32>,
        %get3A_550 = vector.shape_cast %get3A_549 : vector<1x1x16xf32> to vector<16xf32>
        %add3A_551 = arith.addf %add3A_513, %get3A_550 : vector<16xf32>
        %add3A_552 = arith.constant 600 : i32
        %add3A_553 = arith.addi %add3A_552, %scan3A_533 : i32
        %get3A_554 = arith.constant 0 : i32
        %get3A_555 = arith.index_cast %get3A_554 : i32 to index
        %get3A_556 = arith.index_cast %add3A_553 : i32 to index
        %get3A_557 = arith.constant 32 : index
        %get3A_558 = tpu.vector_load %arg7[%get3A_555, %get3A_556, %get3A_557] {strides = array<i32>} : memref<2x800x64xf32, #tpu.memory_space<vmem>>, vector<1x1x16xf32>,
        %get3A_559 = vector.shape_cast %get3A_558 : vector<1x1x16xf32> to vector<16xf32>
        %add3A_560 = arith.addf %add3A_522, %get3A_559 : vector<16xf32>
        %add3A_561 = arith.constant 600 : i32
        %add3A_562 = arith.addi %add3A_561, %scan3A_533 : i32
        %get3A_563 = arith.constant 0 : i32
        %get3A_564 = arith.index_cast %get3A_563 : i32 to index
        %get3A_565 = arith.index_cast %add3A_562 : i32 to index
        %get3A_566 = arith.constant 48 : index
        %get3A_567 = tpu.vector_load %arg7[%get3A_564, %get3A_565, %get3A_566] {strides = array<i32>} : memref<2x800x64xf32, #tpu.memory_space<vmem>>, vector<1x1x16xf32>,
        %get3A_568 = vector.shape_cast %get3A_567 : vector<1x1x16xf32> to vector<16xf32>
        %add3A_569 = arith.addf %add3A_531, %get3A_568 : vector<16xf32>
        %scan3A_570 = arith.constant 2 : i32
        %scan3A_571 = arith.addi %scan3A_492, %scan3A_570 : i32
        %add3A_572 = arith.constant 600 : i32
        %add3A_573 = arith.addi %add3A_572, %scan3A_571 : i32
        %get3A_574 = arith.constant 0 : i32
        %get3A_575 = arith.index_cast %get3A_574 : i32 to index
        %get3A_576 = arith.index_cast %add3A_573 : i32 to index
        %get3A_577 = arith.constant 0 : index
        %get3A_578 = tpu.vector_load %arg7[%get3A_575, %get3A_576, %get3A_577] {strides = array<i32>} : memref<2x800x64xf32, #tpu.memory_space<vmem>>, vector<1x1x16xf32>,
        %get3A_579 = vector.shape_cast %get3A_578 : vector<1x1x16xf32> to vector<16xf32>
        %add3A_580 = arith.addf %add3A_542, %get3A_579 : vector<16xf32>
        %add3A_581 = arith.constant 600 : i32
        %add3A_582 = arith.addi %add3A_581, %scan3A_571 : i32
        %get3A_583 = arith.constant 0 : i32
        %get3A_584 = arith.index_cast %get3A_583 : i32 to index
        %get3A_585 = arith.index_cast %add3A_582 : i32 to index
        %get3A_586 = arith.constant 16 : index
        %get3A_587 = tpu.vector_load %arg7[%get3A_584, %get3A_585, %get3A_586] {strides = array<i32>} : memref<2x800x64xf32, #tpu.memory_space<vmem>>, vector<1x1x16xf32>,
        %get3A_588 = vector.shape_cast %get3A_587 : vector<1x1x16xf32> to vector<16xf32>
        %add3A_589 = arith.addf %add3A_551, %get3A_588 : vector<16xf32>
        %add3A_590 = arith.constant 600 : i32
        %add3A_591 = arith.addi %add3A_590, %scan3A_571 : i32
        %get3A_592 = arith.constant 0 : i32
        %get3A_593 = arith.index_cast %get3A_592 : i32 to index
        %get3A_594 = arith.index_cast %add3A_591 : i32 to index
        %get3A_595 = arith.constant 32 : index
        %get3A_596 = tpu.vector_load %arg7[%get3A_593, %get3A_594, %get3A_595] {strides = array<i32>} : memref<2x800x64xf32, #tpu.memory_space<vmem>>, vector<1x1x16xf32>,
        %get3A_597 = vector.shape_cast %get3A_596 : vector<1x1x16xf32> to vector<16xf32>
        %add3A_598 = arith.addf %add3A_560, %get3A_597 : vector<16xf32>
        %add3A_599 = arith.constant 600 : i32
        %add3A_600 = arith.addi %add3A_599, %scan3A_571 : i32
        %get3A_601 = arith.constant 0 : i32
        %get3A_602 = arith.index_cast %get3A_601 : i32 to index
        %get3A_603 = arith.index_cast %add3A_600 : i32 to index
        %get3A_604 = arith.constant 48 : index
        %get3A_605 = tpu.vector_load %arg7[%get3A_602, %get3A_603, %get3A_604] {strides = array<i32>} : memref<2x800x64xf32, #tpu.memory_space<vmem>>, vector<1x1x16xf32>,
        %get3A_606 = vector.shape_cast %get3A_605 : vector<1x1x16xf32> to vector<16xf32>
        %add3A_607 = arith.addf %add3A_569, %get3A_606 : vector<16xf32>
        %scan3A_608 = arith.constant 3 : i32
        %scan3A_609 = arith.addi %scan3A_492, %scan3A_608 : i32
        %add3A_610 = arith.constant 600 : i32
        %add3A_611 = arith.addi %add3A_610, %scan3A_609 : i32
        %get3A_612 = arith.constant 0 : i32
        %get3A_613 = arith.index_cast %get3A_612 : i32 to index
        %get3A_614 = arith.index_cast %add3A_611 : i32 to index
        %get3A_615 = arith.constant 0 : index
        %get3A_616 = tpu.vector_load %arg7[%get3A_613, %get3A_614, %get3A_615] {strides = array<i32>} : memref<2x800x64xf32, #tpu.memory_space<vmem>>, vector<1x1x16xf32>,
        %get3A_617 = vector.shape_cast %get3A_616 : vector<1x1x16xf32> to vector<16xf32>
        %add3A_618 = arith.addf %add3A_580, %get3A_617 : vector<16xf32>
        %add3A_619 = arith.constant 600 : i32
        %add3A_620 = arith.addi %add3A_619, %scan3A_609 : i32
        %get3A_621 = arith.constant 0 : i32
        %get3A_622 = arith.index_cast %get3A_621 : i32 to index
        %get3A_623 = arith.index_cast %add3A_620 : i32 to index
        %get3A_624 = arith.constant 16 : index
        %get3A_625 = tpu.vector_load %arg7[%get3A_622, %get3A_623, %get3A_624] {strides = array<i32>} : memref<2x800x64xf32, #tpu.memory_space<vmem>>, vector<1x1x16xf32>,
        %get3A_626 = vector.shape_cast %get3A_625 : vector<1x1x16xf32> to vector<16xf32>
        %add3A_627 = arith.addf %add3A_589, %get3A_626 : vector<16xf32>
        %add3A_628 = arith.constant 600 : i32
        %add3A_629 = arith.addi %add3A_628, %scan3A_609 : i32
        %get3A_630 = arith.constant 0 : i32
        %get3A_631 = arith.index_cast %get3A_630 : i32 to index
        %get3A_632 = arith.index_cast %add3A_629 : i32 to index
        %get3A_633 = arith.constant 32 : index
        %get3A_634 = tpu.vector_load %arg7[%get3A_631, %get3A_632, %get3A_633] {strides = array<i32>} : memref<2x800x64xf32, #tpu.memory_space<vmem>>, vector<1x1x16xf32>,
        %get3A_635 = vector.shape_cast %get3A_634 : vector<1x1x16xf32> to vector<16xf32>
        %add3A_636 = arith.addf %add3A_598, %get3A_635 : vector<16xf32>
        %add3A_637 = arith.constant 600 : i32
        %add3A_638 = arith.addi %add3A_637, %scan3A_609 : i32
        %get3A_639 = arith.constant 0 : i32
        %get3A_640 = arith.index_cast %get3A_639 : i32 to index
        %get3A_641 = arith.index_cast %add3A_638 : i32 to index
        %get3A_642 = arith.constant 48 : index
        %get3A_643 = tpu.vector_load %arg7[%get3A_640, %get3A_641, %get3A_642] {strides = array<i32>} : memref<2x800x64xf32, #tpu.memory_space<vmem>>, vector<1x1x16xf32>,
        %get3A_644 = vector.shape_cast %get3A_643 : vector<1x1x16xf32> to vector<16xf32>
        %add3A_645 = arith.addf %add3A_607, %get3A_644 : vector<16xf32>
        %scan3A_646 = arith.constant 4 : i32
        %scan3A_647 = arith.addi %scan3A_492, %scan3A_646 : i32
        %add3A_648 = arith.constant 600 : i32
        %add3A_649 = arith.addi %add3A_648, %scan3A_647 : i32
        %get3A_650 = arith.constant 0 : i32
        %get3A_651 = arith.index_cast %get3A_650 : i32 to index
        %get3A_652 = arith.index_cast %add3A_649 : i32 to index
        %get3A_653 = arith.constant 0 : index
        %get3A_654 = tpu.vector_load %arg7[%get3A_651, %get3A_652, %get3A_653] {strides = array<i32>} : memref<2x800x64xf32, #tpu.memory_space<vmem>>, vector<1x1x16xf32>,
        %get3A_655 = vector.shape_cast %get3A_654 : vector<1x1x16xf32> to vector<16xf32>
        %add3A_656 = arith.addf %add3A_618, %get3A_655 : vector<16xf32>
        %add3A_657 = arith.constant 600 : i32
        %add3A_658 = arith.addi %add3A_657, %scan3A_647 : i32
        %get3A_659 = arith.constant 0 : i32
        %get3A_660 = arith.index_cast %get3A_659 : i32 to index
        %get3A_661 = arith.index_cast %add3A_658 : i32 to index
        %get3A_662 = arith.constant 16 : index
        %get3A_663 = tpu.vector_load %arg7[%get3A_660, %get3A_661, %get3A_662] {strides = array<i32>} : memref<2x800x64xf32, #tpu.memory_space<vmem>>, vector<1x1x16xf32>,
        %get3A_664 = vector.shape_cast %get3A_663 : vector<1x1x16xf32> to vector<16xf32>
        %add3A_665 = arith.addf %add3A_627, %get3A_664 : vector<16xf32>
        %add3A_666 = arith.constant 600 : i32
        %add3A_667 = arith.addi %add3A_666, %scan3A_647 : i32
        %get3A_668 = arith.constant 0 : i32
        %get3A_669 = arith.index_cast %get3A_668 : i32 to index
        %get3A_670 = arith.index_cast %add3A_667 : i32 to index
        %get3A_671 = arith.constant 32 : index
        %get3A_672 = tpu.vector_load %arg7[%get3A_669, %get3A_670, %get3A_671] {strides = array<i32>} : memref<2x800x64xf32, #tpu.memory_space<vmem>>, vector<1x1x16xf32>,
        %get3A_673 = vector.shape_cast %get3A_672 : vector<1x1x16xf32> to vector<16xf32>
        %add3A_674 = arith.addf %add3A_636, %get3A_673 : vector<16xf32>
        %add3A_675 = arith.constant 600 : i32
        %add3A_676 = arith.addi %add3A_675, %scan3A_647 : i32
        %get3A_677 = arith.constant 0 : i32
        %get3A_678 = arith.index_cast %get3A_677 : i32 to index
        %get3A_679 = arith.index_cast %add3A_676 : i32 to index
        %get3A_680 = arith.constant 48 : index
        %get3A_681 = tpu.vector_load %arg7[%get3A_678, %get3A_679, %get3A_680] {strides = array<i32>} : memref<2x800x64xf32, #tpu.memory_space<vmem>>, vector<1x1x16xf32>,
        %get3A_682 = vector.shape_cast %get3A_681 : vector<1x1x16xf32> to vector<16xf32>
        %add3A_683 = arith.addf %add3A_645, %get3A_682 : vector<16xf32>
        %scan3A_684 = arith.constant 5 : i32
        %scan3A_685 = arith.addi %scan3A_492, %scan3A_684 : i32
        %add3A_686 = arith.constant 600 : i32
        %add3A_687 = arith.addi %add3A_686, %scan3A_685 : i32
        %get3A_688 = arith.constant 0 : i32
        %get3A_689 = arith.index_cast %get3A_688 : i32 to index
        %get3A_690 = arith.index_cast %add3A_687 : i32 to index
        %get3A_691 = arith.constant 0 : index
        %get3A_692 = tpu.vector_load %arg7[%get3A_689, %get3A_690, %get3A_691] {strides = array<i32>} : memref<2x800x64xf32, #tpu.memory_space<vmem>>, vector<1x1x16xf32>,
        %get3A_693 = vector.shape_cast %get3A_692 : vector<1x1x16xf32> to vector<16xf32>
        %add3A_694 = arith.addf %add3A_656, %get3A_693 : vector<16xf32>
        %add3A_695 = arith.constant 600 : i32
        %add3A_696 = arith.addi %add3A_695, %scan3A_685 : i32
        %get3A_697 = arith.constant 0 : i32
        %get3A_698 = arith.index_cast %get3A_697 : i32 to index
        %get3A_699 = arith.index_cast %add3A_696 : i32 to index
        %get3A_700 = arith.constant 16 : index
        %get3A_701 = tpu.vector_load %arg7[%get3A_698, %get3A_699, %get3A_700] {strides = array<i32>} : memref<2x800x64xf32, #tpu.memory_space<vmem>>, vector<1x1x16xf32>,
        %get3A_702 = vector.shape_cast %get3A_701 : vector<1x1x16xf32> to vector<16xf32>
        %add3A_703 = arith.addf %add3A_665, %get3A_702 : vector<16xf32>
        %add3A_704 = arith.constant 600 : i32
        %add3A_705 = arith.addi %add3A_704, %scan3A_685 : i32
        %get3A_706 = arith.constant 0 : i32
        %get3A_707 = arith.index_cast %get3A_706 : i32 to index
        %get3A_708 = arith.index_cast %add3A_705 : i32 to index
        %get3A_709 = arith.constant 32 : index
        %get3A_710 = tpu.vector_load %arg7[%get3A_707, %get3A_708, %get3A_709] {strides = array<i32>} : memref<2x800x64xf32, #tpu.memory_space<vmem>>, vector<1x1x16xf32>,
        %get3A_711 = vector.shape_cast %get3A_710 : vector<1x1x16xf32> to vector<16xf32>
        %add3A_712 = arith.addf %add3A_674, %get3A_711 : vector<16xf32>
        %add3A_713 = arith.constant 600 : i32
        %add3A_714 = arith.addi %add3A_713, %scan3A_685 : i32
        %get3A_715 = arith.constant 0 : i32
        %get3A_716 = arith.index_cast %get3A_715 : i32 to index
        %get3A_717 = arith.index_cast %add3A_714 : i32 to index
        %get3A_718 = arith.constant 48 : index
        %get3A_719 = tpu.vector_load %arg7[%get3A_716, %get3A_717, %get3A_718] {strides = array<i32>} : memref<2x800x64xf32, #tpu.memory_space<vmem>>, vector<1x1x16xf32>,
        %get3A_720 = vector.shape_cast %get3A_719 : vector<1x1x16xf32> to vector<16xf32>
        %add3A_721 = arith.addf %add3A_683, %get3A_720 : vector<16xf32>
        %scan3A_722 = arith.constant 6 : i32
        %scan3A_723 = arith.addi %scan3A_492, %scan3A_722 : i32
        %add3A_724 = arith.constant 600 : i32
        %add3A_725 = arith.addi %add3A_724, %scan3A_723 : i32
        %get3A_726 = arith.constant 0 : i32
        %get3A_727 = arith.index_cast %get3A_726 : i32 to index
        %get3A_728 = arith.index_cast %add3A_725 : i32 to index
        %get3A_729 = arith.constant 0 : index
        %get3A_730 = tpu.vector_load %arg7[%get3A_727, %get3A_728, %get3A_729] {strides = array<i32>} : memref<2x800x64xf32, #tpu.memory_space<vmem>>, vector<1x1x16xf32>,
        %get3A_731 = vector.shape_cast %get3A_730 : vector<1x1x16xf32> to vector<16xf32>
        %add3A_732 = arith.addf %add3A_694, %get3A_731 : vector<16xf32>
        %add3A_733 = arith.constant 600 : i32
        %add3A_734 = arith.addi %add3A_733, %scan3A_723 : i32
        %get3A_735 = arith.constant 0 : i32
        %get3A_736 = arith.index_cast %get3A_735 : i32 to index
        %get3A_737 = arith.index_cast %add3A_734 : i32 to index
        %get3A_738 = arith.constant 16 : index
        %get3A_739 = tpu.vector_load %arg7[%get3A_736, %get3A_737, %get3A_738] {strides = array<i32>} : memref<2x800x64xf32, #tpu.memory_space<vmem>>, vector<1x1x16xf32>,
        %get3A_740 = vector.shape_cast %get3A_739 : vector<1x1x16xf32> to vector<16xf32>
        %add3A_741 = arith.addf %add3A_703, %get3A_740 : vector<16xf32>
        %add3A_742 = arith.constant 600 : i32
        %add3A_743 = arith.addi %add3A_742, %scan3A_723 : i32
        %get3A_744 = arith.constant 0 : i32
        %get3A_745 = arith.index_cast %get3A_744 : i32 to index
        %get3A_746 = arith.index_cast %add3A_743 : i32 to index
        %get3A_747 = arith.constant 32 : index
        %get3A_748 = tpu.vector_load %arg7[%get3A_745, %get3A_746, %get3A_747] {strides = array<i32>} : memref<2x800x64xf32, #tpu.memory_space<vmem>>, vector<1x1x16xf32>,
        %get3A_749 = vector.shape_cast %get3A_748 : vector<1x1x16xf32> to vector<16xf32>
        %add3A_750 = arith.addf %add3A_712, %get3A_749 : vector<16xf32>
        %add3A_751 = arith.constant 600 : i32
        %add3A_752 = arith.addi %add3A_751, %scan3A_723 : i32
        %get3A_753 = arith.constant 0 : i32
        %get3A_754 = arith.index_cast %get3A_753 : i32 to index
        %get3A_755 = arith.index_cast %add3A_752 : i32 to index
        %get3A_756 = arith.constant 48 : index
        %get3A_757 = tpu.vector_load %arg7[%get3A_754, %get3A_755, %get3A_756] {strides = array<i32>} : memref<2x800x64xf32, #tpu.memory_space<vmem>>, vector<1x1x16xf32>,
        %get3A_758 = vector.shape_cast %get3A_757 : vector<1x1x16xf32> to vector<16xf32>
        %add3A_759 = arith.addf %add3A_721, %get3A_758 : vector<16xf32>
        %scan3A_760 = arith.constant 7 : i32
        %scan3A_761 = arith.addi %scan3A_492, %scan3A_760 : i32
        %add3A_762 = arith.constant 600 : i32
        %add3A_763 = arith.addi %add3A_762, %scan3A_761 : i32
        %get3A_764 = arith.constant 0 : i32
        %get3A_765 = arith.index_cast %get3A_764 : i32 to index
        %get3A_766 = arith.index_cast %add3A_763 : i32 to index
        %get3A_767 = arith.constant 0 : index
        %get3A_768 = tpu.vector_load %arg7[%get3A_765, %get3A_766, %get3A_767] {strides = array<i32>} : memref<2x800x64xf32, #tpu.memory_space<vmem>>, vector<1x1x16xf32>,
        %get3A_769 = vector.shape_cast %get3A_768 : vector<1x1x16xf32> to vector<16xf32>
        %add3A_770 = arith.addf %add3A_732, %get3A_769 : vector<16xf32>
        %add3A_771 = arith.constant 600 : i32
        %add3A_772 = arith.addi %add3A_771, %scan3A_761 : i32
        %get3A_773 = arith.constant 0 : i32
        %get3A_774 = arith.index_cast %get3A_773 : i32 to index
        %get3A_775 = arith.index_cast %add3A_772 : i32 to index
        %get3A_776 = arith.constant 16 : index
        %get3A_777 = tpu.vector_load %arg7[%get3A_774, %get3A_775, %get3A_776] {strides = array<i32>} : memref<2x800x64xf32, #tpu.memory_space<vmem>>, vector<1x1x16xf32>,
        %get3A_778 = vector.shape_cast %get3A_777 : vector<1x1x16xf32> to vector<16xf32>
        %add3A_779 = arith.addf %add3A_741, %get3A_778 : vector<16xf32>
        %add3A_780 = arith.constant 600 : i32
        %add3A_781 = arith.addi %add3A_780, %scan3A_761 : i32
        %get3A_782 = arith.constant 0 : i32
        %get3A_783 = arith.index_cast %get3A_782 : i32 to index
        %get3A_784 = arith.index_cast %add3A_781 : i32 to index
        %get3A_785 = arith.constant 32 : index
        %get3A_786 = tpu.vector_load %arg7[%get3A_783, %get3A_784, %get3A_785] {strides = array<i32>} : memref<2x800x64xf32, #tpu.memory_space<vmem>>, vector<1x1x16xf32>,
        %get3A_787 = vector.shape_cast %get3A_786 : vector<1x1x16xf32> to vector<16xf32>
        %add3A_788 = arith.addf %add3A_750, %get3A_787 : vector<16xf32>
        %add3A_789 = arith.constant 600 : i32
        %add3A_790 = arith.addi %add3A_789, %scan3A_761 : i32
        %get3A_791 = arith.constant 0 : i32
        %get3A_792 = arith.index_cast %get3A_791 : i32 to index
        %get3A_793 = arith.index_cast %add3A_790 : i32 to index
        %get3A_794 = arith.constant 48 : index
        %get3A_795 = tpu.vector_load %arg7[%get3A_792, %get3A_793, %get3A_794] {strides = array<i32>} : memref<2x800x64xf32, #tpu.memory_space<vmem>>, vector<1x1x16xf32>,
        %get3A_796 = vector.shape_cast %get3A_795 : vector<1x1x16xf32> to vector<16xf32>
        %add3A_797 = arith.addf %add3A_759, %get3A_796 : vector<16xf32>
        scf.yield %add3A_770, %add3A_779, %add3A_788, %add3A_797 : vector<16xf32>, vector<16xf32>, vector<16xf32>, vector<16xf32>
      }
      %scan3A_215 = arith.constant 200 : i32
      %mul3A_216 = arith.constant 4 : i32
      %mul3A_217 = arith.muli %add3A_34, %mul3A_216 : i32
      %add3A_218 = arith.constant 3 : i32
      %add3A_219 = arith.addi %mul3A_217, %add3A_218 : i32
      %mul3A_220 = arith.constant 5.000000e-03 : f32
      %mul3A_221 = vector.broadcast %mul3A_220 : f32 to vector<16xf32>
      %mul3A_222 = arith.mulf %scan3A_214#0, %mul3A_221 : vector<16xf32>
      %swap3A_223 = arith.index_cast %add3A_219 : i32 to index
      %swap3A_224 = arith.constant 0 : index
      %swap3A_225 = tpu.vector_load %arg8[%swap3A_223, %swap3A_224] {strides = array<i32>} : memref<128x64xf32, #tpu.memory_space<vmem>>, vector<1x16xf32>,
      %swap3A_226 = vector.shape_cast %swap3A_225 : vector<1x16xf32> to vector<16xf32>
      %swap3A_227 = vector.shape_cast %mul3A_222 : vector<16xf32> to vector<1x16xf32>
      tpu.vector_store %arg8[%swap3A_223, %swap3A_224], %swap3A_227 {strides = array<i32>} : memref<128x64xf32, #tpu.memory_space<vmem>>, vector<1x16xf32>,
      %mul3A_228 = arith.constant 5.000000e-03 : f32
      %mul3A_229 = vector.broadcast %mul3A_228 : f32 to vector<16xf32>
      %mul3A_230 = arith.mulf %scan3A_214#1, %mul3A_229 : vector<16xf32>
      %swap3A_231 = arith.index_cast %add3A_219 : i32 to index
      %swap3A_232 = arith.constant 16 : index
      %swap3A_233 = tpu.vector_load %arg8[%swap3A_231, %swap3A_232] {strides = array<i32>} : memref<128x64xf32, #tpu.memory_space<vmem>>, vector<1x16xf32>,
      %swap3A_234 = vector.shape_cast %swap3A_233 : vector<1x16xf32> to vector<16xf32>
      %swap3A_235 = vector.shape_cast %mul3A_230 : vector<16xf32> to vector<1x16xf32>
      tpu.vector_store %arg8[%swap3A_231, %swap3A_232], %swap3A_235 {strides = array<i32>} : memref<128x64xf32, #tpu.memory_space<vmem>>, vector<1x16xf32>,
      %mul3A_236 = arith.constant 5.000000e-03 : f32
      %mul3A_237 = vector.broadcast %mul3A_236 : f32 to vector<16xf32>
      %mul3A_238 = arith.mulf %scan3A_214#2, %mul3A_237 : vector<16xf32>
      %swap3A_239 = arith.index_cast %add3A_219 : i32 to index
      %swap3A_240 = arith.constant 32 : index
      %swap3A_241 = tpu.vector_load %arg8[%swap3A_239, %swap3A_240] {strides = array<i32>} : memref<128x64xf32, #tpu.memory_space<vmem>>, vector<1x16xf32>,
      %swap3A_242 = vector.shape_cast %swap3A_241 : vector<1x16xf32> to vector<16xf32>
      %swap3A_243 = vector.shape_cast %mul3A_238 : vector<16xf32> to vector<1x16xf32>
      tpu.vector_store %arg8[%swap3A_239, %swap3A_240], %swap3A_243 {strides = array<i32>} : memref<128x64xf32, #tpu.memory_space<vmem>>, vector<1x16xf32>,
      %mul3A_244 = arith.constant 5.000000e-03 : f32
      %mul3A_245 = vector.broadcast %mul3A_244 : f32 to vector<16xf32>
      %mul3A_246 = arith.mulf %scan3A_214#3, %mul3A_245 : vector<16xf32>
      %swap3A_247 = arith.index_cast %add3A_219 : i32 to index
      %swap3A_248 = arith.constant 48 : index
      %swap3A_249 = tpu.vector_load %arg8[%swap3A_247, %swap3A_248] {strides = array<i32>} : memref<128x64xf32, #tpu.memory_space<vmem>>, vector<1x16xf32>,
      %swap3A_250 = vector.shape_cast %swap3A_249 : vector<1x16xf32> to vector<16xf32>
      %swap3A_251 = vector.shape_cast %mul3A_246 : vector<16xf32> to vector<1x16xf32>
      tpu.vector_store %arg8[%swap3A_247, %swap3A_248], %swap3A_251 {strides = array<i32>} : memref<128x64xf32, #tpu.memory_space<vmem>>, vector<1x16xf32>,
      %add3A_252 = arith.constant 1 : i32
      %add3A_253 = arith.addi %add3A_34, %add3A_252 : i32
      %lt3A_254 = arith.constant 32 : i32
      %lt3A_255 = arith.cmpi slt, %add3A_253, %lt3A_254 : i32
      %convert_element_type3A_256 = arith.extui %lt3A_255 : i1 to i32
      %cond3A_257 = arith.constant 0 : i32
      %cond3A_258 = arith.cmpi ne, %convert_element_type3A_256, %cond3A_257 : i32
      scf.if %cond3A_258 {
        %dma_wait3A_492 = arith.constant 0 : i32
        %dma_wait3A_493 = tpu.memref_slice %arg2[%dma_wait3A_492] : memref<819200xi32, #tpu.memory_space<hbm>> -> memref<800xi32, #tpu.memory_space<hbm>>
        %dma_wait3A_494 = arith.constant 0 : i32
        %dma_wait3A_495 = tpu.memref_slice %arg2[%dma_wait3A_494] : memref<819200xi32, #tpu.memory_space<hbm>> -> memref<800xi32, #tpu.memory_space<hbm>>
        tpu.wait_dma2 semaphore(%arg10 : memref<!tpu.dma_semaphore, #tpu.memory_space<semaphore_mem>>) src(%dma_wait3A_495 : memref<800xi32, #tpu.memory_space<hbm>>) dst(%arg6 : memref<800xi32, #tpu.memory_space<vmem>>)
        %dma_start3A_496 = arith.constant 1 : i32
        %dma_start3A_497 = arith.constant 0 : i32
        %dma_start3A_498 = arith.constant 0 : i32
        %dma_start3A_499 = tpu.memref_slice %arg7[%dma_start3A_496, %dma_start3A_497, %dma_start3A_498] : memref<2x800x64xf32, #tpu.memory_space<vmem>> -> memref<1x800x64xf32, #tpu.memory_space<vmem>>
        %dma_start3A_500 = tpu.memref_squeeze %dma_start3A_499 : memref<1x800x64xf32, #tpu.memory_space<vmem>> -> memref<800x64xf32, #tpu.memory_space<vmem>>
        %dma_start3A_501 = arith.constant 0 : i32
        %dma_start3A_502 = arith.constant 0 : i32
        %dma_start3A_503 = tpu.memref_slice %arg3[%dma_start3A_501, %dma_start3A_502] : memref<1000000x64xf32, #tpu.memory_space<hbm>> -> memref<1000000x64xf32, #tpu.memory_space<hbm>>
        tpu.enqueue_indirect_dma source(%dma_start3A_503 : memref<1000000x64xf32, #tpu.memory_space<hbm>>) target(%dma_start3A_500 : memref<800x64xf32, #tpu.memory_space<vmem>>) offsets(%arg6 : memref<800xi32, #tpu.memory_space<vmem>>) semaphore(%arg12 : memref<!tpu.dma_semaphore, #tpu.memory_space<semaphore_mem>>)
      } else {
      }
      %mul3A_259 = arith.constant 2 : i32
      %mul3A_260 = arith.muli %scan3A_30, %mul3A_259 : i32
      %add3A_261 = arith.constant 1 : i32
      %add3A_262 = arith.addi %mul3A_260, %add3A_261 : i32
      %dma_wait3A_263 = arith.constant 1 : i32
      %dma_wait3A_264 = arith.constant 0 : i32
      %dma_wait3A_265 = arith.constant 0 : i32
      %dma_wait3A_266 = tpu.memref_slice %arg7[%dma_wait3A_263, %dma_wait3A_264, %dma_wait3A_265] : memref<2x800x64xf32, #tpu.memory_space<vmem>> -> memref<1x800x64xf32, #tpu.memory_space<vmem>>
      %dma_wait3A_267 = tpu.memref_squeeze %dma_wait3A_266 : memref<1x800x64xf32, #tpu.memory_space<vmem>> -> memref<800x64xf32, #tpu.memory_space<vmem>>
      %dma_wait3A_268 = arith.constant 0 : i32
      %dma_wait3A_269 = arith.constant 0 : i32
      %dma_wait3A_270 = tpu.memref_slice %arg3[%dma_wait3A_268, %dma_wait3A_269] : memref<1000000x64xf32, #tpu.memory_space<hbm>> -> memref<800x64xf32, #tpu.memory_space<hbm>>
      %dma_wait3A_271 = arith.constant 0 : i32
      %dma_wait3A_272 = arith.constant 0 : i32
      %dma_wait3A_273 = tpu.memref_slice %arg7[%dma_wait3A_263, %dma_wait3A_271, %dma_wait3A_272] : memref<2x800x64xf32, #tpu.memory_space<vmem>> -> memref<1x800x64xf32, #tpu.memory_space<vmem>>
      %dma_wait3A_274 = tpu.memref_squeeze %dma_wait3A_273 : memref<1x800x64xf32, #tpu.memory_space<vmem>> -> memref<800x64xf32, #tpu.memory_space<vmem>>
      %dma_wait3A_275 = arith.constant 0 : i32
      %dma_wait3A_276 = arith.constant 0 : i32
      %dma_wait3A_277 = tpu.memref_slice %arg3[%dma_wait3A_275, %dma_wait3A_276] : memref<1000000x64xf32, #tpu.memory_space<hbm>> -> memref<800x64xf32, #tpu.memory_space<hbm>>
      tpu.wait_dma2 semaphore(%arg12 : memref<!tpu.dma_semaphore, #tpu.memory_space<semaphore_mem>>) src(%dma_wait3A_277 : memref<800x64xf32, #tpu.memory_space<hbm>>) dst(%dma_wait3A_274 : memref<800x64xf32, #tpu.memory_space<vmem>>)
      %add3A_278 = arith.constant 2 : i32
      %add3A_279 = arith.addi %add3A_262, %add3A_278 : i32
      %lt3A_280 = arith.constant 32 : i32
      %lt3A_281 = arith.cmpi slt, %add3A_279, %lt3A_280 : i32
      %convert_element_type3A_282 = arith.extui %lt3A_281 : i1 to i32
      %cond3A_283 = arith.constant 0 : i32
      %cond3A_284 = arith.cmpi ne, %convert_element_type3A_282, %cond3A_283 : i32
      scf.if %cond3A_284 {
        %add3A_492 = arith.constant 2 : i32
        %add3A_493 = arith.addi %add3A_262, %add3A_492 : i32
        %mul3A_494 = arith.constant 4 : i32
        %mul3A_495 = arith.muli %add3A_493, %mul3A_494 : i32
        %add3A_496 = arith.addi %mul3A_2, %mul3A_495 : i32
        %mul3A_497 = arith.constant 200 : i32
        %mul3A_498 = arith.muli %add3A_496, %mul3A_497 : i32
        %dma_start3A_499 = tpu.memref_slice %arg2[%mul3A_498] : memref<819200xi32, #tpu.memory_space<hbm>> -> memref<800xi32, #tpu.memory_space<hbm>>
        %dma_start3A_500 = tpu.memref_slice %arg2[%mul3A_498] : memref<819200xi32, #tpu.memory_space<hbm>> -> memref<800xi32, #tpu.memory_space<hbm>>
        tpu.enqueue_dma source(%dma_start3A_500 : memref<800xi32, #tpu.memory_space<hbm>>) target(%arg6 : memref<800xi32, #tpu.memory_space<vmem>>) target_semaphore(%arg10 : memref<!tpu.dma_semaphore, #tpu.memory_space<semaphore_mem>>)
      } else {
      }
      %broadcast_in_dim3A_285 = arith.constant 0.000000e+00 : f32
      %broadcast_in_dim3A_286 = vector.broadcast %broadcast_in_dim3A_285 : f32 to vector<16xf32>
      %broadcast_in_dim3A_287 = arith.constant 0.000000e+00 : f32
      %broadcast_in_dim3A_288 = vector.broadcast %broadcast_in_dim3A_287 : f32 to vector<16xf32>
      %broadcast_in_dim3A_289 = arith.constant 0.000000e+00 : f32
      %broadcast_in_dim3A_290 = vector.broadcast %broadcast_in_dim3A_289 : f32 to vector<16xf32>
      %broadcast_in_dim3A_291 = arith.constant 0.000000e+00 : f32
      %broadcast_in_dim3A_292 = vector.broadcast %broadcast_in_dim3A_291 : f32 to vector<16xf32>
      %scan3A_293 = arith.constant 0 : i32
      %scan3A_294 = arith.constant 200 : i32
      %scan3A_295 = arith.addi %scan3A_293, %scan3A_294 : i32
      %scan3A_296 = arith.constant 8 : i32
      %scan3A_297:4 = scf.for %scan3A_492 = %scan3A_293 to %scan3A_295 step %scan3A_296 iter_args(%scan3A_493 = %broadcast_in_dim3A_286, %scan3A_494 = %broadcast_in_dim3A_288, %scan3A_495 = %broadcast_in_dim3A_290, %scan3A_496 = %broadcast_in_dim3A_292) -> (vector<16xf32>, vector<16xf32>, vector<16xf32>, vector<16xf32>)  : i32 {
        %add3A_497 = arith.constant 0 : i32
        %add3A_498 = arith.addi %add3A_497, %scan3A_492 : i32
        %get3A = arith.constant 1 : i32
        %get3A_499 = arith.index_cast %get3A : i32 to index
        %get3A_500 = arith.index_cast %add3A_498 : i32 to index
        %get3A_501 = arith.constant 0 : index
        %get3A_502 = tpu.vector_load %arg7[%get3A_499, %get3A_500, %get3A_501] {strides = array<i32>} : memref<2x800x64xf32, #tpu.memory_space<vmem>>, vector<1x1x16xf32>,
        %get3A_503 = vector.shape_cast %get3A_502 : vector<1x1x16xf32> to vector<16xf32>
        %add3A_504 = arith.addf %scan3A_493, %get3A_503 : vector<16xf32>
        %add3A_505 = arith.constant 0 : i32
        %add3A_506 = arith.addi %add3A_505, %scan3A_492 : i32
        %get3A_507 = arith.constant 1 : i32
        %get3A_508 = arith.index_cast %get3A_507 : i32 to index
        %get3A_509 = arith.index_cast %add3A_506 : i32 to index
        %get3A_510 = arith.constant 16 : index
        %get3A_511 = tpu.vector_load %arg7[%get3A_508, %get3A_509, %get3A_510] {strides = array<i32>} : memref<2x800x64xf32, #tpu.memory_space<vmem>>, vector<1x1x16xf32>,
        %get3A_512 = vector.shape_cast %get3A_511 : vector<1x1x16xf32> to vector<16xf32>
        %add3A_513 = arith.addf %scan3A_494, %get3A_512 : vector<16xf32>
        %add3A_514 = arith.constant 0 : i32
        %add3A_515 = arith.addi %add3A_514, %scan3A_492 : i32
        %get3A_516 = arith.constant 1 : i32
        %get3A_517 = arith.index_cast %get3A_516 : i32 to index
        %get3A_518 = arith.index_cast %add3A_515 : i32 to index
        %get3A_519 = arith.constant 32 : index
        %get3A_520 = tpu.vector_load %arg7[%get3A_517, %get3A_518, %get3A_519] {strides = array<i32>} : memref<2x800x64xf32, #tpu.memory_space<vmem>>, vector<1x1x16xf32>,
        %get3A_521 = vector.shape_cast %get3A_520 : vector<1x1x16xf32> to vector<16xf32>
        %add3A_522 = arith.addf %scan3A_495, %get3A_521 : vector<16xf32>
        %add3A_523 = arith.constant 0 : i32
        %add3A_524 = arith.addi %add3A_523, %scan3A_492 : i32
        %get3A_525 = arith.constant 1 : i32
        %get3A_526 = arith.index_cast %get3A_525 : i32 to index
        %get3A_527 = arith.index_cast %add3A_524 : i32 to index
        %get3A_528 = arith.constant 48 : index
        %get3A_529 = tpu.vector_load %arg7[%get3A_526, %get3A_527, %get3A_528] {strides = array<i32>} : memref<2x800x64xf32, #tpu.memory_space<vmem>>, vector<1x1x16xf32>,
        %get3A_530 = vector.shape_cast %get3A_529 : vector<1x1x16xf32> to vector<16xf32>
        %add3A_531 = arith.addf %scan3A_496, %get3A_530 : vector<16xf32>
        %scan3A_532 = arith.constant 1 : i32
        %scan3A_533 = arith.addi %scan3A_492, %scan3A_532 : i32
        %add3A_534 = arith.constant 0 : i32
        %add3A_535 = arith.addi %add3A_534, %scan3A_533 : i32
        %get3A_536 = arith.constant 1 : i32
        %get3A_537 = arith.index_cast %get3A_536 : i32 to index
        %get3A_538 = arith.index_cast %add3A_535 : i32 to index
        %get3A_539 = arith.constant 0 : index
        %get3A_540 = tpu.vector_load %arg7[%get3A_537, %get3A_538, %get3A_539] {strides = array<i32>} : memref<2x800x64xf32, #tpu.memory_space<vmem>>, vector<1x1x16xf32>,
        %get3A_541 = vector.shape_cast %get3A_540 : vector<1x1x16xf32> to vector<16xf32>
        %add3A_542 = arith.addf %add3A_504, %get3A_541 : vector<16xf32>
        %add3A_543 = arith.constant 0 : i32
        %add3A_544 = arith.addi %add3A_543, %scan3A_533 : i32
        %get3A_545 = arith.constant 1 : i32
        %get3A_546 = arith.index_cast %get3A_545 : i32 to index
        %get3A_547 = arith.index_cast %add3A_544 : i32 to index
        %get3A_548 = arith.constant 16 : index
        %get3A_549 = tpu.vector_load %arg7[%get3A_546, %get3A_547, %get3A_548] {strides = array<i32>} : memref<2x800x64xf32, #tpu.memory_space<vmem>>, vector<1x1x16xf32>,
        %get3A_550 = vector.shape_cast %get3A_549 : vector<1x1x16xf32> to vector<16xf32>
        %add3A_551 = arith.addf %add3A_513, %get3A_550 : vector<16xf32>
        %add3A_552 = arith.constant 0 : i32
        %add3A_553 = arith.addi %add3A_552, %scan3A_533 : i32
        %get3A_554 = arith.constant 1 : i32
        %get3A_555 = arith.index_cast %get3A_554 : i32 to index
        %get3A_556 = arith.index_cast %add3A_553 : i32 to index
        %get3A_557 = arith.constant 32 : index
        %get3A_558 = tpu.vector_load %arg7[%get3A_555, %get3A_556, %get3A_557] {strides = array<i32>} : memref<2x800x64xf32, #tpu.memory_space<vmem>>, vector<1x1x16xf32>,
        %get3A_559 = vector.shape_cast %get3A_558 : vector<1x1x16xf32> to vector<16xf32>
        %add3A_560 = arith.addf %add3A_522, %get3A_559 : vector<16xf32>
        %add3A_561 = arith.constant 0 : i32
        %add3A_562 = arith.addi %add3A_561, %scan3A_533 : i32
        %get3A_563 = arith.constant 1 : i32
        %get3A_564 = arith.index_cast %get3A_563 : i32 to index
        %get3A_565 = arith.index_cast %add3A_562 : i32 to index
        %get3A_566 = arith.constant 48 : index
        %get3A_567 = tpu.vector_load %arg7[%get3A_564, %get3A_565, %get3A_566] {strides = array<i32>} : memref<2x800x64xf32, #tpu.memory_space<vmem>>, vector<1x1x16xf32>,
        %get3A_568 = vector.shape_cast %get3A_567 : vector<1x1x16xf32> to vector<16xf32>
        %add3A_569 = arith.addf %add3A_531, %get3A_568 : vector<16xf32>
        %scan3A_570 = arith.constant 2 : i32
        %scan3A_571 = arith.addi %scan3A_492, %scan3A_570 : i32
        %add3A_572 = arith.constant 0 : i32
        %add3A_573 = arith.addi %add3A_572, %scan3A_571 : i32
        %get3A_574 = arith.constant 1 : i32
        %get3A_575 = arith.index_cast %get3A_574 : i32 to index
        %get3A_576 = arith.index_cast %add3A_573 : i32 to index
        %get3A_577 = arith.constant 0 : index
        %get3A_578 = tpu.vector_load %arg7[%get3A_575, %get3A_576, %get3A_577] {strides = array<i32>} : memref<2x800x64xf32, #tpu.memory_space<vmem>>, vector<1x1x16xf32>,
        %get3A_579 = vector.shape_cast %get3A_578 : vector<1x1x16xf32> to vector<16xf32>
        %add3A_580 = arith.addf %add3A_542, %get3A_579 : vector<16xf32>
        %add3A_581 = arith.constant 0 : i32
        %add3A_582 = arith.addi %add3A_581, %scan3A_571 : i32
        %get3A_583 = arith.constant 1 : i32
        %get3A_584 = arith.index_cast %get3A_583 : i32 to index
        %get3A_585 = arith.index_cast %add3A_582 : i32 to index
        %get3A_586 = arith.constant 16 : index
        %get3A_587 = tpu.vector_load %arg7[%get3A_584, %get3A_585, %get3A_586] {strides = array<i32>} : memref<2x800x64xf32, #tpu.memory_space<vmem>>, vector<1x1x16xf32>,
        %get3A_588 = vector.shape_cast %get3A_587 : vector<1x1x16xf32> to vector<16xf32>
        %add3A_589 = arith.addf %add3A_551, %get3A_588 : vector<16xf32>
        %add3A_590 = arith.constant 0 : i32
        %add3A_591 = arith.addi %add3A_590, %scan3A_571 : i32
        %get3A_592 = arith.constant 1 : i32
        %get3A_593 = arith.index_cast %get3A_592 : i32 to index
        %get3A_594 = arith.index_cast %add3A_591 : i32 to index
        %get3A_595 = arith.constant 32 : index
        %get3A_596 = tpu.vector_load %arg7[%get3A_593, %get3A_594, %get3A_595] {strides = array<i32>} : memref<2x800x64xf32, #tpu.memory_space<vmem>>, vector<1x1x16xf32>,
        %get3A_597 = vector.shape_cast %get3A_596 : vector<1x1x16xf32> to vector<16xf32>
        %add3A_598 = arith.addf %add3A_560, %get3A_597 : vector<16xf32>
        %add3A_599 = arith.constant 0 : i32
        %add3A_600 = arith.addi %add3A_599, %scan3A_571 : i32
        %get3A_601 = arith.constant 1 : i32
        %get3A_602 = arith.index_cast %get3A_601 : i32 to index
        %get3A_603 = arith.index_cast %add3A_600 : i32 to index
        %get3A_604 = arith.constant 48 : index
        %get3A_605 = tpu.vector_load %arg7[%get3A_602, %get3A_603, %get3A_604] {strides = array<i32>} : memref<2x800x64xf32, #tpu.memory_space<vmem>>, vector<1x1x16xf32>,
        %get3A_606 = vector.shape_cast %get3A_605 : vector<1x1x16xf32> to vector<16xf32>
        %add3A_607 = arith.addf %add3A_569, %get3A_606 : vector<16xf32>
        %scan3A_608 = arith.constant 3 : i32
        %scan3A_609 = arith.addi %scan3A_492, %scan3A_608 : i32
        %add3A_610 = arith.constant 0 : i32
        %add3A_611 = arith.addi %add3A_610, %scan3A_609 : i32
        %get3A_612 = arith.constant 1 : i32
        %get3A_613 = arith.index_cast %get3A_612 : i32 to index
        %get3A_614 = arith.index_cast %add3A_611 : i32 to index
        %get3A_615 = arith.constant 0 : index
        %get3A_616 = tpu.vector_load %arg7[%get3A_613, %get3A_614, %get3A_615] {strides = array<i32>} : memref<2x800x64xf32, #tpu.memory_space<vmem>>, vector<1x1x16xf32>,
        %get3A_617 = vector.shape_cast %get3A_616 : vector<1x1x16xf32> to vector<16xf32>
        %add3A_618 = arith.addf %add3A_580, %get3A_617 : vector<16xf32>
        %add3A_619 = arith.constant 0 : i32
        %add3A_620 = arith.addi %add3A_619, %scan3A_609 : i32
        %get3A_621 = arith.constant 1 : i32
        %get3A_622 = arith.index_cast %get3A_621 : i32 to index
        %get3A_623 = arith.index_cast %add3A_620 : i32 to index
        %get3A_624 = arith.constant 16 : index
        %get3A_625 = tpu.vector_load %arg7[%get3A_622, %get3A_623, %get3A_624] {strides = array<i32>} : memref<2x800x64xf32, #tpu.memory_space<vmem>>, vector<1x1x16xf32>,
        %get3A_626 = vector.shape_cast %get3A_625 : vector<1x1x16xf32> to vector<16xf32>
        %add3A_627 = arith.addf %add3A_589, %get3A_626 : vector<16xf32>
        %add3A_628 = arith.constant 0 : i32
        %add3A_629 = arith.addi %add3A_628, %scan3A_609 : i32
        %get3A_630 = arith.constant 1 : i32
        %get3A_631 = arith.index_cast %get3A_630 : i32 to index
        %get3A_632 = arith.index_cast %add3A_629 : i32 to index
        %get3A_633 = arith.constant 32 : index
        %get3A_634 = tpu.vector_load %arg7[%get3A_631, %get3A_632, %get3A_633] {strides = array<i32>} : memref<2x800x64xf32, #tpu.memory_space<vmem>>, vector<1x1x16xf32>,
        %get3A_635 = vector.shape_cast %get3A_634 : vector<1x1x16xf32> to vector<16xf32>
        %add3A_636 = arith.addf %add3A_598, %get3A_635 : vector<16xf32>
        %add3A_637 = arith.constant 0 : i32
        %add3A_638 = arith.addi %add3A_637, %scan3A_609 : i32
        %get3A_639 = arith.constant 1 : i32
        %get3A_640 = arith.index_cast %get3A_639 : i32 to index
        %get3A_641 = arith.index_cast %add3A_638 : i32 to index
        %get3A_642 = arith.constant 48 : index
        %get3A_643 = tpu.vector_load %arg7[%get3A_640, %get3A_641, %get3A_642] {strides = array<i32>} : memref<2x800x64xf32, #tpu.memory_space<vmem>>, vector<1x1x16xf32>,
        %get3A_644 = vector.shape_cast %get3A_643 : vector<1x1x16xf32> to vector<16xf32>
        %add3A_645 = arith.addf %add3A_607, %get3A_644 : vector<16xf32>
        %scan3A_646 = arith.constant 4 : i32
        %scan3A_647 = arith.addi %scan3A_492, %scan3A_646 : i32
        %add3A_648 = arith.constant 0 : i32
        %add3A_649 = arith.addi %add3A_648, %scan3A_647 : i32
        %get3A_650 = arith.constant 1 : i32
        %get3A_651 = arith.index_cast %get3A_650 : i32 to index
        %get3A_652 = arith.index_cast %add3A_649 : i32 to index
        %get3A_653 = arith.constant 0 : index
        %get3A_654 = tpu.vector_load %arg7[%get3A_651, %get3A_652, %get3A_653] {strides = array<i32>} : memref<2x800x64xf32, #tpu.memory_space<vmem>>, vector<1x1x16xf32>,
        %get3A_655 = vector.shape_cast %get3A_654 : vector<1x1x16xf32> to vector<16xf32>
        %add3A_656 = arith.addf %add3A_618, %get3A_655 : vector<16xf32>
        %add3A_657 = arith.constant 0 : i32
        %add3A_658 = arith.addi %add3A_657, %scan3A_647 : i32
        %get3A_659 = arith.constant 1 : i32
        %get3A_660 = arith.index_cast %get3A_659 : i32 to index
        %get3A_661 = arith.index_cast %add3A_658 : i32 to index
        %get3A_662 = arith.constant 16 : index
        %get3A_663 = tpu.vector_load %arg7[%get3A_660, %get3A_661, %get3A_662] {strides = array<i32>} : memref<2x800x64xf32, #tpu.memory_space<vmem>>, vector<1x1x16xf32>,
        %get3A_664 = vector.shape_cast %get3A_663 : vector<1x1x16xf32> to vector<16xf32>
        %add3A_665 = arith.addf %add3A_627, %get3A_664 : vector<16xf32>
        %add3A_666 = arith.constant 0 : i32
        %add3A_667 = arith.addi %add3A_666, %scan3A_647 : i32
        %get3A_668 = arith.constant 1 : i32
        %get3A_669 = arith.index_cast %get3A_668 : i32 to index
        %get3A_670 = arith.index_cast %add3A_667 : i32 to index
        %get3A_671 = arith.constant 32 : index
        %get3A_672 = tpu.vector_load %arg7[%get3A_669, %get3A_670, %get3A_671] {strides = array<i32>} : memref<2x800x64xf32, #tpu.memory_space<vmem>>, vector<1x1x16xf32>,
        %get3A_673 = vector.shape_cast %get3A_672 : vector<1x1x16xf32> to vector<16xf32>
        %add3A_674 = arith.addf %add3A_636, %get3A_673 : vector<16xf32>
        %add3A_675 = arith.constant 0 : i32
        %add3A_676 = arith.addi %add3A_675, %scan3A_647 : i32
        %get3A_677 = arith.constant 1 : i32
        %get3A_678 = arith.index_cast %get3A_677 : i32 to index
        %get3A_679 = arith.index_cast %add3A_676 : i32 to index
        %get3A_680 = arith.constant 48 : index
        %get3A_681 = tpu.vector_load %arg7[%get3A_678, %get3A_679, %get3A_680] {strides = array<i32>} : memref<2x800x64xf32, #tpu.memory_space<vmem>>, vector<1x1x16xf32>,
        %get3A_682 = vector.shape_cast %get3A_681 : vector<1x1x16xf32> to vector<16xf32>
        %add3A_683 = arith.addf %add3A_645, %get3A_682 : vector<16xf32>
        %scan3A_684 = arith.constant 5 : i32
        %scan3A_685 = arith.addi %scan3A_492, %scan3A_684 : i32
        %add3A_686 = arith.constant 0 : i32
        %add3A_687 = arith.addi %add3A_686, %scan3A_685 : i32
        %get3A_688 = arith.constant 1 : i32
        %get3A_689 = arith.index_cast %get3A_688 : i32 to index
        %get3A_690 = arith.index_cast %add3A_687 : i32 to index
        %get3A_691 = arith.constant 0 : index
        %get3A_692 = tpu.vector_load %arg7[%get3A_689, %get3A_690, %get3A_691] {strides = array<i32>} : memref<2x800x64xf32, #tpu.memory_space<vmem>>, vector<1x1x16xf32>,
        %get3A_693 = vector.shape_cast %get3A_692 : vector<1x1x16xf32> to vector<16xf32>
        %add3A_694 = arith.addf %add3A_656, %get3A_693 : vector<16xf32>
        %add3A_695 = arith.constant 0 : i32
        %add3A_696 = arith.addi %add3A_695, %scan3A_685 : i32
        %get3A_697 = arith.constant 1 : i32
        %get3A_698 = arith.index_cast %get3A_697 : i32 to index
        %get3A_699 = arith.index_cast %add3A_696 : i32 to index
        %get3A_700 = arith.constant 16 : index
        %get3A_701 = tpu.vector_load %arg7[%get3A_698, %get3A_699, %get3A_700] {strides = array<i32>} : memref<2x800x64xf32, #tpu.memory_space<vmem>>, vector<1x1x16xf32>,
        %get3A_702 = vector.shape_cast %get3A_701 : vector<1x1x16xf32> to vector<16xf32>
        %add3A_703 = arith.addf %add3A_665, %get3A_702 : vector<16xf32>
        %add3A_704 = arith.constant 0 : i32
        %add3A_705 = arith.addi %add3A_704, %scan3A_685 : i32
        %get3A_706 = arith.constant 1 : i32
        %get3A_707 = arith.index_cast %get3A_706 : i32 to index
        %get3A_708 = arith.index_cast %add3A_705 : i32 to index
        %get3A_709 = arith.constant 32 : index
        %get3A_710 = tpu.vector_load %arg7[%get3A_707, %get3A_708, %get3A_709] {strides = array<i32>} : memref<2x800x64xf32, #tpu.memory_space<vmem>>, vector<1x1x16xf32>,
        %get3A_711 = vector.shape_cast %get3A_710 : vector<1x1x16xf32> to vector<16xf32>
        %add3A_712 = arith.addf %add3A_674, %get3A_711 : vector<16xf32>
        %add3A_713 = arith.constant 0 : i32
        %add3A_714 = arith.addi %add3A_713, %scan3A_685 : i32
        %get3A_715 = arith.constant 1 : i32
        %get3A_716 = arith.index_cast %get3A_715 : i32 to index
        %get3A_717 = arith.index_cast %add3A_714 : i32 to index
        %get3A_718 = arith.constant 48 : index
        %get3A_719 = tpu.vector_load %arg7[%get3A_716, %get3A_717, %get3A_718] {strides = array<i32>} : memref<2x800x64xf32, #tpu.memory_space<vmem>>, vector<1x1x16xf32>,
        %get3A_720 = vector.shape_cast %get3A_719 : vector<1x1x16xf32> to vector<16xf32>
        %add3A_721 = arith.addf %add3A_683, %get3A_720 : vector<16xf32>
        %scan3A_722 = arith.constant 6 : i32
        %scan3A_723 = arith.addi %scan3A_492, %scan3A_722 : i32
        %add3A_724 = arith.constant 0 : i32
        %add3A_725 = arith.addi %add3A_724, %scan3A_723 : i32
        %get3A_726 = arith.constant 1 : i32
        %get3A_727 = arith.index_cast %get3A_726 : i32 to index
        %get3A_728 = arith.index_cast %add3A_725 : i32 to index
        %get3A_729 = arith.constant 0 : index
        %get3A_730 = tpu.vector_load %arg7[%get3A_727, %get3A_728, %get3A_729] {strides = array<i32>} : memref<2x800x64xf32, #tpu.memory_space<vmem>>, vector<1x1x16xf32>,
        %get3A_731 = vector.shape_cast %get3A_730 : vector<1x1x16xf32> to vector<16xf32>
        %add3A_732 = arith.addf %add3A_694, %get3A_731 : vector<16xf32>
        %add3A_733 = arith.constant 0 : i32
        %add3A_734 = arith.addi %add3A_733, %scan3A_723 : i32
        %get3A_735 = arith.constant 1 : i32
        %get3A_736 = arith.index_cast %get3A_735 : i32 to index
        %get3A_737 = arith.index_cast %add3A_734 : i32 to index
        %get3A_738 = arith.constant 16 : index
        %get3A_739 = tpu.vector_load %arg7[%get3A_736, %get3A_737, %get3A_738] {strides = array<i32>} : memref<2x800x64xf32, #tpu.memory_space<vmem>>, vector<1x1x16xf32>,
        %get3A_740 = vector.shape_cast %get3A_739 : vector<1x1x16xf32> to vector<16xf32>
        %add3A_741 = arith.addf %add3A_703, %get3A_740 : vector<16xf32>
        %add3A_742 = arith.constant 0 : i32
        %add3A_743 = arith.addi %add3A_742, %scan3A_723 : i32
        %get3A_744 = arith.constant 1 : i32
        %get3A_745 = arith.index_cast %get3A_744 : i32 to index
        %get3A_746 = arith.index_cast %add3A_743 : i32 to index
        %get3A_747 = arith.constant 32 : index
        %get3A_748 = tpu.vector_load %arg7[%get3A_745, %get3A_746, %get3A_747] {strides = array<i32>} : memref<2x800x64xf32, #tpu.memory_space<vmem>>, vector<1x1x16xf32>,
        %get3A_749 = vector.shape_cast %get3A_748 : vector<1x1x16xf32> to vector<16xf32>
        %add3A_750 = arith.addf %add3A_712, %get3A_749 : vector<16xf32>
        %add3A_751 = arith.constant 0 : i32
        %add3A_752 = arith.addi %add3A_751, %scan3A_723 : i32
        %get3A_753 = arith.constant 1 : i32
        %get3A_754 = arith.index_cast %get3A_753 : i32 to index
        %get3A_755 = arith.index_cast %add3A_752 : i32 to index
        %get3A_756 = arith.constant 48 : index
        %get3A_757 = tpu.vector_load %arg7[%get3A_754, %get3A_755, %get3A_756] {strides = array<i32>} : memref<2x800x64xf32, #tpu.memory_space<vmem>>, vector<1x1x16xf32>,
        %get3A_758 = vector.shape_cast %get3A_757 : vector<1x1x16xf32> to vector<16xf32>
        %add3A_759 = arith.addf %add3A_721, %get3A_758 : vector<16xf32>
        %scan3A_760 = arith.constant 7 : i32
        %scan3A_761 = arith.addi %scan3A_492, %scan3A_760 : i32
        %add3A_762 = arith.constant 0 : i32
        %add3A_763 = arith.addi %add3A_762, %scan3A_761 : i32
        %get3A_764 = arith.constant 1 : i32
        %get3A_765 = arith.index_cast %get3A_764 : i32 to index
        %get3A_766 = arith.index_cast %add3A_763 : i32 to index
        %get3A_767 = arith.constant 0 : index
        %get3A_768 = tpu.vector_load %arg7[%get3A_765, %get3A_766, %get3A_767] {strides = array<i32>} : memref<2x800x64xf32, #tpu.memory_space<vmem>>, vector<1x1x16xf32>,
        %get3A_769 = vector.shape_cast %get3A_768 : vector<1x1x16xf32> to vector<16xf32>
        %add3A_770 = arith.addf %add3A_732, %get3A_769 : vector<16xf32>
        %add3A_771 = arith.constant 0 : i32
        %add3A_772 = arith.addi %add3A_771, %scan3A_761 : i32
        %get3A_773 = arith.constant 1 : i32
        %get3A_774 = arith.index_cast %get3A_773 : i32 to index
        %get3A_775 = arith.index_cast %add3A_772 : i32 to index
        %get3A_776 = arith.constant 16 : index
        %get3A_777 = tpu.vector_load %arg7[%get3A_774, %get3A_775, %get3A_776] {strides = array<i32>} : memref<2x800x64xf32, #tpu.memory_space<vmem>>, vector<1x1x16xf32>,
        %get3A_778 = vector.shape_cast %get3A_777 : vector<1x1x16xf32> to vector<16xf32>
        %add3A_779 = arith.addf %add3A_741, %get3A_778 : vector<16xf32>
        %add3A_780 = arith.constant 0 : i32
        %add3A_781 = arith.addi %add3A_780, %scan3A_761 : i32
        %get3A_782 = arith.constant 1 : i32
        %get3A_783 = arith.index_cast %get3A_782 : i32 to index
        %get3A_784 = arith.index_cast %add3A_781 : i32 to index
        %get3A_785 = arith.constant 32 : index
        %get3A_786 = tpu.vector_load %arg7[%get3A_783, %get3A_784, %get3A_785] {strides = array<i32>} : memref<2x800x64xf32, #tpu.memory_space<vmem>>, vector<1x1x16xf32>,
        %get3A_787 = vector.shape_cast %get3A_786 : vector<1x1x16xf32> to vector<16xf32>
        %add3A_788 = arith.addf %add3A_750, %get3A_787 : vector<16xf32>
        %add3A_789 = arith.constant 0 : i32
        %add3A_790 = arith.addi %add3A_789, %scan3A_761 : i32
        %get3A_791 = arith.constant 1 : i32
        %get3A_792 = arith.index_cast %get3A_791 : i32 to index
        %get3A_793 = arith.index_cast %add3A_790 : i32 to index
        %get3A_794 = arith.constant 48 : index
        %get3A_795 = tpu.vector_load %arg7[%get3A_792, %get3A_793, %get3A_794] {strides = array<i32>} : memref<2x800x64xf32, #tpu.memory_space<vmem>>, vector<1x1x16xf32>,
        %get3A_796 = vector.shape_cast %get3A_795 : vector<1x1x16xf32> to vector<16xf32>
        %add3A_797 = arith.addf %add3A_759, %get3A_796 : vector<16xf32>
        scf.yield %add3A_770, %add3A_779, %add3A_788, %add3A_797 : vector<16xf32>, vector<16xf32>, vector<16xf32>, vector<16xf32>
      }
      %scan3A_298 = arith.constant 200 : i32
      %mul3A_299 = arith.constant 4 : i32
      %mul3A_300 = arith.muli %add3A_262, %mul3A_299 : i32
      %add3A_301 = arith.constant 0 : i32
      %add3A_302 = arith.addi %mul3A_300, %add3A_301 : i32
      %mul3A_303 = arith.constant 5.000000e-03 : f32
      %mul3A_304 = vector.broadcast %mul3A_303 : f32 to vector<16xf32>
      %mul3A_305 = arith.mulf %scan3A_297#0, %mul3A_304 : vector<16xf32>
      %swap3A_306 = arith.index_cast %add3A_302 : i32 to index
      %swap3A_307 = arith.constant 0 : index
      %swap3A_308 = tpu.vector_load %arg8[%swap3A_306, %swap3A_307] {strides = array<i32>} : memref<128x64xf32, #tpu.memory_space<vmem>>, vector<1x16xf32>,
      %swap3A_309 = vector.shape_cast %swap3A_308 : vector<1x16xf32> to vector<16xf32>
      %swap3A_310 = vector.shape_cast %mul3A_305 : vector<16xf32> to vector<1x16xf32>
      tpu.vector_store %arg8[%swap3A_306, %swap3A_307], %swap3A_310 {strides = array<i32>} : memref<128x64xf32, #tpu.memory_space<vmem>>, vector<1x16xf32>,
      %mul3A_311 = arith.constant 5.000000e-03 : f32
      %mul3A_312 = vector.broadcast %mul3A_311 : f32 to vector<16xf32>
      %mul3A_313 = arith.mulf %scan3A_297#1, %mul3A_312 : vector<16xf32>
      %swap3A_314 = arith.index_cast %add3A_302 : i32 to index
      %swap3A_315 = arith.constant 16 : index
      %swap3A_316 = tpu.vector_load %arg8[%swap3A_314, %swap3A_315] {strides = array<i32>} : memref<128x64xf32, #tpu.memory_space<vmem>>, vector<1x16xf32>,
      %swap3A_317 = vector.shape_cast %swap3A_316 : vector<1x16xf32> to vector<16xf32>
      %swap3A_318 = vector.shape_cast %mul3A_313 : vector<16xf32> to vector<1x16xf32>
      tpu.vector_store %arg8[%swap3A_314, %swap3A_315], %swap3A_318 {strides = array<i32>} : memref<128x64xf32, #tpu.memory_space<vmem>>, vector<1x16xf32>,
      %mul3A_319 = arith.constant 5.000000e-03 : f32
      %mul3A_320 = vector.broadcast %mul3A_319 : f32 to vector<16xf32>
      %mul3A_321 = arith.mulf %scan3A_297#2, %mul3A_320 : vector<16xf32>
      %swap3A_322 = arith.index_cast %add3A_302 : i32 to index
      %swap3A_323 = arith.constant 32 : index
      %swap3A_324 = tpu.vector_load %arg8[%swap3A_322, %swap3A_323] {strides = array<i32>} : memref<128x64xf32, #tpu.memory_space<vmem>>, vector<1x16xf32>,
      %swap3A_325 = vector.shape_cast %swap3A_324 : vector<1x16xf32> to vector<16xf32>
      %swap3A_326 = vector.shape_cast %mul3A_321 : vector<16xf32> to vector<1x16xf32>
      tpu.vector_store %arg8[%swap3A_322, %swap3A_323], %swap3A_326 {strides = array<i32>} : memref<128x64xf32, #tpu.memory_space<vmem>>, vector<1x16xf32>,
      %mul3A_327 = arith.constant 5.000000e-03 : f32
      %mul3A_328 = vector.broadcast %mul3A_327 : f32 to vector<16xf32>
      %mul3A_329 = arith.mulf %scan3A_297#3, %mul3A_328 : vector<16xf32>
      %swap3A_330 = arith.index_cast %add3A_302 : i32 to index
      %swap3A_331 = arith.constant 48 : index
      %swap3A_332 = tpu.vector_load %arg8[%swap3A_330, %swap3A_331] {strides = array<i32>} : memref<128x64xf32, #tpu.memory_space<vmem>>, vector<1x16xf32>,
      %swap3A_333 = vector.shape_cast %swap3A_332 : vector<1x16xf32> to vector<16xf32>
      %swap3A_334 = vector.shape_cast %mul3A_329 : vector<16xf32> to vector<1x16xf32>
      tpu.vector_store %arg8[%swap3A_330, %swap3A_331], %swap3A_334 {strides = array<i32>} : memref<128x64xf32, #tpu.memory_space<vmem>>, vector<1x16xf32>,
      %broadcast_in_dim3A_335 = arith.constant 0.000000e+00 : f32
      %broadcast_in_dim3A_336 = vector.broadcast %broadcast_in_dim3A_335 : f32 to vector<16xf32>
      %broadcast_in_dim3A_337 = arith.constant 0.000000e+00 : f32
      %broadcast_in_dim3A_338 = vector.broadcast %broadcast_in_dim3A_337 : f32 to vector<16xf32>
      %broadcast_in_dim3A_339 = arith.constant 0.000000e+00 : f32
      %broadcast_in_dim3A_340 = vector.broadcast %broadcast_in_dim3A_339 : f32 to vector<16xf32>
      %broadcast_in_dim3A_341 = arith.constant 0.000000e+00 : f32
      %broadcast_in_dim3A_342 = vector.broadcast %broadcast_in_dim3A_341 : f32 to vector<16xf32>
      %scan3A_343 = arith.constant 0 : i32
      %scan3A_344 = arith.constant 200 : i32
      %scan3A_345 = arith.addi %scan3A_343, %scan3A_344 : i32
      %scan3A_346 = arith.constant 8 : i32
      %scan3A_347:4 = scf.for %scan3A_492 = %scan3A_343 to %scan3A_345 step %scan3A_346 iter_args(%scan3A_493 = %broadcast_in_dim3A_336, %scan3A_494 = %broadcast_in_dim3A_338, %scan3A_495 = %broadcast_in_dim3A_340, %scan3A_496 = %broadcast_in_dim3A_342) -> (vector<16xf32>, vector<16xf32>, vector<16xf32>, vector<16xf32>)  : i32 {
        %add3A_497 = arith.constant 200 : i32
        %add3A_498 = arith.addi %add3A_497, %scan3A_492 : i32
        %get3A = arith.constant 1 : i32
        %get3A_499 = arith.index_cast %get3A : i32 to index
        %get3A_500 = arith.index_cast %add3A_498 : i32 to index
        %get3A_501 = arith.constant 0 : index
        %get3A_502 = tpu.vector_load %arg7[%get3A_499, %get3A_500, %get3A_501] {strides = array<i32>} : memref<2x800x64xf32, #tpu.memory_space<vmem>>, vector<1x1x16xf32>,
        %get3A_503 = vector.shape_cast %get3A_502 : vector<1x1x16xf32> to vector<16xf32>
        %add3A_504 = arith.addf %scan3A_493, %get3A_503 : vector<16xf32>
        %add3A_505 = arith.constant 200 : i32
        %add3A_506 = arith.addi %add3A_505, %scan3A_492 : i32
        %get3A_507 = arith.constant 1 : i32
        %get3A_508 = arith.index_cast %get3A_507 : i32 to index
        %get3A_509 = arith.index_cast %add3A_506 : i32 to index
        %get3A_510 = arith.constant 16 : index
        %get3A_511 = tpu.vector_load %arg7[%get3A_508, %get3A_509, %get3A_510] {strides = array<i32>} : memref<2x800x64xf32, #tpu.memory_space<vmem>>, vector<1x1x16xf32>,
        %get3A_512 = vector.shape_cast %get3A_511 : vector<1x1x16xf32> to vector<16xf32>
        %add3A_513 = arith.addf %scan3A_494, %get3A_512 : vector<16xf32>
        %add3A_514 = arith.constant 200 : i32
        %add3A_515 = arith.addi %add3A_514, %scan3A_492 : i32
        %get3A_516 = arith.constant 1 : i32
        %get3A_517 = arith.index_cast %get3A_516 : i32 to index
        %get3A_518 = arith.index_cast %add3A_515 : i32 to index
        %get3A_519 = arith.constant 32 : index
        %get3A_520 = tpu.vector_load %arg7[%get3A_517, %get3A_518, %get3A_519] {strides = array<i32>} : memref<2x800x64xf32, #tpu.memory_space<vmem>>, vector<1x1x16xf32>,
        %get3A_521 = vector.shape_cast %get3A_520 : vector<1x1x16xf32> to vector<16xf32>
        %add3A_522 = arith.addf %scan3A_495, %get3A_521 : vector<16xf32>
        %add3A_523 = arith.constant 200 : i32
        %add3A_524 = arith.addi %add3A_523, %scan3A_492 : i32
        %get3A_525 = arith.constant 1 : i32
        %get3A_526 = arith.index_cast %get3A_525 : i32 to index
        %get3A_527 = arith.index_cast %add3A_524 : i32 to index
        %get3A_528 = arith.constant 48 : index
        %get3A_529 = tpu.vector_load %arg7[%get3A_526, %get3A_527, %get3A_528] {strides = array<i32>} : memref<2x800x64xf32, #tpu.memory_space<vmem>>, vector<1x1x16xf32>,
        %get3A_530 = vector.shape_cast %get3A_529 : vector<1x1x16xf32> to vector<16xf32>
        %add3A_531 = arith.addf %scan3A_496, %get3A_530 : vector<16xf32>
        %scan3A_532 = arith.constant 1 : i32
        %scan3A_533 = arith.addi %scan3A_492, %scan3A_532 : i32
        %add3A_534 = arith.constant 200 : i32
        %add3A_535 = arith.addi %add3A_534, %scan3A_533 : i32
        %get3A_536 = arith.constant 1 : i32
        %get3A_537 = arith.index_cast %get3A_536 : i32 to index
        %get3A_538 = arith.index_cast %add3A_535 : i32 to index
        %get3A_539 = arith.constant 0 : index
        %get3A_540 = tpu.vector_load %arg7[%get3A_537, %get3A_538, %get3A_539] {strides = array<i32>} : memref<2x800x64xf32, #tpu.memory_space<vmem>>, vector<1x1x16xf32>,
        %get3A_541 = vector.shape_cast %get3A_540 : vector<1x1x16xf32> to vector<16xf32>
        %add3A_542 = arith.addf %add3A_504, %get3A_541 : vector<16xf32>
        %add3A_543 = arith.constant 200 : i32
        %add3A_544 = arith.addi %add3A_543, %scan3A_533 : i32
        %get3A_545 = arith.constant 1 : i32
        %get3A_546 = arith.index_cast %get3A_545 : i32 to index
        %get3A_547 = arith.index_cast %add3A_544 : i32 to index
        %get3A_548 = arith.constant 16 : index
        %get3A_549 = tpu.vector_load %arg7[%get3A_546, %get3A_547, %get3A_548] {strides = array<i32>} : memref<2x800x64xf32, #tpu.memory_space<vmem>>, vector<1x1x16xf32>,
        %get3A_550 = vector.shape_cast %get3A_549 : vector<1x1x16xf32> to vector<16xf32>
        %add3A_551 = arith.addf %add3A_513, %get3A_550 : vector<16xf32>
        %add3A_552 = arith.constant 200 : i32
        %add3A_553 = arith.addi %add3A_552, %scan3A_533 : i32
        %get3A_554 = arith.constant 1 : i32
        %get3A_555 = arith.index_cast %get3A_554 : i32 to index
        %get3A_556 = arith.index_cast %add3A_553 : i32 to index
        %get3A_557 = arith.constant 32 : index
        %get3A_558 = tpu.vector_load %arg7[%get3A_555, %get3A_556, %get3A_557] {strides = array<i32>} : memref<2x800x64xf32, #tpu.memory_space<vmem>>, vector<1x1x16xf32>,
        %get3A_559 = vector.shape_cast %get3A_558 : vector<1x1x16xf32> to vector<16xf32>
        %add3A_560 = arith.addf %add3A_522, %get3A_559 : vector<16xf32>
        %add3A_561 = arith.constant 200 : i32
        %add3A_562 = arith.addi %add3A_561, %scan3A_533 : i32
        %get3A_563 = arith.constant 1 : i32
        %get3A_564 = arith.index_cast %get3A_563 : i32 to index
        %get3A_565 = arith.index_cast %add3A_562 : i32 to index
        %get3A_566 = arith.constant 48 : index
        %get3A_567 = tpu.vector_load %arg7[%get3A_564, %get3A_565, %get3A_566] {strides = array<i32>} : memref<2x800x64xf32, #tpu.memory_space<vmem>>, vector<1x1x16xf32>,
        %get3A_568 = vector.shape_cast %get3A_567 : vector<1x1x16xf32> to vector<16xf32>
        %add3A_569 = arith.addf %add3A_531, %get3A_568 : vector<16xf32>
        %scan3A_570 = arith.constant 2 : i32
        %scan3A_571 = arith.addi %scan3A_492, %scan3A_570 : i32
        %add3A_572 = arith.constant 200 : i32
        %add3A_573 = arith.addi %add3A_572, %scan3A_571 : i32
        %get3A_574 = arith.constant 1 : i32
        %get3A_575 = arith.index_cast %get3A_574 : i32 to index
        %get3A_576 = arith.index_cast %add3A_573 : i32 to index
        %get3A_577 = arith.constant 0 : index
        %get3A_578 = tpu.vector_load %arg7[%get3A_575, %get3A_576, %get3A_577] {strides = array<i32>} : memref<2x800x64xf32, #tpu.memory_space<vmem>>, vector<1x1x16xf32>,
        %get3A_579 = vector.shape_cast %get3A_578 : vector<1x1x16xf32> to vector<16xf32>
        %add3A_580 = arith.addf %add3A_542, %get3A_579 : vector<16xf32>
        %add3A_581 = arith.constant 200 : i32
        %add3A_582 = arith.addi %add3A_581, %scan3A_571 : i32
        %get3A_583 = arith.constant 1 : i32
        %get3A_584 = arith.index_cast %get3A_583 : i32 to index
        %get3A_585 = arith.index_cast %add3A_582 : i32 to index
        %get3A_586 = arith.constant 16 : index
        %get3A_587 = tpu.vector_load %arg7[%get3A_584, %get3A_585, %get3A_586] {strides = array<i32>} : memref<2x800x64xf32, #tpu.memory_space<vmem>>, vector<1x1x16xf32>,
        %get3A_588 = vector.shape_cast %get3A_587 : vector<1x1x16xf32> to vector<16xf32>
        %add3A_589 = arith.addf %add3A_551, %get3A_588 : vector<16xf32>
        %add3A_590 = arith.constant 200 : i32
        %add3A_591 = arith.addi %add3A_590, %scan3A_571 : i32
        %get3A_592 = arith.constant 1 : i32
        %get3A_593 = arith.index_cast %get3A_592 : i32 to index
        %get3A_594 = arith.index_cast %add3A_591 : i32 to index
        %get3A_595 = arith.constant 32 : index
        %get3A_596 = tpu.vector_load %arg7[%get3A_593, %get3A_594, %get3A_595] {strides = array<i32>} : memref<2x800x64xf32, #tpu.memory_space<vmem>>, vector<1x1x16xf32>,
        %get3A_597 = vector.shape_cast %get3A_596 : vector<1x1x16xf32> to vector<16xf32>
        %add3A_598 = arith.addf %add3A_560, %get3A_597 : vector<16xf32>
        %add3A_599 = arith.constant 200 : i32
        %add3A_600 = arith.addi %add3A_599, %scan3A_571 : i32
        %get3A_601 = arith.constant 1 : i32
        %get3A_602 = arith.index_cast %get3A_601 : i32 to index
        %get3A_603 = arith.index_cast %add3A_600 : i32 to index
        %get3A_604 = arith.constant 48 : index
        %get3A_605 = tpu.vector_load %arg7[%get3A_602, %get3A_603, %get3A_604] {strides = array<i32>} : memref<2x800x64xf32, #tpu.memory_space<vmem>>, vector<1x1x16xf32>,
        %get3A_606 = vector.shape_cast %get3A_605 : vector<1x1x16xf32> to vector<16xf32>
        %add3A_607 = arith.addf %add3A_569, %get3A_606 : vector<16xf32>
        %scan3A_608 = arith.constant 3 : i32
        %scan3A_609 = arith.addi %scan3A_492, %scan3A_608 : i32
        %add3A_610 = arith.constant 200 : i32
        %add3A_611 = arith.addi %add3A_610, %scan3A_609 : i32
        %get3A_612 = arith.constant 1 : i32
        %get3A_613 = arith.index_cast %get3A_612 : i32 to index
        %get3A_614 = arith.index_cast %add3A_611 : i32 to index
        %get3A_615 = arith.constant 0 : index
        %get3A_616 = tpu.vector_load %arg7[%get3A_613, %get3A_614, %get3A_615] {strides = array<i32>} : memref<2x800x64xf32, #tpu.memory_space<vmem>>, vector<1x1x16xf32>,
        %get3A_617 = vector.shape_cast %get3A_616 : vector<1x1x16xf32> to vector<16xf32>
        %add3A_618 = arith.addf %add3A_580, %get3A_617 : vector<16xf32>
        %add3A_619 = arith.constant 200 : i32
        %add3A_620 = arith.addi %add3A_619, %scan3A_609 : i32
        %get3A_621 = arith.constant 1 : i32
        %get3A_622 = arith.index_cast %get3A_621 : i32 to index
        %get3A_623 = arith.index_cast %add3A_620 : i32 to index
        %get3A_624 = arith.constant 16 : index
        %get3A_625 = tpu.vector_load %arg7[%get3A_622, %get3A_623, %get3A_624] {strides = array<i32>} : memref<2x800x64xf32, #tpu.memory_space<vmem>>, vector<1x1x16xf32>,
        %get3A_626 = vector.shape_cast %get3A_625 : vector<1x1x16xf32> to vector<16xf32>
        %add3A_627 = arith.addf %add3A_589, %get3A_626 : vector<16xf32>
        %add3A_628 = arith.constant 200 : i32
        %add3A_629 = arith.addi %add3A_628, %scan3A_609 : i32
        %get3A_630 = arith.constant 1 : i32
        %get3A_631 = arith.index_cast %get3A_630 : i32 to index
        %get3A_632 = arith.index_cast %add3A_629 : i32 to index
        %get3A_633 = arith.constant 32 : index
        %get3A_634 = tpu.vector_load %arg7[%get3A_631, %get3A_632, %get3A_633] {strides = array<i32>} : memref<2x800x64xf32, #tpu.memory_space<vmem>>, vector<1x1x16xf32>,
        %get3A_635 = vector.shape_cast %get3A_634 : vector<1x1x16xf32> to vector<16xf32>
        %add3A_636 = arith.addf %add3A_598, %get3A_635 : vector<16xf32>
        %add3A_637 = arith.constant 200 : i32
        %add3A_638 = arith.addi %add3A_637, %scan3A_609 : i32
        %get3A_639 = arith.constant 1 : i32
        %get3A_640 = arith.index_cast %get3A_639 : i32 to index
        %get3A_641 = arith.index_cast %add3A_638 : i32 to index
        %get3A_642 = arith.constant 48 : index
        %get3A_643 = tpu.vector_load %arg7[%get3A_640, %get3A_641, %get3A_642] {strides = array<i32>} : memref<2x800x64xf32, #tpu.memory_space<vmem>>, vector<1x1x16xf32>,
        %get3A_644 = vector.shape_cast %get3A_643 : vector<1x1x16xf32> to vector<16xf32>
        %add3A_645 = arith.addf %add3A_607, %get3A_644 : vector<16xf32>
        %scan3A_646 = arith.constant 4 : i32
        %scan3A_647 = arith.addi %scan3A_492, %scan3A_646 : i32
        %add3A_648 = arith.constant 200 : i32
        %add3A_649 = arith.addi %add3A_648, %scan3A_647 : i32
        %get3A_650 = arith.constant 1 : i32
        %get3A_651 = arith.index_cast %get3A_650 : i32 to index
        %get3A_652 = arith.index_cast %add3A_649 : i32 to index
        %get3A_653 = arith.constant 0 : index
        %get3A_654 = tpu.vector_load %arg7[%get3A_651, %get3A_652, %get3A_653] {strides = array<i32>} : memref<2x800x64xf32, #tpu.memory_space<vmem>>, vector<1x1x16xf32>,
        %get3A_655 = vector.shape_cast %get3A_654 : vector<1x1x16xf32> to vector<16xf32>
        %add3A_656 = arith.addf %add3A_618, %get3A_655 : vector<16xf32>
        %add3A_657 = arith.constant 200 : i32
        %add3A_658 = arith.addi %add3A_657, %scan3A_647 : i32
        %get3A_659 = arith.constant 1 : i32
        %get3A_660 = arith.index_cast %get3A_659 : i32 to index
        %get3A_661 = arith.index_cast %add3A_658 : i32 to index
        %get3A_662 = arith.constant 16 : index
        %get3A_663 = tpu.vector_load %arg7[%get3A_660, %get3A_661, %get3A_662] {strides = array<i32>} : memref<2x800x64xf32, #tpu.memory_space<vmem>>, vector<1x1x16xf32>,
        %get3A_664 = vector.shape_cast %get3A_663 : vector<1x1x16xf32> to vector<16xf32>
        %add3A_665 = arith.addf %add3A_627, %get3A_664 : vector<16xf32>
        %add3A_666 = arith.constant 200 : i32
        %add3A_667 = arith.addi %add3A_666, %scan3A_647 : i32
        %get3A_668 = arith.constant 1 : i32
        %get3A_669 = arith.index_cast %get3A_668 : i32 to index
        %get3A_670 = arith.index_cast %add3A_667 : i32 to index
        %get3A_671 = arith.constant 32 : index
        %get3A_672 = tpu.vector_load %arg7[%get3A_669, %get3A_670, %get3A_671] {strides = array<i32>} : memref<2x800x64xf32, #tpu.memory_space<vmem>>, vector<1x1x16xf32>,
        %get3A_673 = vector.shape_cast %get3A_672 : vector<1x1x16xf32> to vector<16xf32>
        %add3A_674 = arith.addf %add3A_636, %get3A_673 : vector<16xf32>
        %add3A_675 = arith.constant 200 : i32
        %add3A_676 = arith.addi %add3A_675, %scan3A_647 : i32
        %get3A_677 = arith.constant 1 : i32
        %get3A_678 = arith.index_cast %get3A_677 : i32 to index
        %get3A_679 = arith.index_cast %add3A_676 : i32 to index
        %get3A_680 = arith.constant 48 : index
        %get3A_681 = tpu.vector_load %arg7[%get3A_678, %get3A_679, %get3A_680] {strides = array<i32>} : memref<2x800x64xf32, #tpu.memory_space<vmem>>, vector<1x1x16xf32>,
        %get3A_682 = vector.shape_cast %get3A_681 : vector<1x1x16xf32> to vector<16xf32>
        %add3A_683 = arith.addf %add3A_645, %get3A_682 : vector<16xf32>
        %scan3A_684 = arith.constant 5 : i32
        %scan3A_685 = arith.addi %scan3A_492, %scan3A_684 : i32
        %add3A_686 = arith.constant 200 : i32
        %add3A_687 = arith.addi %add3A_686, %scan3A_685 : i32
        %get3A_688 = arith.constant 1 : i32
        %get3A_689 = arith.index_cast %get3A_688 : i32 to index
        %get3A_690 = arith.index_cast %add3A_687 : i32 to index
        %get3A_691 = arith.constant 0 : index
        %get3A_692 = tpu.vector_load %arg7[%get3A_689, %get3A_690, %get3A_691] {strides = array<i32>} : memref<2x800x64xf32, #tpu.memory_space<vmem>>, vector<1x1x16xf32>,
        %get3A_693 = vector.shape_cast %get3A_692 : vector<1x1x16xf32> to vector<16xf32>
        %add3A_694 = arith.addf %add3A_656, %get3A_693 : vector<16xf32>
        %add3A_695 = arith.constant 200 : i32
        %add3A_696 = arith.addi %add3A_695, %scan3A_685 : i32
        %get3A_697 = arith.constant 1 : i32
        %get3A_698 = arith.index_cast %get3A_697 : i32 to index
        %get3A_699 = arith.index_cast %add3A_696 : i32 to index
        %get3A_700 = arith.constant 16 : index
        %get3A_701 = tpu.vector_load %arg7[%get3A_698, %get3A_699, %get3A_700] {strides = array<i32>} : memref<2x800x64xf32, #tpu.memory_space<vmem>>, vector<1x1x16xf32>,
        %get3A_702 = vector.shape_cast %get3A_701 : vector<1x1x16xf32> to vector<16xf32>
        %add3A_703 = arith.addf %add3A_665, %get3A_702 : vector<16xf32>
        %add3A_704 = arith.constant 200 : i32
        %add3A_705 = arith.addi %add3A_704, %scan3A_685 : i32
        %get3A_706 = arith.constant 1 : i32
        %get3A_707 = arith.index_cast %get3A_706 : i32 to index
        %get3A_708 = arith.index_cast %add3A_705 : i32 to index
        %get3A_709 = arith.constant 32 : index
        %get3A_710 = tpu.vector_load %arg7[%get3A_707, %get3A_708, %get3A_709] {strides = array<i32>} : memref<2x800x64xf32, #tpu.memory_space<vmem>>, vector<1x1x16xf32>,
        %get3A_711 = vector.shape_cast %get3A_710 : vector<1x1x16xf32> to vector<16xf32>
        %add3A_712 = arith.addf %add3A_674, %get3A_711 : vector<16xf32>
        %add3A_713 = arith.constant 200 : i32
        %add3A_714 = arith.addi %add3A_713, %scan3A_685 : i32
        %get3A_715 = arith.constant 1 : i32
        %get3A_716 = arith.index_cast %get3A_715 : i32 to index
        %get3A_717 = arith.index_cast %add3A_714 : i32 to index
        %get3A_718 = arith.constant 48 : index
        %get3A_719 = tpu.vector_load %arg7[%get3A_716, %get3A_717, %get3A_718] {strides = array<i32>} : memref<2x800x64xf32, #tpu.memory_space<vmem>>, vector<1x1x16xf32>,
        %get3A_720 = vector.shape_cast %get3A_719 : vector<1x1x16xf32> to vector<16xf32>
        %add3A_721 = arith.addf %add3A_683, %get3A_720 : vector<16xf32>
        %scan3A_722 = arith.constant 6 : i32
        %scan3A_723 = arith.addi %scan3A_492, %scan3A_722 : i32
        %add3A_724 = arith.constant 200 : i32
        %add3A_725 = arith.addi %add3A_724, %scan3A_723 : i32
        %get3A_726 = arith.constant 1 : i32
        %get3A_727 = arith.index_cast %get3A_726 : i32 to index
        %get3A_728 = arith.index_cast %add3A_725 : i32 to index
        %get3A_729 = arith.constant 0 : index
        %get3A_730 = tpu.vector_load %arg7[%get3A_727, %get3A_728, %get3A_729] {strides = array<i32>} : memref<2x800x64xf32, #tpu.memory_space<vmem>>, vector<1x1x16xf32>,
        %get3A_731 = vector.shape_cast %get3A_730 : vector<1x1x16xf32> to vector<16xf32>
        %add3A_732 = arith.addf %add3A_694, %get3A_731 : vector<16xf32>
        %add3A_733 = arith.constant 200 : i32
        %add3A_734 = arith.addi %add3A_733, %scan3A_723 : i32
        %get3A_735 = arith.constant 1 : i32
        %get3A_736 = arith.index_cast %get3A_735 : i32 to index
        %get3A_737 = arith.index_cast %add3A_734 : i32 to index
        %get3A_738 = arith.constant 16 : index
        %get3A_739 = tpu.vector_load %arg7[%get3A_736, %get3A_737, %get3A_738] {strides = array<i32>} : memref<2x800x64xf32, #tpu.memory_space<vmem>>, vector<1x1x16xf32>,
        %get3A_740 = vector.shape_cast %get3A_739 : vector<1x1x16xf32> to vector<16xf32>
        %add3A_741 = arith.addf %add3A_703, %get3A_740 : vector<16xf32>
        %add3A_742 = arith.constant 200 : i32
        %add3A_743 = arith.addi %add3A_742, %scan3A_723 : i32
        %get3A_744 = arith.constant 1 : i32
        %get3A_745 = arith.index_cast %get3A_744 : i32 to index
        %get3A_746 = arith.index_cast %add3A_743 : i32 to index
        %get3A_747 = arith.constant 32 : index
        %get3A_748 = tpu.vector_load %arg7[%get3A_745, %get3A_746, %get3A_747] {strides = array<i32>} : memref<2x800x64xf32, #tpu.memory_space<vmem>>, vector<1x1x16xf32>,
        %get3A_749 = vector.shape_cast %get3A_748 : vector<1x1x16xf32> to vector<16xf32>
        %add3A_750 = arith.addf %add3A_712, %get3A_749 : vector<16xf32>
        %add3A_751 = arith.constant 200 : i32
        %add3A_752 = arith.addi %add3A_751, %scan3A_723 : i32
        %get3A_753 = arith.constant 1 : i32
        %get3A_754 = arith.index_cast %get3A_753 : i32 to index
        %get3A_755 = arith.index_cast %add3A_752 : i32 to index
        %get3A_756 = arith.constant 48 : index
        %get3A_757 = tpu.vector_load %arg7[%get3A_754, %get3A_755, %get3A_756] {strides = array<i32>} : memref<2x800x64xf32, #tpu.memory_space<vmem>>, vector<1x1x16xf32>,
        %get3A_758 = vector.shape_cast %get3A_757 : vector<1x1x16xf32> to vector<16xf32>
        %add3A_759 = arith.addf %add3A_721, %get3A_758 : vector<16xf32>
        %scan3A_760 = arith.constant 7 : i32
        %scan3A_761 = arith.addi %scan3A_492, %scan3A_760 : i32
        %add3A_762 = arith.constant 200 : i32
        %add3A_763 = arith.addi %add3A_762, %scan3A_761 : i32
        %get3A_764 = arith.constant 1 : i32
        %get3A_765 = arith.index_cast %get3A_764 : i32 to index
        %get3A_766 = arith.index_cast %add3A_763 : i32 to index
        %get3A_767 = arith.constant 0 : index
        %get3A_768 = tpu.vector_load %arg7[%get3A_765, %get3A_766, %get3A_767] {strides = array<i32>} : memref<2x800x64xf32, #tpu.memory_space<vmem>>, vector<1x1x16xf32>,
        %get3A_769 = vector.shape_cast %get3A_768 : vector<1x1x16xf32> to vector<16xf32>
        %add3A_770 = arith.addf %add3A_732, %get3A_769 : vector<16xf32>
        %add3A_771 = arith.constant 200 : i32
        %add3A_772 = arith.addi %add3A_771, %scan3A_761 : i32
        %get3A_773 = arith.constant 1 : i32
        %get3A_774 = arith.index_cast %get3A_773 : i32 to index
        %get3A_775 = arith.index_cast %add3A_772 : i32 to index
        %get3A_776 = arith.constant 16 : index
        %get3A_777 = tpu.vector_load %arg7[%get3A_774, %get3A_775, %get3A_776] {strides = array<i32>} : memref<2x800x64xf32, #tpu.memory_space<vmem>>, vector<1x1x16xf32>,
        %get3A_778 = vector.shape_cast %get3A_777 : vector<1x1x16xf32> to vector<16xf32>
        %add3A_779 = arith.addf %add3A_741, %get3A_778 : vector<16xf32>
        %add3A_780 = arith.constant 200 : i32
        %add3A_781 = arith.addi %add3A_780, %scan3A_761 : i32
        %get3A_782 = arith.constant 1 : i32
        %get3A_783 = arith.index_cast %get3A_782 : i32 to index
        %get3A_784 = arith.index_cast %add3A_781 : i32 to index
        %get3A_785 = arith.constant 32 : index
        %get3A_786 = tpu.vector_load %arg7[%get3A_783, %get3A_784, %get3A_785] {strides = array<i32>} : memref<2x800x64xf32, #tpu.memory_space<vmem>>, vector<1x1x16xf32>,
        %get3A_787 = vector.shape_cast %get3A_786 : vector<1x1x16xf32> to vector<16xf32>
        %add3A_788 = arith.addf %add3A_750, %get3A_787 : vector<16xf32>
        %add3A_789 = arith.constant 200 : i32
        %add3A_790 = arith.addi %add3A_789, %scan3A_761 : i32
        %get3A_791 = arith.constant 1 : i32
        %get3A_792 = arith.index_cast %get3A_791 : i32 to index
        %get3A_793 = arith.index_cast %add3A_790 : i32 to index
        %get3A_794 = arith.constant 48 : index
        %get3A_795 = tpu.vector_load %arg7[%get3A_792, %get3A_793, %get3A_794] {strides = array<i32>} : memref<2x800x64xf32, #tpu.memory_space<vmem>>, vector<1x1x16xf32>,
        %get3A_796 = vector.shape_cast %get3A_795 : vector<1x1x16xf32> to vector<16xf32>
        %add3A_797 = arith.addf %add3A_759, %get3A_796 : vector<16xf32>
        scf.yield %add3A_770, %add3A_779, %add3A_788, %add3A_797 : vector<16xf32>, vector<16xf32>, vector<16xf32>, vector<16xf32>
      }
      %scan3A_348 = arith.constant 200 : i32
      %mul3A_349 = arith.constant 4 : i32
      %mul3A_350 = arith.muli %add3A_262, %mul3A_349 : i32
      %add3A_351 = arith.constant 1 : i32
      %add3A_352 = arith.addi %mul3A_350, %add3A_351 : i32
      %mul3A_353 = arith.constant 5.000000e-03 : f32
      %mul3A_354 = vector.broadcast %mul3A_353 : f32 to vector<16xf32>
      %mul3A_355 = arith.mulf %scan3A_347#0, %mul3A_354 : vector<16xf32>
      %swap3A_356 = arith.index_cast %add3A_352 : i32 to index
      %swap3A_357 = arith.constant 0 : index
      %swap3A_358 = tpu.vector_load %arg8[%swap3A_356, %swap3A_357] {strides = array<i32>} : memref<128x64xf32, #tpu.memory_space<vmem>>, vector<1x16xf32>,
      %swap3A_359 = vector.shape_cast %swap3A_358 : vector<1x16xf32> to vector<16xf32>
      %swap3A_360 = vector.shape_cast %mul3A_355 : vector<16xf32> to vector<1x16xf32>
      tpu.vector_store %arg8[%swap3A_356, %swap3A_357], %swap3A_360 {strides = array<i32>} : memref<128x64xf32, #tpu.memory_space<vmem>>, vector<1x16xf32>,
      %mul3A_361 = arith.constant 5.000000e-03 : f32
      %mul3A_362 = vector.broadcast %mul3A_361 : f32 to vector<16xf32>
      %mul3A_363 = arith.mulf %scan3A_347#1, %mul3A_362 : vector<16xf32>
      %swap3A_364 = arith.index_cast %add3A_352 : i32 to index
      %swap3A_365 = arith.constant 16 : index
      %swap3A_366 = tpu.vector_load %arg8[%swap3A_364, %swap3A_365] {strides = array<i32>} : memref<128x64xf32, #tpu.memory_space<vmem>>, vector<1x16xf32>,
      %swap3A_367 = vector.shape_cast %swap3A_366 : vector<1x16xf32> to vector<16xf32>
      %swap3A_368 = vector.shape_cast %mul3A_363 : vector<16xf32> to vector<1x16xf32>
      tpu.vector_store %arg8[%swap3A_364, %swap3A_365], %swap3A_368 {strides = array<i32>} : memref<128x64xf32, #tpu.memory_space<vmem>>, vector<1x16xf32>,
      %mul3A_369 = arith.constant 5.000000e-03 : f32
      %mul3A_370 = vector.broadcast %mul3A_369 : f32 to vector<16xf32>
      %mul3A_371 = arith.mulf %scan3A_347#2, %mul3A_370 : vector<16xf32>
      %swap3A_372 = arith.index_cast %add3A_352 : i32 to index
      %swap3A_373 = arith.constant 32 : index
      %swap3A_374 = tpu.vector_load %arg8[%swap3A_372, %swap3A_373] {strides = array<i32>} : memref<128x64xf32, #tpu.memory_space<vmem>>, vector<1x16xf32>,
      %swap3A_375 = vector.shape_cast %swap3A_374 : vector<1x16xf32> to vector<16xf32>
      %swap3A_376 = vector.shape_cast %mul3A_371 : vector<16xf32> to vector<1x16xf32>
      tpu.vector_store %arg8[%swap3A_372, %swap3A_373], %swap3A_376 {strides = array<i32>} : memref<128x64xf32, #tpu.memory_space<vmem>>, vector<1x16xf32>,
      %mul3A_377 = arith.constant 5.000000e-03 : f32
      %mul3A_378 = vector.broadcast %mul3A_377 : f32 to vector<16xf32>
      %mul3A_379 = arith.mulf %scan3A_347#3, %mul3A_378 : vector<16xf32>
      %swap3A_380 = arith.index_cast %add3A_352 : i32 to index
      %swap3A_381 = arith.constant 48 : index
      %swap3A_382 = tpu.vector_load %arg8[%swap3A_380, %swap3A_381] {strides = array<i32>} : memref<128x64xf32, #tpu.memory_space<vmem>>, vector<1x16xf32>,
      %swap3A_383 = vector.shape_cast %swap3A_382 : vector<1x16xf32> to vector<16xf32>
      %swap3A_384 = vector.shape_cast %mul3A_379 : vector<16xf32> to vector<1x16xf32>
      tpu.vector_store %arg8[%swap3A_380, %swap3A_381], %swap3A_384 {strides = array<i32>} : memref<128x64xf32, #tpu.memory_space<vmem>>, vector<1x16xf32>,
      %broadcast_in_dim3A_385 = arith.constant 0.000000e+00 : f32
      %broadcast_in_dim3A_386 = vector.broadcast %broadcast_in_dim3A_385 : f32 to vector<16xf32>
      %broadcast_in_dim3A_387 = arith.constant 0.000000e+00 : f32
      %broadcast_in_dim3A_388 = vector.broadcast %broadcast_in_dim3A_387 : f32 to vector<16xf32>
      %broadcast_in_dim3A_389 = arith.constant 0.000000e+00 : f32
      %broadcast_in_dim3A_390 = vector.broadcast %broadcast_in_dim3A_389 : f32 to vector<16xf32>
      %broadcast_in_dim3A_391 = arith.constant 0.000000e+00 : f32
      %broadcast_in_dim3A_392 = vector.broadcast %broadcast_in_dim3A_391 : f32 to vector<16xf32>
      %scan3A_393 = arith.constant 0 : i32
      %scan3A_394 = arith.constant 200 : i32
      %scan3A_395 = arith.addi %scan3A_393, %scan3A_394 : i32
      %scan3A_396 = arith.constant 8 : i32
      %scan3A_397:4 = scf.for %scan3A_492 = %scan3A_393 to %scan3A_395 step %scan3A_396 iter_args(%scan3A_493 = %broadcast_in_dim3A_386, %scan3A_494 = %broadcast_in_dim3A_388, %scan3A_495 = %broadcast_in_dim3A_390, %scan3A_496 = %broadcast_in_dim3A_392) -> (vector<16xf32>, vector<16xf32>, vector<16xf32>, vector<16xf32>)  : i32 {
        %add3A_497 = arith.constant 400 : i32
        %add3A_498 = arith.addi %add3A_497, %scan3A_492 : i32
        %get3A = arith.constant 1 : i32
        %get3A_499 = arith.index_cast %get3A : i32 to index
        %get3A_500 = arith.index_cast %add3A_498 : i32 to index
        %get3A_501 = arith.constant 0 : index
        %get3A_502 = tpu.vector_load %arg7[%get3A_499, %get3A_500, %get3A_501] {strides = array<i32>} : memref<2x800x64xf32, #tpu.memory_space<vmem>>, vector<1x1x16xf32>,
        %get3A_503 = vector.shape_cast %get3A_502 : vector<1x1x16xf32> to vector<16xf32>
        %add3A_504 = arith.addf %scan3A_493, %get3A_503 : vector<16xf32>
        %add3A_505 = arith.constant 400 : i32
        %add3A_506 = arith.addi %add3A_505, %scan3A_492 : i32
        %get3A_507 = arith.constant 1 : i32
        %get3A_508 = arith.index_cast %get3A_507 : i32 to index
        %get3A_509 = arith.index_cast %add3A_506 : i32 to index
        %get3A_510 = arith.constant 16 : index
        %get3A_511 = tpu.vector_load %arg7[%get3A_508, %get3A_509, %get3A_510] {strides = array<i32>} : memref<2x800x64xf32, #tpu.memory_space<vmem>>, vector<1x1x16xf32>,
        %get3A_512 = vector.shape_cast %get3A_511 : vector<1x1x16xf32> to vector<16xf32>
        %add3A_513 = arith.addf %scan3A_494, %get3A_512 : vector<16xf32>
        %add3A_514 = arith.constant 400 : i32
        %add3A_515 = arith.addi %add3A_514, %scan3A_492 : i32
        %get3A_516 = arith.constant 1 : i32
        %get3A_517 = arith.index_cast %get3A_516 : i32 to index
        %get3A_518 = arith.index_cast %add3A_515 : i32 to index
        %get3A_519 = arith.constant 32 : index
        %get3A_520 = tpu.vector_load %arg7[%get3A_517, %get3A_518, %get3A_519] {strides = array<i32>} : memref<2x800x64xf32, #tpu.memory_space<vmem>>, vector<1x1x16xf32>,
        %get3A_521 = vector.shape_cast %get3A_520 : vector<1x1x16xf32> to vector<16xf32>
        %add3A_522 = arith.addf %scan3A_495, %get3A_521 : vector<16xf32>
        %add3A_523 = arith.constant 400 : i32
        %add3A_524 = arith.addi %add3A_523, %scan3A_492 : i32
        %get3A_525 = arith.constant 1 : i32
        %get3A_526 = arith.index_cast %get3A_525 : i32 to index
        %get3A_527 = arith.index_cast %add3A_524 : i32 to index
        %get3A_528 = arith.constant 48 : index
        %get3A_529 = tpu.vector_load %arg7[%get3A_526, %get3A_527, %get3A_528] {strides = array<i32>} : memref<2x800x64xf32, #tpu.memory_space<vmem>>, vector<1x1x16xf32>,
        %get3A_530 = vector.shape_cast %get3A_529 : vector<1x1x16xf32> to vector<16xf32>
        %add3A_531 = arith.addf %scan3A_496, %get3A_530 : vector<16xf32>
        %scan3A_532 = arith.constant 1 : i32
        %scan3A_533 = arith.addi %scan3A_492, %scan3A_532 : i32
        %add3A_534 = arith.constant 400 : i32
        %add3A_535 = arith.addi %add3A_534, %scan3A_533 : i32
        %get3A_536 = arith.constant 1 : i32
        %get3A_537 = arith.index_cast %get3A_536 : i32 to index
        %get3A_538 = arith.index_cast %add3A_535 : i32 to index
        %get3A_539 = arith.constant 0 : index
        %get3A_540 = tpu.vector_load %arg7[%get3A_537, %get3A_538, %get3A_539] {strides = array<i32>} : memref<2x800x64xf32, #tpu.memory_space<vmem>>, vector<1x1x16xf32>,
        %get3A_541 = vector.shape_cast %get3A_540 : vector<1x1x16xf32> to vector<16xf32>
        %add3A_542 = arith.addf %add3A_504, %get3A_541 : vector<16xf32>
        %add3A_543 = arith.constant 400 : i32
        %add3A_544 = arith.addi %add3A_543, %scan3A_533 : i32
        %get3A_545 = arith.constant 1 : i32
        %get3A_546 = arith.index_cast %get3A_545 : i32 to index
        %get3A_547 = arith.index_cast %add3A_544 : i32 to index
        %get3A_548 = arith.constant 16 : index
        %get3A_549 = tpu.vector_load %arg7[%get3A_546, %get3A_547, %get3A_548] {strides = array<i32>} : memref<2x800x64xf32, #tpu.memory_space<vmem>>, vector<1x1x16xf32>,
        %get3A_550 = vector.shape_cast %get3A_549 : vector<1x1x16xf32> to vector<16xf32>
        %add3A_551 = arith.addf %add3A_513, %get3A_550 : vector<16xf32>
        %add3A_552 = arith.constant 400 : i32
        %add3A_553 = arith.addi %add3A_552, %scan3A_533 : i32
        %get3A_554 = arith.constant 1 : i32
        %get3A_555 = arith.index_cast %get3A_554 : i32 to index
        %get3A_556 = arith.index_cast %add3A_553 : i32 to index
        %get3A_557 = arith.constant 32 : index
        %get3A_558 = tpu.vector_load %arg7[%get3A_555, %get3A_556, %get3A_557] {strides = array<i32>} : memref<2x800x64xf32, #tpu.memory_space<vmem>>, vector<1x1x16xf32>,
        %get3A_559 = vector.shape_cast %get3A_558 : vector<1x1x16xf32> to vector<16xf32>
        %add3A_560 = arith.addf %add3A_522, %get3A_559 : vector<16xf32>
        %add3A_561 = arith.constant 400 : i32
        %add3A_562 = arith.addi %add3A_561, %scan3A_533 : i32
        %get3A_563 = arith.constant 1 : i32
        %get3A_564 = arith.index_cast %get3A_563 : i32 to index
        %get3A_565 = arith.index_cast %add3A_562 : i32 to index
        %get3A_566 = arith.constant 48 : index
        %get3A_567 = tpu.vector_load %arg7[%get3A_564, %get3A_565, %get3A_566] {strides = array<i32>} : memref<2x800x64xf32, #tpu.memory_space<vmem>>, vector<1x1x16xf32>,
        %get3A_568 = vector.shape_cast %get3A_567 : vector<1x1x16xf32> to vector<16xf32>
        %add3A_569 = arith.addf %add3A_531, %get3A_568 : vector<16xf32>
        %scan3A_570 = arith.constant 2 : i32
        %scan3A_571 = arith.addi %scan3A_492, %scan3A_570 : i32
        %add3A_572 = arith.constant 400 : i32
        %add3A_573 = arith.addi %add3A_572, %scan3A_571 : i32
        %get3A_574 = arith.constant 1 : i32
        %get3A_575 = arith.index_cast %get3A_574 : i32 to index
        %get3A_576 = arith.index_cast %add3A_573 : i32 to index
        %get3A_577 = arith.constant 0 : index
        %get3A_578 = tpu.vector_load %arg7[%get3A_575, %get3A_576, %get3A_577] {strides = array<i32>} : memref<2x800x64xf32, #tpu.memory_space<vmem>>, vector<1x1x16xf32>,
        %get3A_579 = vector.shape_cast %get3A_578 : vector<1x1x16xf32> to vector<16xf32>
        %add3A_580 = arith.addf %add3A_542, %get3A_579 : vector<16xf32>
        %add3A_581 = arith.constant 400 : i32
        %add3A_582 = arith.addi %add3A_581, %scan3A_571 : i32
        %get3A_583 = arith.constant 1 : i32
        %get3A_584 = arith.index_cast %get3A_583 : i32 to index
        %get3A_585 = arith.index_cast %add3A_582 : i32 to index
        %get3A_586 = arith.constant 16 : index
        %get3A_587 = tpu.vector_load %arg7[%get3A_584, %get3A_585, %get3A_586] {strides = array<i32>} : memref<2x800x64xf32, #tpu.memory_space<vmem>>, vector<1x1x16xf32>,
        %get3A_588 = vector.shape_cast %get3A_587 : vector<1x1x16xf32> to vector<16xf32>
        %add3A_589 = arith.addf %add3A_551, %get3A_588 : vector<16xf32>
        %add3A_590 = arith.constant 400 : i32
        %add3A_591 = arith.addi %add3A_590, %scan3A_571 : i32
        %get3A_592 = arith.constant 1 : i32
        %get3A_593 = arith.index_cast %get3A_592 : i32 to index
        %get3A_594 = arith.index_cast %add3A_591 : i32 to index
        %get3A_595 = arith.constant 32 : index
        %get3A_596 = tpu.vector_load %arg7[%get3A_593, %get3A_594, %get3A_595] {strides = array<i32>} : memref<2x800x64xf32, #tpu.memory_space<vmem>>, vector<1x1x16xf32>,
        %get3A_597 = vector.shape_cast %get3A_596 : vector<1x1x16xf32> to vector<16xf32>
        %add3A_598 = arith.addf %add3A_560, %get3A_597 : vector<16xf32>
        %add3A_599 = arith.constant 400 : i32
        %add3A_600 = arith.addi %add3A_599, %scan3A_571 : i32
        %get3A_601 = arith.constant 1 : i32
        %get3A_602 = arith.index_cast %get3A_601 : i32 to index
        %get3A_603 = arith.index_cast %add3A_600 : i32 to index
        %get3A_604 = arith.constant 48 : index
        %get3A_605 = tpu.vector_load %arg7[%get3A_602, %get3A_603, %get3A_604] {strides = array<i32>} : memref<2x800x64xf32, #tpu.memory_space<vmem>>, vector<1x1x16xf32>,
        %get3A_606 = vector.shape_cast %get3A_605 : vector<1x1x16xf32> to vector<16xf32>
        %add3A_607 = arith.addf %add3A_569, %get3A_606 : vector<16xf32>
        %scan3A_608 = arith.constant 3 : i32
        %scan3A_609 = arith.addi %scan3A_492, %scan3A_608 : i32
        %add3A_610 = arith.constant 400 : i32
        %add3A_611 = arith.addi %add3A_610, %scan3A_609 : i32
        %get3A_612 = arith.constant 1 : i32
        %get3A_613 = arith.index_cast %get3A_612 : i32 to index
        %get3A_614 = arith.index_cast %add3A_611 : i32 to index
        %get3A_615 = arith.constant 0 : index
        %get3A_616 = tpu.vector_load %arg7[%get3A_613, %get3A_614, %get3A_615] {strides = array<i32>} : memref<2x800x64xf32, #tpu.memory_space<vmem>>, vector<1x1x16xf32>,
        %get3A_617 = vector.shape_cast %get3A_616 : vector<1x1x16xf32> to vector<16xf32>
        %add3A_618 = arith.addf %add3A_580, %get3A_617 : vector<16xf32>
        %add3A_619 = arith.constant 400 : i32
        %add3A_620 = arith.addi %add3A_619, %scan3A_609 : i32
        %get3A_621 = arith.constant 1 : i32
        %get3A_622 = arith.index_cast %get3A_621 : i32 to index
        %get3A_623 = arith.index_cast %add3A_620 : i32 to index
        %get3A_624 = arith.constant 16 : index
        %get3A_625 = tpu.vector_load %arg7[%get3A_622, %get3A_623, %get3A_624] {strides = array<i32>} : memref<2x800x64xf32, #tpu.memory_space<vmem>>, vector<1x1x16xf32>,
        %get3A_626 = vector.shape_cast %get3A_625 : vector<1x1x16xf32> to vector<16xf32>
        %add3A_627 = arith.addf %add3A_589, %get3A_626 : vector<16xf32>
        %add3A_628 = arith.constant 400 : i32
        %add3A_629 = arith.addi %add3A_628, %scan3A_609 : i32
        %get3A_630 = arith.constant 1 : i32
        %get3A_631 = arith.index_cast %get3A_630 : i32 to index
        %get3A_632 = arith.index_cast %add3A_629 : i32 to index
        %get3A_633 = arith.constant 32 : index
        %get3A_634 = tpu.vector_load %arg7[%get3A_631, %get3A_632, %get3A_633] {strides = array<i32>} : memref<2x800x64xf32, #tpu.memory_space<vmem>>, vector<1x1x16xf32>,
        %get3A_635 = vector.shape_cast %get3A_634 : vector<1x1x16xf32> to vector<16xf32>
        %add3A_636 = arith.addf %add3A_598, %get3A_635 : vector<16xf32>
        %add3A_637 = arith.constant 400 : i32
        %add3A_638 = arith.addi %add3A_637, %scan3A_609 : i32
        %get3A_639 = arith.constant 1 : i32
        %get3A_640 = arith.index_cast %get3A_639 : i32 to index
        %get3A_641 = arith.index_cast %add3A_638 : i32 to index
        %get3A_642 = arith.constant 48 : index
        %get3A_643 = tpu.vector_load %arg7[%get3A_640, %get3A_641, %get3A_642] {strides = array<i32>} : memref<2x800x64xf32, #tpu.memory_space<vmem>>, vector<1x1x16xf32>,
        %get3A_644 = vector.shape_cast %get3A_643 : vector<1x1x16xf32> to vector<16xf32>
        %add3A_645 = arith.addf %add3A_607, %get3A_644 : vector<16xf32>
        %scan3A_646 = arith.constant 4 : i32
        %scan3A_647 = arith.addi %scan3A_492, %scan3A_646 : i32
        %add3A_648 = arith.constant 400 : i32
        %add3A_649 = arith.addi %add3A_648, %scan3A_647 : i32
        %get3A_650 = arith.constant 1 : i32
        %get3A_651 = arith.index_cast %get3A_650 : i32 to index
        %get3A_652 = arith.index_cast %add3A_649 : i32 to index
        %get3A_653 = arith.constant 0 : index
        %get3A_654 = tpu.vector_load %arg7[%get3A_651, %get3A_652, %get3A_653] {strides = array<i32>} : memref<2x800x64xf32, #tpu.memory_space<vmem>>, vector<1x1x16xf32>,
        %get3A_655 = vector.shape_cast %get3A_654 : vector<1x1x16xf32> to vector<16xf32>
        %add3A_656 = arith.addf %add3A_618, %get3A_655 : vector<16xf32>
        %add3A_657 = arith.constant 400 : i32
        %add3A_658 = arith.addi %add3A_657, %scan3A_647 : i32
        %get3A_659 = arith.constant 1 : i32
        %get3A_660 = arith.index_cast %get3A_659 : i32 to index
        %get3A_661 = arith.index_cast %add3A_658 : i32 to index
        %get3A_662 = arith.constant 16 : index
        %get3A_663 = tpu.vector_load %arg7[%get3A_660, %get3A_661, %get3A_662] {strides = array<i32>} : memref<2x800x64xf32, #tpu.memory_space<vmem>>, vector<1x1x16xf32>,
        %get3A_664 = vector.shape_cast %get3A_663 : vector<1x1x16xf32> to vector<16xf32>
        %add3A_665 = arith.addf %add3A_627, %get3A_664 : vector<16xf32>
        %add3A_666 = arith.constant 400 : i32
        %add3A_667 = arith.addi %add3A_666, %scan3A_647 : i32
        %get3A_668 = arith.constant 1 : i32
        %get3A_669 = arith.index_cast %get3A_668 : i32 to index
        %get3A_670 = arith.index_cast %add3A_667 : i32 to index
        %get3A_671 = arith.constant 32 : index
        %get3A_672 = tpu.vector_load %arg7[%get3A_669, %get3A_670, %get3A_671] {strides = array<i32>} : memref<2x800x64xf32, #tpu.memory_space<vmem>>, vector<1x1x16xf32>,
        %get3A_673 = vector.shape_cast %get3A_672 : vector<1x1x16xf32> to vector<16xf32>
        %add3A_674 = arith.addf %add3A_636, %get3A_673 : vector<16xf32>
        %add3A_675 = arith.constant 400 : i32
        %add3A_676 = arith.addi %add3A_675, %scan3A_647 : i32
        %get3A_677 = arith.constant 1 : i32
        %get3A_678 = arith.index_cast %get3A_677 : i32 to index
        %get3A_679 = arith.index_cast %add3A_676 : i32 to index
        %get3A_680 = arith.constant 48 : index
        %get3A_681 = tpu.vector_load %arg7[%get3A_678, %get3A_679, %get3A_680] {strides = array<i32>} : memref<2x800x64xf32, #tpu.memory_space<vmem>>, vector<1x1x16xf32>,
        %get3A_682 = vector.shape_cast %get3A_681 : vector<1x1x16xf32> to vector<16xf32>
        %add3A_683 = arith.addf %add3A_645, %get3A_682 : vector<16xf32>
        %scan3A_684 = arith.constant 5 : i32
        %scan3A_685 = arith.addi %scan3A_492, %scan3A_684 : i32
        %add3A_686 = arith.constant 400 : i32
        %add3A_687 = arith.addi %add3A_686, %scan3A_685 : i32
        %get3A_688 = arith.constant 1 : i32
        %get3A_689 = arith.index_cast %get3A_688 : i32 to index
        %get3A_690 = arith.index_cast %add3A_687 : i32 to index
        %get3A_691 = arith.constant 0 : index
        %get3A_692 = tpu.vector_load %arg7[%get3A_689, %get3A_690, %get3A_691] {strides = array<i32>} : memref<2x800x64xf32, #tpu.memory_space<vmem>>, vector<1x1x16xf32>,
        %get3A_693 = vector.shape_cast %get3A_692 : vector<1x1x16xf32> to vector<16xf32>
        %add3A_694 = arith.addf %add3A_656, %get3A_693 : vector<16xf32>
        %add3A_695 = arith.constant 400 : i32
        %add3A_696 = arith.addi %add3A_695, %scan3A_685 : i32
        %get3A_697 = arith.constant 1 : i32
        %get3A_698 = arith.index_cast %get3A_697 : i32 to index
        %get3A_699 = arith.index_cast %add3A_696 : i32 to index
        %get3A_700 = arith.constant 16 : index
        %get3A_701 = tpu.vector_load %arg7[%get3A_698, %get3A_699, %get3A_700] {strides = array<i32>} : memref<2x800x64xf32, #tpu.memory_space<vmem>>, vector<1x1x16xf32>,
        %get3A_702 = vector.shape_cast %get3A_701 : vector<1x1x16xf32> to vector<16xf32>
        %add3A_703 = arith.addf %add3A_665, %get3A_702 : vector<16xf32>
        %add3A_704 = arith.constant 400 : i32
        %add3A_705 = arith.addi %add3A_704, %scan3A_685 : i32
        %get3A_706 = arith.constant 1 : i32
        %get3A_707 = arith.index_cast %get3A_706 : i32 to index
        %get3A_708 = arith.index_cast %add3A_705 : i32 to index
        %get3A_709 = arith.constant 32 : index
        %get3A_710 = tpu.vector_load %arg7[%get3A_707, %get3A_708, %get3A_709] {strides = array<i32>} : memref<2x800x64xf32, #tpu.memory_space<vmem>>, vector<1x1x16xf32>,
        %get3A_711 = vector.shape_cast %get3A_710 : vector<1x1x16xf32> to vector<16xf32>
        %add3A_712 = arith.addf %add3A_674, %get3A_711 : vector<16xf32>
        %add3A_713 = arith.constant 400 : i32
        %add3A_714 = arith.addi %add3A_713, %scan3A_685 : i32
        %get3A_715 = arith.constant 1 : i32
        %get3A_716 = arith.index_cast %get3A_715 : i32 to index
        %get3A_717 = arith.index_cast %add3A_714 : i32 to index
        %get3A_718 = arith.constant 48 : index
        %get3A_719 = tpu.vector_load %arg7[%get3A_716, %get3A_717, %get3A_718] {strides = array<i32>} : memref<2x800x64xf32, #tpu.memory_space<vmem>>, vector<1x1x16xf32>,
        %get3A_720 = vector.shape_cast %get3A_719 : vector<1x1x16xf32> to vector<16xf32>
        %add3A_721 = arith.addf %add3A_683, %get3A_720 : vector<16xf32>
        %scan3A_722 = arith.constant 6 : i32
        %scan3A_723 = arith.addi %scan3A_492, %scan3A_722 : i32
        %add3A_724 = arith.constant 400 : i32
        %add3A_725 = arith.addi %add3A_724, %scan3A_723 : i32
        %get3A_726 = arith.constant 1 : i32
        %get3A_727 = arith.index_cast %get3A_726 : i32 to index
        %get3A_728 = arith.index_cast %add3A_725 : i32 to index
        %get3A_729 = arith.constant 0 : index
        %get3A_730 = tpu.vector_load %arg7[%get3A_727, %get3A_728, %get3A_729] {strides = array<i32>} : memref<2x800x64xf32, #tpu.memory_space<vmem>>, vector<1x1x16xf32>,
        %get3A_731 = vector.shape_cast %get3A_730 : vector<1x1x16xf32> to vector<16xf32>
        %add3A_732 = arith.addf %add3A_694, %get3A_731 : vector<16xf32>
        %add3A_733 = arith.constant 400 : i32
        %add3A_734 = arith.addi %add3A_733, %scan3A_723 : i32
        %get3A_735 = arith.constant 1 : i32
        %get3A_736 = arith.index_cast %get3A_735 : i32 to index
        %get3A_737 = arith.index_cast %add3A_734 : i32 to index
        %get3A_738 = arith.constant 16 : index
        %get3A_739 = tpu.vector_load %arg7[%get3A_736, %get3A_737, %get3A_738] {strides = array<i32>} : memref<2x800x64xf32, #tpu.memory_space<vmem>>, vector<1x1x16xf32>,
        %get3A_740 = vector.shape_cast %get3A_739 : vector<1x1x16xf32> to vector<16xf32>
        %add3A_741 = arith.addf %add3A_703, %get3A_740 : vector<16xf32>
        %add3A_742 = arith.constant 400 : i32
        %add3A_743 = arith.addi %add3A_742, %scan3A_723 : i32
        %get3A_744 = arith.constant 1 : i32
        %get3A_745 = arith.index_cast %get3A_744 : i32 to index
        %get3A_746 = arith.index_cast %add3A_743 : i32 to index
        %get3A_747 = arith.constant 32 : index
        %get3A_748 = tpu.vector_load %arg7[%get3A_745, %get3A_746, %get3A_747] {strides = array<i32>} : memref<2x800x64xf32, #tpu.memory_space<vmem>>, vector<1x1x16xf32>,
        %get3A_749 = vector.shape_cast %get3A_748 : vector<1x1x16xf32> to vector<16xf32>
        %add3A_750 = arith.addf %add3A_712, %get3A_749 : vector<16xf32>
        %add3A_751 = arith.constant 400 : i32
        %add3A_752 = arith.addi %add3A_751, %scan3A_723 : i32
        %get3A_753 = arith.constant 1 : i32
        %get3A_754 = arith.index_cast %get3A_753 : i32 to index
        %get3A_755 = arith.index_cast %add3A_752 : i32 to index
        %get3A_756 = arith.constant 48 : index
        %get3A_757 = tpu.vector_load %arg7[%get3A_754, %get3A_755, %get3A_756] {strides = array<i32>} : memref<2x800x64xf32, #tpu.memory_space<vmem>>, vector<1x1x16xf32>,
        %get3A_758 = vector.shape_cast %get3A_757 : vector<1x1x16xf32> to vector<16xf32>
        %add3A_759 = arith.addf %add3A_721, %get3A_758 : vector<16xf32>
        %scan3A_760 = arith.constant 7 : i32
        %scan3A_761 = arith.addi %scan3A_492, %scan3A_760 : i32
        %add3A_762 = arith.constant 400 : i32
        %add3A_763 = arith.addi %add3A_762, %scan3A_761 : i32
        %get3A_764 = arith.constant 1 : i32
        %get3A_765 = arith.index_cast %get3A_764 : i32 to index
        %get3A_766 = arith.index_cast %add3A_763 : i32 to index
        %get3A_767 = arith.constant 0 : index
        %get3A_768 = tpu.vector_load %arg7[%get3A_765, %get3A_766, %get3A_767] {strides = array<i32>} : memref<2x800x64xf32, #tpu.memory_space<vmem>>, vector<1x1x16xf32>,
        %get3A_769 = vector.shape_cast %get3A_768 : vector<1x1x16xf32> to vector<16xf32>
        %add3A_770 = arith.addf %add3A_732, %get3A_769 : vector<16xf32>
        %add3A_771 = arith.constant 400 : i32
        %add3A_772 = arith.addi %add3A_771, %scan3A_761 : i32
        %get3A_773 = arith.constant 1 : i32
        %get3A_774 = arith.index_cast %get3A_773 : i32 to index
        %get3A_775 = arith.index_cast %add3A_772 : i32 to index
        %get3A_776 = arith.constant 16 : index
        %get3A_777 = tpu.vector_load %arg7[%get3A_774, %get3A_775, %get3A_776] {strides = array<i32>} : memref<2x800x64xf32, #tpu.memory_space<vmem>>, vector<1x1x16xf32>,
        %get3A_778 = vector.shape_cast %get3A_777 : vector<1x1x16xf32> to vector<16xf32>
        %add3A_779 = arith.addf %add3A_741, %get3A_778 : vector<16xf32>
        %add3A_780 = arith.constant 400 : i32
        %add3A_781 = arith.addi %add3A_780, %scan3A_761 : i32
        %get3A_782 = arith.constant 1 : i32
        %get3A_783 = arith.index_cast %get3A_782 : i32 to index
        %get3A_784 = arith.index_cast %add3A_781 : i32 to index
        %get3A_785 = arith.constant 32 : index
        %get3A_786 = tpu.vector_load %arg7[%get3A_783, %get3A_784, %get3A_785] {strides = array<i32>} : memref<2x800x64xf32, #tpu.memory_space<vmem>>, vector<1x1x16xf32>,
        %get3A_787 = vector.shape_cast %get3A_786 : vector<1x1x16xf32> to vector<16xf32>
        %add3A_788 = arith.addf %add3A_750, %get3A_787 : vector<16xf32>
        %add3A_789 = arith.constant 400 : i32
        %add3A_790 = arith.addi %add3A_789, %scan3A_761 : i32
        %get3A_791 = arith.constant 1 : i32
        %get3A_792 = arith.index_cast %get3A_791 : i32 to index
        %get3A_793 = arith.index_cast %add3A_790 : i32 to index
        %get3A_794 = arith.constant 48 : index
        %get3A_795 = tpu.vector_load %arg7[%get3A_792, %get3A_793, %get3A_794] {strides = array<i32>} : memref<2x800x64xf32, #tpu.memory_space<vmem>>, vector<1x1x16xf32>,
        %get3A_796 = vector.shape_cast %get3A_795 : vector<1x1x16xf32> to vector<16xf32>
        %add3A_797 = arith.addf %add3A_759, %get3A_796 : vector<16xf32>
        scf.yield %add3A_770, %add3A_779, %add3A_788, %add3A_797 : vector<16xf32>, vector<16xf32>, vector<16xf32>, vector<16xf32>
      }
      %scan3A_398 = arith.constant 200 : i32
      %mul3A_399 = arith.constant 4 : i32
      %mul3A_400 = arith.muli %add3A_262, %mul3A_399 : i32
      %add3A_401 = arith.constant 2 : i32
      %add3A_402 = arith.addi %mul3A_400, %add3A_401 : i32
      %mul3A_403 = arith.constant 5.000000e-03 : f32
      %mul3A_404 = vector.broadcast %mul3A_403 : f32 to vector<16xf32>
      %mul3A_405 = arith.mulf %scan3A_397#0, %mul3A_404 : vector<16xf32>
      %swap3A_406 = arith.index_cast %add3A_402 : i32 to index
      %swap3A_407 = arith.constant 0 : index
      %swap3A_408 = tpu.vector_load %arg8[%swap3A_406, %swap3A_407] {strides = array<i32>} : memref<128x64xf32, #tpu.memory_space<vmem>>, vector<1x16xf32>,
      %swap3A_409 = vector.shape_cast %swap3A_408 : vector<1x16xf32> to vector<16xf32>
      %swap3A_410 = vector.shape_cast %mul3A_405 : vector<16xf32> to vector<1x16xf32>
      tpu.vector_store %arg8[%swap3A_406, %swap3A_407], %swap3A_410 {strides = array<i32>} : memref<128x64xf32, #tpu.memory_space<vmem>>, vector<1x16xf32>,
      %mul3A_411 = arith.constant 5.000000e-03 : f32
      %mul3A_412 = vector.broadcast %mul3A_411 : f32 to vector<16xf32>
      %mul3A_413 = arith.mulf %scan3A_397#1, %mul3A_412 : vector<16xf32>
      %swap3A_414 = arith.index_cast %add3A_402 : i32 to index
      %swap3A_415 = arith.constant 16 : index
      %swap3A_416 = tpu.vector_load %arg8[%swap3A_414, %swap3A_415] {strides = array<i32>} : memref<128x64xf32, #tpu.memory_space<vmem>>, vector<1x16xf32>,
      %swap3A_417 = vector.shape_cast %swap3A_416 : vector<1x16xf32> to vector<16xf32>
      %swap3A_418 = vector.shape_cast %mul3A_413 : vector<16xf32> to vector<1x16xf32>
      tpu.vector_store %arg8[%swap3A_414, %swap3A_415], %swap3A_418 {strides = array<i32>} : memref<128x64xf32, #tpu.memory_space<vmem>>, vector<1x16xf32>,
      %mul3A_419 = arith.constant 5.000000e-03 : f32
      %mul3A_420 = vector.broadcast %mul3A_419 : f32 to vector<16xf32>
      %mul3A_421 = arith.mulf %scan3A_397#2, %mul3A_420 : vector<16xf32>
      %swap3A_422 = arith.index_cast %add3A_402 : i32 to index
      %swap3A_423 = arith.constant 32 : index
      %swap3A_424 = tpu.vector_load %arg8[%swap3A_422, %swap3A_423] {strides = array<i32>} : memref<128x64xf32, #tpu.memory_space<vmem>>, vector<1x16xf32>,
      %swap3A_425 = vector.shape_cast %swap3A_424 : vector<1x16xf32> to vector<16xf32>
      %swap3A_426 = vector.shape_cast %mul3A_421 : vector<16xf32> to vector<1x16xf32>
      tpu.vector_store %arg8[%swap3A_422, %swap3A_423], %swap3A_426 {strides = array<i32>} : memref<128x64xf32, #tpu.memory_space<vmem>>, vector<1x16xf32>,
      %mul3A_427 = arith.constant 5.000000e-03 : f32
      %mul3A_428 = vector.broadcast %mul3A_427 : f32 to vector<16xf32>
      %mul3A_429 = arith.mulf %scan3A_397#3, %mul3A_428 : vector<16xf32>
      %swap3A_430 = arith.index_cast %add3A_402 : i32 to index
      %swap3A_431 = arith.constant 48 : index
      %swap3A_432 = tpu.vector_load %arg8[%swap3A_430, %swap3A_431] {strides = array<i32>} : memref<128x64xf32, #tpu.memory_space<vmem>>, vector<1x16xf32>,
      %swap3A_433 = vector.shape_cast %swap3A_432 : vector<1x16xf32> to vector<16xf32>
      %swap3A_434 = vector.shape_cast %mul3A_429 : vector<16xf32> to vector<1x16xf32>
      tpu.vector_store %arg8[%swap3A_430, %swap3A_431], %swap3A_434 {strides = array<i32>} : memref<128x64xf32, #tpu.memory_space<vmem>>, vector<1x16xf32>,
      %broadcast_in_dim3A_435 = arith.constant 0.000000e+00 : f32
      %broadcast_in_dim3A_436 = vector.broadcast %broadcast_in_dim3A_435 : f32 to vector<16xf32>
      %broadcast_in_dim3A_437 = arith.constant 0.000000e+00 : f32
      %broadcast_in_dim3A_438 = vector.broadcast %broadcast_in_dim3A_437 : f32 to vector<16xf32>
      %broadcast_in_dim3A_439 = arith.constant 0.000000e+00 : f32
      %broadcast_in_dim3A_440 = vector.broadcast %broadcast_in_dim3A_439 : f32 to vector<16xf32>
      %broadcast_in_dim3A_441 = arith.constant 0.000000e+00 : f32
      %broadcast_in_dim3A_442 = vector.broadcast %broadcast_in_dim3A_441 : f32 to vector<16xf32>
      %scan3A_443 = arith.constant 0 : i32
      %scan3A_444 = arith.constant 200 : i32
      %scan3A_445 = arith.addi %scan3A_443, %scan3A_444 : i32
      %scan3A_446 = arith.constant 8 : i32
      %scan3A_447:4 = scf.for %scan3A_492 = %scan3A_443 to %scan3A_445 step %scan3A_446 iter_args(%scan3A_493 = %broadcast_in_dim3A_436, %scan3A_494 = %broadcast_in_dim3A_438, %scan3A_495 = %broadcast_in_dim3A_440, %scan3A_496 = %broadcast_in_dim3A_442) -> (vector<16xf32>, vector<16xf32>, vector<16xf32>, vector<16xf32>)  : i32 {
        %add3A_497 = arith.constant 600 : i32
        %add3A_498 = arith.addi %add3A_497, %scan3A_492 : i32
        %get3A = arith.constant 1 : i32
        %get3A_499 = arith.index_cast %get3A : i32 to index
        %get3A_500 = arith.index_cast %add3A_498 : i32 to index
        %get3A_501 = arith.constant 0 : index
        %get3A_502 = tpu.vector_load %arg7[%get3A_499, %get3A_500, %get3A_501] {strides = array<i32>} : memref<2x800x64xf32, #tpu.memory_space<vmem>>, vector<1x1x16xf32>,
        %get3A_503 = vector.shape_cast %get3A_502 : vector<1x1x16xf32> to vector<16xf32>
        %add3A_504 = arith.addf %scan3A_493, %get3A_503 : vector<16xf32>
        %add3A_505 = arith.constant 600 : i32
        %add3A_506 = arith.addi %add3A_505, %scan3A_492 : i32
        %get3A_507 = arith.constant 1 : i32
        %get3A_508 = arith.index_cast %get3A_507 : i32 to index
        %get3A_509 = arith.index_cast %add3A_506 : i32 to index
        %get3A_510 = arith.constant 16 : index
        %get3A_511 = tpu.vector_load %arg7[%get3A_508, %get3A_509, %get3A_510] {strides = array<i32>} : memref<2x800x64xf32, #tpu.memory_space<vmem>>, vector<1x1x16xf32>,
        %get3A_512 = vector.shape_cast %get3A_511 : vector<1x1x16xf32> to vector<16xf32>
        %add3A_513 = arith.addf %scan3A_494, %get3A_512 : vector<16xf32>
        %add3A_514 = arith.constant 600 : i32
        %add3A_515 = arith.addi %add3A_514, %scan3A_492 : i32
        %get3A_516 = arith.constant 1 : i32
        %get3A_517 = arith.index_cast %get3A_516 : i32 to index
        %get3A_518 = arith.index_cast %add3A_515 : i32 to index
        %get3A_519 = arith.constant 32 : index
        %get3A_520 = tpu.vector_load %arg7[%get3A_517, %get3A_518, %get3A_519] {strides = array<i32>} : memref<2x800x64xf32, #tpu.memory_space<vmem>>, vector<1x1x16xf32>,
        %get3A_521 = vector.shape_cast %get3A_520 : vector<1x1x16xf32> to vector<16xf32>
        %add3A_522 = arith.addf %scan3A_495, %get3A_521 : vector<16xf32>
        %add3A_523 = arith.constant 600 : i32
        %add3A_524 = arith.addi %add3A_523, %scan3A_492 : i32
        %get3A_525 = arith.constant 1 : i32
        %get3A_526 = arith.index_cast %get3A_525 : i32 to index
        %get3A_527 = arith.index_cast %add3A_524 : i32 to index
        %get3A_528 = arith.constant 48 : index
        %get3A_529 = tpu.vector_load %arg7[%get3A_526, %get3A_527, %get3A_528] {strides = array<i32>} : memref<2x800x64xf32, #tpu.memory_space<vmem>>, vector<1x1x16xf32>,
        %get3A_530 = vector.shape_cast %get3A_529 : vector<1x1x16xf32> to vector<16xf32>
        %add3A_531 = arith.addf %scan3A_496, %get3A_530 : vector<16xf32>
        %scan3A_532 = arith.constant 1 : i32
        %scan3A_533 = arith.addi %scan3A_492, %scan3A_532 : i32
        %add3A_534 = arith.constant 600 : i32
        %add3A_535 = arith.addi %add3A_534, %scan3A_533 : i32
        %get3A_536 = arith.constant 1 : i32
        %get3A_537 = arith.index_cast %get3A_536 : i32 to index
        %get3A_538 = arith.index_cast %add3A_535 : i32 to index
        %get3A_539 = arith.constant 0 : index
        %get3A_540 = tpu.vector_load %arg7[%get3A_537, %get3A_538, %get3A_539] {strides = array<i32>} : memref<2x800x64xf32, #tpu.memory_space<vmem>>, vector<1x1x16xf32>,
        %get3A_541 = vector.shape_cast %get3A_540 : vector<1x1x16xf32> to vector<16xf32>
        %add3A_542 = arith.addf %add3A_504, %get3A_541 : vector<16xf32>
        %add3A_543 = arith.constant 600 : i32
        %add3A_544 = arith.addi %add3A_543, %scan3A_533 : i32
        %get3A_545 = arith.constant 1 : i32
        %get3A_546 = arith.index_cast %get3A_545 : i32 to index
        %get3A_547 = arith.index_cast %add3A_544 : i32 to index
        %get3A_548 = arith.constant 16 : index
        %get3A_549 = tpu.vector_load %arg7[%get3A_546, %get3A_547, %get3A_548] {strides = array<i32>} : memref<2x800x64xf32, #tpu.memory_space<vmem>>, vector<1x1x16xf32>,
        %get3A_550 = vector.shape_cast %get3A_549 : vector<1x1x16xf32> to vector<16xf32>
        %add3A_551 = arith.addf %add3A_513, %get3A_550 : vector<16xf32>
        %add3A_552 = arith.constant 600 : i32
        %add3A_553 = arith.addi %add3A_552, %scan3A_533 : i32
        %get3A_554 = arith.constant 1 : i32
        %get3A_555 = arith.index_cast %get3A_554 : i32 to index
        %get3A_556 = arith.index_cast %add3A_553 : i32 to index
        %get3A_557 = arith.constant 32 : index
        %get3A_558 = tpu.vector_load %arg7[%get3A_555, %get3A_556, %get3A_557] {strides = array<i32>} : memref<2x800x64xf32, #tpu.memory_space<vmem>>, vector<1x1x16xf32>,
        %get3A_559 = vector.shape_cast %get3A_558 : vector<1x1x16xf32> to vector<16xf32>
        %add3A_560 = arith.addf %add3A_522, %get3A_559 : vector<16xf32>
        %add3A_561 = arith.constant 600 : i32
        %add3A_562 = arith.addi %add3A_561, %scan3A_533 : i32
        %get3A_563 = arith.constant 1 : i32
        %get3A_564 = arith.index_cast %get3A_563 : i32 to index
        %get3A_565 = arith.index_cast %add3A_562 : i32 to index
        %get3A_566 = arith.constant 48 : index
        %get3A_567 = tpu.vector_load %arg7[%get3A_564, %get3A_565, %get3A_566] {strides = array<i32>} : memref<2x800x64xf32, #tpu.memory_space<vmem>>, vector<1x1x16xf32>,
        %get3A_568 = vector.shape_cast %get3A_567 : vector<1x1x16xf32> to vector<16xf32>
        %add3A_569 = arith.addf %add3A_531, %get3A_568 : vector<16xf32>
        %scan3A_570 = arith.constant 2 : i32
        %scan3A_571 = arith.addi %scan3A_492, %scan3A_570 : i32
        %add3A_572 = arith.constant 600 : i32
        %add3A_573 = arith.addi %add3A_572, %scan3A_571 : i32
        %get3A_574 = arith.constant 1 : i32
        %get3A_575 = arith.index_cast %get3A_574 : i32 to index
        %get3A_576 = arith.index_cast %add3A_573 : i32 to index
        %get3A_577 = arith.constant 0 : index
        %get3A_578 = tpu.vector_load %arg7[%get3A_575, %get3A_576, %get3A_577] {strides = array<i32>} : memref<2x800x64xf32, #tpu.memory_space<vmem>>, vector<1x1x16xf32>,
        %get3A_579 = vector.shape_cast %get3A_578 : vector<1x1x16xf32> to vector<16xf32>
        %add3A_580 = arith.addf %add3A_542, %get3A_579 : vector<16xf32>
        %add3A_581 = arith.constant 600 : i32
        %add3A_582 = arith.addi %add3A_581, %scan3A_571 : i32
        %get3A_583 = arith.constant 1 : i32
        %get3A_584 = arith.index_cast %get3A_583 : i32 to index
        %get3A_585 = arith.index_cast %add3A_582 : i32 to index
        %get3A_586 = arith.constant 16 : index
        %get3A_587 = tpu.vector_load %arg7[%get3A_584, %get3A_585, %get3A_586] {strides = array<i32>} : memref<2x800x64xf32, #tpu.memory_space<vmem>>, vector<1x1x16xf32>,
        %get3A_588 = vector.shape_cast %get3A_587 : vector<1x1x16xf32> to vector<16xf32>
        %add3A_589 = arith.addf %add3A_551, %get3A_588 : vector<16xf32>
        %add3A_590 = arith.constant 600 : i32
        %add3A_591 = arith.addi %add3A_590, %scan3A_571 : i32
        %get3A_592 = arith.constant 1 : i32
        %get3A_593 = arith.index_cast %get3A_592 : i32 to index
        %get3A_594 = arith.index_cast %add3A_591 : i32 to index
        %get3A_595 = arith.constant 32 : index
        %get3A_596 = tpu.vector_load %arg7[%get3A_593, %get3A_594, %get3A_595] {strides = array<i32>} : memref<2x800x64xf32, #tpu.memory_space<vmem>>, vector<1x1x16xf32>,
        %get3A_597 = vector.shape_cast %get3A_596 : vector<1x1x16xf32> to vector<16xf32>
        %add3A_598 = arith.addf %add3A_560, %get3A_597 : vector<16xf32>
        %add3A_599 = arith.constant 600 : i32
        %add3A_600 = arith.addi %add3A_599, %scan3A_571 : i32
        %get3A_601 = arith.constant 1 : i32
        %get3A_602 = arith.index_cast %get3A_601 : i32 to index
        %get3A_603 = arith.index_cast %add3A_600 : i32 to index
        %get3A_604 = arith.constant 48 : index
        %get3A_605 = tpu.vector_load %arg7[%get3A_602, %get3A_603, %get3A_604] {strides = array<i32>} : memref<2x800x64xf32, #tpu.memory_space<vmem>>, vector<1x1x16xf32>,
        %get3A_606 = vector.shape_cast %get3A_605 : vector<1x1x16xf32> to vector<16xf32>
        %add3A_607 = arith.addf %add3A_569, %get3A_606 : vector<16xf32>
        %scan3A_608 = arith.constant 3 : i32
        %scan3A_609 = arith.addi %scan3A_492, %scan3A_608 : i32
        %add3A_610 = arith.constant 600 : i32
        %add3A_611 = arith.addi %add3A_610, %scan3A_609 : i32
        %get3A_612 = arith.constant 1 : i32
        %get3A_613 = arith.index_cast %get3A_612 : i32 to index
        %get3A_614 = arith.index_cast %add3A_611 : i32 to index
        %get3A_615 = arith.constant 0 : index
        %get3A_616 = tpu.vector_load %arg7[%get3A_613, %get3A_614, %get3A_615] {strides = array<i32>} : memref<2x800x64xf32, #tpu.memory_space<vmem>>, vector<1x1x16xf32>,
        %get3A_617 = vector.shape_cast %get3A_616 : vector<1x1x16xf32> to vector<16xf32>
        %add3A_618 = arith.addf %add3A_580, %get3A_617 : vector<16xf32>
        %add3A_619 = arith.constant 600 : i32
        %add3A_620 = arith.addi %add3A_619, %scan3A_609 : i32
        %get3A_621 = arith.constant 1 : i32
        %get3A_622 = arith.index_cast %get3A_621 : i32 to index
        %get3A_623 = arith.index_cast %add3A_620 : i32 to index
        %get3A_624 = arith.constant 16 : index
        %get3A_625 = tpu.vector_load %arg7[%get3A_622, %get3A_623, %get3A_624] {strides = array<i32>} : memref<2x800x64xf32, #tpu.memory_space<vmem>>, vector<1x1x16xf32>,
        %get3A_626 = vector.shape_cast %get3A_625 : vector<1x1x16xf32> to vector<16xf32>
        %add3A_627 = arith.addf %add3A_589, %get3A_626 : vector<16xf32>
        %add3A_628 = arith.constant 600 : i32
        %add3A_629 = arith.addi %add3A_628, %scan3A_609 : i32
        %get3A_630 = arith.constant 1 : i32
        %get3A_631 = arith.index_cast %get3A_630 : i32 to index
        %get3A_632 = arith.index_cast %add3A_629 : i32 to index
        %get3A_633 = arith.constant 32 : index
        %get3A_634 = tpu.vector_load %arg7[%get3A_631, %get3A_632, %get3A_633] {strides = array<i32>} : memref<2x800x64xf32, #tpu.memory_space<vmem>>, vector<1x1x16xf32>,
        %get3A_635 = vector.shape_cast %get3A_634 : vector<1x1x16xf32> to vector<16xf32>
        %add3A_636 = arith.addf %add3A_598, %get3A_635 : vector<16xf32>
        %add3A_637 = arith.constant 600 : i32
        %add3A_638 = arith.addi %add3A_637, %scan3A_609 : i32
        %get3A_639 = arith.constant 1 : i32
        %get3A_640 = arith.index_cast %get3A_639 : i32 to index
        %get3A_641 = arith.index_cast %add3A_638 : i32 to index
        %get3A_642 = arith.constant 48 : index
        %get3A_643 = tpu.vector_load %arg7[%get3A_640, %get3A_641, %get3A_642] {strides = array<i32>} : memref<2x800x64xf32, #tpu.memory_space<vmem>>, vector<1x1x16xf32>,
        %get3A_644 = vector.shape_cast %get3A_643 : vector<1x1x16xf32> to vector<16xf32>
        %add3A_645 = arith.addf %add3A_607, %get3A_644 : vector<16xf32>
        %scan3A_646 = arith.constant 4 : i32
        %scan3A_647 = arith.addi %scan3A_492, %scan3A_646 : i32
        %add3A_648 = arith.constant 600 : i32
        %add3A_649 = arith.addi %add3A_648, %scan3A_647 : i32
        %get3A_650 = arith.constant 1 : i32
        %get3A_651 = arith.index_cast %get3A_650 : i32 to index
        %get3A_652 = arith.index_cast %add3A_649 : i32 to index
        %get3A_653 = arith.constant 0 : index
        %get3A_654 = tpu.vector_load %arg7[%get3A_651, %get3A_652, %get3A_653] {strides = array<i32>} : memref<2x800x64xf32, #tpu.memory_space<vmem>>, vector<1x1x16xf32>,
        %get3A_655 = vector.shape_cast %get3A_654 : vector<1x1x16xf32> to vector<16xf32>
        %add3A_656 = arith.addf %add3A_618, %get3A_655 : vector<16xf32>
        %add3A_657 = arith.constant 600 : i32
        %add3A_658 = arith.addi %add3A_657, %scan3A_647 : i32
        %get3A_659 = arith.constant 1 : i32
        %get3A_660 = arith.index_cast %get3A_659 : i32 to index
        %get3A_661 = arith.index_cast %add3A_658 : i32 to index
        %get3A_662 = arith.constant 16 : index
        %get3A_663 = tpu.vector_load %arg7[%get3A_660, %get3A_661, %get3A_662] {strides = array<i32>} : memref<2x800x64xf32, #tpu.memory_space<vmem>>, vector<1x1x16xf32>,
        %get3A_664 = vector.shape_cast %get3A_663 : vector<1x1x16xf32> to vector<16xf32>
        %add3A_665 = arith.addf %add3A_627, %get3A_664 : vector<16xf32>
        %add3A_666 = arith.constant 600 : i32
        %add3A_667 = arith.addi %add3A_666, %scan3A_647 : i32
        %get3A_668 = arith.constant 1 : i32
        %get3A_669 = arith.index_cast %get3A_668 : i32 to index
        %get3A_670 = arith.index_cast %add3A_667 : i32 to index
        %get3A_671 = arith.constant 32 : index
        %get3A_672 = tpu.vector_load %arg7[%get3A_669, %get3A_670, %get3A_671] {strides = array<i32>} : memref<2x800x64xf32, #tpu.memory_space<vmem>>, vector<1x1x16xf32>,
        %get3A_673 = vector.shape_cast %get3A_672 : vector<1x1x16xf32> to vector<16xf32>
        %add3A_674 = arith.addf %add3A_636, %get3A_673 : vector<16xf32>
        %add3A_675 = arith.constant 600 : i32
        %add3A_676 = arith.addi %add3A_675, %scan3A_647 : i32
        %get3A_677 = arith.constant 1 : i32
        %get3A_678 = arith.index_cast %get3A_677 : i32 to index
        %get3A_679 = arith.index_cast %add3A_676 : i32 to index
        %get3A_680 = arith.constant 48 : index
        %get3A_681 = tpu.vector_load %arg7[%get3A_678, %get3A_679, %get3A_680] {strides = array<i32>} : memref<2x800x64xf32, #tpu.memory_space<vmem>>, vector<1x1x16xf32>,
        %get3A_682 = vector.shape_cast %get3A_681 : vector<1x1x16xf32> to vector<16xf32>
        %add3A_683 = arith.addf %add3A_645, %get3A_682 : vector<16xf32>
        %scan3A_684 = arith.constant 5 : i32
        %scan3A_685 = arith.addi %scan3A_492, %scan3A_684 : i32
        %add3A_686 = arith.constant 600 : i32
        %add3A_687 = arith.addi %add3A_686, %scan3A_685 : i32
        %get3A_688 = arith.constant 1 : i32
        %get3A_689 = arith.index_cast %get3A_688 : i32 to index
        %get3A_690 = arith.index_cast %add3A_687 : i32 to index
        %get3A_691 = arith.constant 0 : index
        %get3A_692 = tpu.vector_load %arg7[%get3A_689, %get3A_690, %get3A_691] {strides = array<i32>} : memref<2x800x64xf32, #tpu.memory_space<vmem>>, vector<1x1x16xf32>,
        %get3A_693 = vector.shape_cast %get3A_692 : vector<1x1x16xf32> to vector<16xf32>
        %add3A_694 = arith.addf %add3A_656, %get3A_693 : vector<16xf32>
        %add3A_695 = arith.constant 600 : i32
        %add3A_696 = arith.addi %add3A_695, %scan3A_685 : i32
        %get3A_697 = arith.constant 1 : i32
        %get3A_698 = arith.index_cast %get3A_697 : i32 to index
        %get3A_699 = arith.index_cast %add3A_696 : i32 to index
        %get3A_700 = arith.constant 16 : index
        %get3A_701 = tpu.vector_load %arg7[%get3A_698, %get3A_699, %get3A_700] {strides = array<i32>} : memref<2x800x64xf32, #tpu.memory_space<vmem>>, vector<1x1x16xf32>,
        %get3A_702 = vector.shape_cast %get3A_701 : vector<1x1x16xf32> to vector<16xf32>
        %add3A_703 = arith.addf %add3A_665, %get3A_702 : vector<16xf32>
        %add3A_704 = arith.constant 600 : i32
        %add3A_705 = arith.addi %add3A_704, %scan3A_685 : i32
        %get3A_706 = arith.constant 1 : i32
        %get3A_707 = arith.index_cast %get3A_706 : i32 to index
        %get3A_708 = arith.index_cast %add3A_705 : i32 to index
        %get3A_709 = arith.constant 32 : index
        %get3A_710 = tpu.vector_load %arg7[%get3A_707, %get3A_708, %get3A_709] {strides = array<i32>} : memref<2x800x64xf32, #tpu.memory_space<vmem>>, vector<1x1x16xf32>,
        %get3A_711 = vector.shape_cast %get3A_710 : vector<1x1x16xf32> to vector<16xf32>
        %add3A_712 = arith.addf %add3A_674, %get3A_711 : vector<16xf32>
        %add3A_713 = arith.constant 600 : i32
        %add3A_714 = arith.addi %add3A_713, %scan3A_685 : i32
        %get3A_715 = arith.constant 1 : i32
        %get3A_716 = arith.index_cast %get3A_715 : i32 to index
        %get3A_717 = arith.index_cast %add3A_714 : i32 to index
        %get3A_718 = arith.constant 48 : index
        %get3A_719 = tpu.vector_load %arg7[%get3A_716, %get3A_717, %get3A_718] {strides = array<i32>} : memref<2x800x64xf32, #tpu.memory_space<vmem>>, vector<1x1x16xf32>,
        %get3A_720 = vector.shape_cast %get3A_719 : vector<1x1x16xf32> to vector<16xf32>
        %add3A_721 = arith.addf %add3A_683, %get3A_720 : vector<16xf32>
        %scan3A_722 = arith.constant 6 : i32
        %scan3A_723 = arith.addi %scan3A_492, %scan3A_722 : i32
        %add3A_724 = arith.constant 600 : i32
        %add3A_725 = arith.addi %add3A_724, %scan3A_723 : i32
        %get3A_726 = arith.constant 1 : i32
        %get3A_727 = arith.index_cast %get3A_726 : i32 to index
        %get3A_728 = arith.index_cast %add3A_725 : i32 to index
        %get3A_729 = arith.constant 0 : index
        %get3A_730 = tpu.vector_load %arg7[%get3A_727, %get3A_728, %get3A_729] {strides = array<i32>} : memref<2x800x64xf32, #tpu.memory_space<vmem>>, vector<1x1x16xf32>,
        %get3A_731 = vector.shape_cast %get3A_730 : vector<1x1x16xf32> to vector<16xf32>
        %add3A_732 = arith.addf %add3A_694, %get3A_731 : vector<16xf32>
        %add3A_733 = arith.constant 600 : i32
        %add3A_734 = arith.addi %add3A_733, %scan3A_723 : i32
        %get3A_735 = arith.constant 1 : i32
        %get3A_736 = arith.index_cast %get3A_735 : i32 to index
        %get3A_737 = arith.index_cast %add3A_734 : i32 to index
        %get3A_738 = arith.constant 16 : index
        %get3A_739 = tpu.vector_load %arg7[%get3A_736, %get3A_737, %get3A_738] {strides = array<i32>} : memref<2x800x64xf32, #tpu.memory_space<vmem>>, vector<1x1x16xf32>,
        %get3A_740 = vector.shape_cast %get3A_739 : vector<1x1x16xf32> to vector<16xf32>
        %add3A_741 = arith.addf %add3A_703, %get3A_740 : vector<16xf32>
        %add3A_742 = arith.constant 600 : i32
        %add3A_743 = arith.addi %add3A_742, %scan3A_723 : i32
        %get3A_744 = arith.constant 1 : i32
        %get3A_745 = arith.index_cast %get3A_744 : i32 to index
        %get3A_746 = arith.index_cast %add3A_743 : i32 to index
        %get3A_747 = arith.constant 32 : index
        %get3A_748 = tpu.vector_load %arg7[%get3A_745, %get3A_746, %get3A_747] {strides = array<i32>} : memref<2x800x64xf32, #tpu.memory_space<vmem>>, vector<1x1x16xf32>,
        %get3A_749 = vector.shape_cast %get3A_748 : vector<1x1x16xf32> to vector<16xf32>
        %add3A_750 = arith.addf %add3A_712, %get3A_749 : vector<16xf32>
        %add3A_751 = arith.constant 600 : i32
        %add3A_752 = arith.addi %add3A_751, %scan3A_723 : i32
        %get3A_753 = arith.constant 1 : i32
        %get3A_754 = arith.index_cast %get3A_753 : i32 to index
        %get3A_755 = arith.index_cast %add3A_752 : i32 to index
        %get3A_756 = arith.constant 48 : index
        %get3A_757 = tpu.vector_load %arg7[%get3A_754, %get3A_755, %get3A_756] {strides = array<i32>} : memref<2x800x64xf32, #tpu.memory_space<vmem>>, vector<1x1x16xf32>,
        %get3A_758 = vector.shape_cast %get3A_757 : vector<1x1x16xf32> to vector<16xf32>
        %add3A_759 = arith.addf %add3A_721, %get3A_758 : vector<16xf32>
        %scan3A_760 = arith.constant 7 : i32
        %scan3A_761 = arith.addi %scan3A_492, %scan3A_760 : i32
        %add3A_762 = arith.constant 600 : i32
        %add3A_763 = arith.addi %add3A_762, %scan3A_761 : i32
        %get3A_764 = arith.constant 1 : i32
        %get3A_765 = arith.index_cast %get3A_764 : i32 to index
        %get3A_766 = arith.index_cast %add3A_763 : i32 to index
        %get3A_767 = arith.constant 0 : index
        %get3A_768 = tpu.vector_load %arg7[%get3A_765, %get3A_766, %get3A_767] {strides = array<i32>} : memref<2x800x64xf32, #tpu.memory_space<vmem>>, vector<1x1x16xf32>,
        %get3A_769 = vector.shape_cast %get3A_768 : vector<1x1x16xf32> to vector<16xf32>
        %add3A_770 = arith.addf %add3A_732, %get3A_769 : vector<16xf32>
        %add3A_771 = arith.constant 600 : i32
        %add3A_772 = arith.addi %add3A_771, %scan3A_761 : i32
        %get3A_773 = arith.constant 1 : i32
        %get3A_774 = arith.index_cast %get3A_773 : i32 to index
        %get3A_775 = arith.index_cast %add3A_772 : i32 to index
        %get3A_776 = arith.constant 16 : index
        %get3A_777 = tpu.vector_load %arg7[%get3A_774, %get3A_775, %get3A_776] {strides = array<i32>} : memref<2x800x64xf32, #tpu.memory_space<vmem>>, vector<1x1x16xf32>,
        %get3A_778 = vector.shape_cast %get3A_777 : vector<1x1x16xf32> to vector<16xf32>
        %add3A_779 = arith.addf %add3A_741, %get3A_778 : vector<16xf32>
        %add3A_780 = arith.constant 600 : i32
        %add3A_781 = arith.addi %add3A_780, %scan3A_761 : i32
        %get3A_782 = arith.constant 1 : i32
        %get3A_783 = arith.index_cast %get3A_782 : i32 to index
        %get3A_784 = arith.index_cast %add3A_781 : i32 to index
        %get3A_785 = arith.constant 32 : index
        %get3A_786 = tpu.vector_load %arg7[%get3A_783, %get3A_784, %get3A_785] {strides = array<i32>} : memref<2x800x64xf32, #tpu.memory_space<vmem>>, vector<1x1x16xf32>,
        %get3A_787 = vector.shape_cast %get3A_786 : vector<1x1x16xf32> to vector<16xf32>
        %add3A_788 = arith.addf %add3A_750, %get3A_787 : vector<16xf32>
        %add3A_789 = arith.constant 600 : i32
        %add3A_790 = arith.addi %add3A_789, %scan3A_761 : i32
        %get3A_791 = arith.constant 1 : i32
        %get3A_792 = arith.index_cast %get3A_791 : i32 to index
        %get3A_793 = arith.index_cast %add3A_790 : i32 to index
        %get3A_794 = arith.constant 48 : index
        %get3A_795 = tpu.vector_load %arg7[%get3A_792, %get3A_793, %get3A_794] {strides = array<i32>} : memref<2x800x64xf32, #tpu.memory_space<vmem>>, vector<1x1x16xf32>,
        %get3A_796 = vector.shape_cast %get3A_795 : vector<1x1x16xf32> to vector<16xf32>
        %add3A_797 = arith.addf %add3A_759, %get3A_796 : vector<16xf32>
        scf.yield %add3A_770, %add3A_779, %add3A_788, %add3A_797 : vector<16xf32>, vector<16xf32>, vector<16xf32>, vector<16xf32>
      }
      %scan3A_448 = arith.constant 200 : i32
      %mul3A_449 = arith.constant 4 : i32
      %mul3A_450 = arith.muli %add3A_262, %mul3A_449 : i32
      %add3A_451 = arith.constant 3 : i32
      %add3A_452 = arith.addi %mul3A_450, %add3A_451 : i32
      %mul3A_453 = arith.constant 5.000000e-03 : f32
      %mul3A_454 = vector.broadcast %mul3A_453 : f32 to vector<16xf32>
      %mul3A_455 = arith.mulf %scan3A_447#0, %mul3A_454 : vector<16xf32>
      %swap3A_456 = arith.index_cast %add3A_452 : i32 to index
      %swap3A_457 = arith.constant 0 : index
      %swap3A_458 = tpu.vector_load %arg8[%swap3A_456, %swap3A_457] {strides = array<i32>} : memref<128x64xf32, #tpu.memory_space<vmem>>, vector<1x16xf32>,
      %swap3A_459 = vector.shape_cast %swap3A_458 : vector<1x16xf32> to vector<16xf32>
      %swap3A_460 = vector.shape_cast %mul3A_455 : vector<16xf32> to vector<1x16xf32>
      tpu.vector_store %arg8[%swap3A_456, %swap3A_457], %swap3A_460 {strides = array<i32>} : memref<128x64xf32, #tpu.memory_space<vmem>>, vector<1x16xf32>,
      %mul3A_461 = arith.constant 5.000000e-03 : f32
      %mul3A_462 = vector.broadcast %mul3A_461 : f32 to vector<16xf32>
      %mul3A_463 = arith.mulf %scan3A_447#1, %mul3A_462 : vector<16xf32>
      %swap3A_464 = arith.index_cast %add3A_452 : i32 to index
      %swap3A_465 = arith.constant 16 : index
      %swap3A_466 = tpu.vector_load %arg8[%swap3A_464, %swap3A_465] {strides = array<i32>} : memref<128x64xf32, #tpu.memory_space<vmem>>, vector<1x16xf32>,
      %swap3A_467 = vector.shape_cast %swap3A_466 : vector<1x16xf32> to vector<16xf32>
      %swap3A_468 = vector.shape_cast %mul3A_463 : vector<16xf32> to vector<1x16xf32>
      tpu.vector_store %arg8[%swap3A_464, %swap3A_465], %swap3A_468 {strides = array<i32>} : memref<128x64xf32, #tpu.memory_space<vmem>>, vector<1x16xf32>,
      %mul3A_469 = arith.constant 5.000000e-03 : f32
      %mul3A_470 = vector.broadcast %mul3A_469 : f32 to vector<16xf32>
      %mul3A_471 = arith.mulf %scan3A_447#2, %mul3A_470 : vector<16xf32>
      %swap3A_472 = arith.index_cast %add3A_452 : i32 to index
      %swap3A_473 = arith.constant 32 : index
      %swap3A_474 = tpu.vector_load %arg8[%swap3A_472, %swap3A_473] {strides = array<i32>} : memref<128x64xf32, #tpu.memory_space<vmem>>, vector<1x16xf32>,
      %swap3A_475 = vector.shape_cast %swap3A_474 : vector<1x16xf32> to vector<16xf32>
      %swap3A_476 = vector.shape_cast %mul3A_471 : vector<16xf32> to vector<1x16xf32>
      tpu.vector_store %arg8[%swap3A_472, %swap3A_473], %swap3A_476 {strides = array<i32>} : memref<128x64xf32, #tpu.memory_space<vmem>>, vector<1x16xf32>,
      %mul3A_477 = arith.constant 5.000000e-03 : f32
      %mul3A_478 = vector.broadcast %mul3A_477 : f32 to vector<16xf32>
      %mul3A_479 = arith.mulf %scan3A_447#3, %mul3A_478 : vector<16xf32>
      %swap3A_480 = arith.index_cast %add3A_452 : i32 to index
      %swap3A_481 = arith.constant 48 : index
      %swap3A_482 = tpu.vector_load %arg8[%swap3A_480, %swap3A_481] {strides = array<i32>} : memref<128x64xf32, #tpu.memory_space<vmem>>, vector<1x16xf32>,
      %swap3A_483 = vector.shape_cast %swap3A_482 : vector<1x16xf32> to vector<16xf32>
      %swap3A_484 = vector.shape_cast %mul3A_479 : vector<16xf32> to vector<1x16xf32>
      tpu.vector_store %arg8[%swap3A_480, %swap3A_481], %swap3A_484 {strides = array<i32>} : memref<128x64xf32, #tpu.memory_space<vmem>>, vector<1x16xf32>,
      %add3A_485 = arith.constant 1 : i32
      %add3A_486 = arith.addi %add3A_262, %add3A_485 : i32
      %lt3A_487 = arith.constant 32 : i32
      %lt3A_488 = arith.cmpi slt, %add3A_486, %lt3A_487 : i32
      %convert_element_type3A_489 = arith.extui %lt3A_488 : i1 to i32
      %cond3A_490 = arith.constant 0 : i32
      %cond3A_491 = arith.cmpi ne, %convert_element_type3A_489, %cond3A_490 : i32
      scf.if %cond3A_491 {
        %dma_wait3A_492 = arith.constant 0 : i32
        %dma_wait3A_493 = tpu.memref_slice %arg2[%dma_wait3A_492] : memref<819200xi32, #tpu.memory_space<hbm>> -> memref<800xi32, #tpu.memory_space<hbm>>
        %dma_wait3A_494 = arith.constant 0 : i32
        %dma_wait3A_495 = tpu.memref_slice %arg2[%dma_wait3A_494] : memref<819200xi32, #tpu.memory_space<hbm>> -> memref<800xi32, #tpu.memory_space<hbm>>
        tpu.wait_dma2 semaphore(%arg9 : memref<!tpu.dma_semaphore, #tpu.memory_space<semaphore_mem>>) src(%dma_wait3A_495 : memref<800xi32, #tpu.memory_space<hbm>>) dst(%arg5 : memref<800xi32, #tpu.memory_space<vmem>>)
        %dma_start3A_496 = arith.constant 0 : i32
        %dma_start3A_497 = arith.constant 0 : i32
        %dma_start3A_498 = arith.constant 0 : i32
        %dma_start3A_499 = tpu.memref_slice %arg7[%dma_start3A_496, %dma_start3A_497, %dma_start3A_498] : memref<2x800x64xf32, #tpu.memory_space<vmem>> -> memref<1x800x64xf32, #tpu.memory_space<vmem>>
        %dma_start3A_500 = tpu.memref_squeeze %dma_start3A_499 : memref<1x800x64xf32, #tpu.memory_space<vmem>> -> memref<800x64xf32, #tpu.memory_space<vmem>>
        %dma_start3A_501 = arith.constant 0 : i32
        %dma_start3A_502 = arith.constant 0 : i32
        %dma_start3A_503 = tpu.memref_slice %arg3[%dma_start3A_501, %dma_start3A_502] : memref<1000000x64xf32, #tpu.memory_space<hbm>> -> memref<1000000x64xf32, #tpu.memory_space<hbm>>
        tpu.enqueue_indirect_dma source(%dma_start3A_503 : memref<1000000x64xf32, #tpu.memory_space<hbm>>) target(%dma_start3A_500 : memref<800x64xf32, #tpu.memory_space<vmem>>) offsets(%arg5 : memref<800xi32, #tpu.memory_space<vmem>>) semaphore(%arg11 : memref<!tpu.dma_semaphore, #tpu.memory_space<semaphore_mem>>)
      } else {
      }
    }
    %scan3A_29 = arith.constant 16 : i32
    "tpu.region"() ({
      %run_scoped3A = tpu.sem_alloc : memref<!tpu.dma_semaphore, #tpu.memory_space<semaphore_mem>>
      %dma_start3A_30 = arith.constant 0 : i32
      %dma_start3A_31 = tpu.memref_slice %arg4[%mul3A_2, %dma_start3A_30] : memref<4096x64xf32, #tpu.memory_space<hbm>> -> memref<128x64xf32, #tpu.memory_space<hbm>>
      %dma_start3A_32 = arith.constant 0 : i32
      %dma_start3A_33 = tpu.memref_slice %arg4[%mul3A_2, %dma_start3A_32] : memref<4096x64xf32, #tpu.memory_space<hbm>> -> memref<128x64xf32, #tpu.memory_space<hbm>>
      tpu.enqueue_dma source(%arg8 : memref<128x64xf32, #tpu.memory_space<vmem>>) target(%dma_start3A_33 : memref<128x64xf32, #tpu.memory_space<hbm>>) target_semaphore(%run_scoped3A : memref<!tpu.dma_semaphore, #tpu.memory_space<semaphore_mem>>)
      %dma_wait3A_34 = arith.constant 0 : i32
      %dma_wait3A_35 = tpu.memref_slice %arg4[%mul3A_2, %dma_wait3A_34] : memref<4096x64xf32, #tpu.memory_space<hbm>> -> memref<128x64xf32, #tpu.memory_space<hbm>>
      %dma_wait3A_36 = arith.constant 0 : i32
      %dma_wait3A_37 = tpu.memref_slice %arg4[%mul3A_2, %dma_wait3A_36] : memref<4096x64xf32, #tpu.memory_space<hbm>> -> memref<128x64xf32, #tpu.memory_space<hbm>>
      tpu.wait_dma2 semaphore(%run_scoped3A : memref<!tpu.dma_semaphore, #tpu.memory_space<semaphore_mem>>) src(%arg8 : memref<128x64xf32, #tpu.memory_space<vmem>>) dst(%dma_wait3A_37 : memref<128x64xf32, #tpu.memory_space<hbm>>)
      tpu.yield
    }) : () -> ()
    return
  }
}

</mosaic_0001>

<sc_bundles>
// kernel: _sc_pool.3.cloned.1.call-start
scs
__scs_entry_jumppad:
0x0: {  	(pc) =	sbr.rel $0x88, $3  }
0x1: {  	(tag) =	ssettag $0x0;
	lr =	simm.s32 $0x1  }
0x2: {  	[smem:$0x3F9F] =	sst lr;
	_ =	strace $0xD0000000  }
0x3: {  	_ = 	snop  }
0x4: {  	_ = 	snop  }
0x5: {  	_ = 	snop  }
0x6: {  	_ = 	snop  }
0x7: {  	_ = 	snop  }
__scs_overlays_trampoline_lowered:
0x8: {  	[smem:$0x3FAE] =	sst s0  }
0x9: {  	[smem:$0x3FAF] =	sst s1  }
0xa: {  	[smem:$0x3FB0] =	sst s2  }
0xb: {  	[smem:$0x3FB1] =	sst s3  }
0xc: {  	[smem:$0x3FB2] =	sst s4  }
0xd: {  	[smem:$0x3FB3] =	sst s5  }
0xe: {  	[smem:$0x3FB4] =	sst s6  }
0xf: {  	[smem:$0x3FB5] =	sst s7  }
0x10: {  	[smem:$0x3FB6] =	sst s8  }
0x11: {  	[smem:$0x3FB7] =	sst s9;
	s0 =	simm.s32 @!p0 $0x0  }
0x12: {  	s1 =	sld [smem:$0x3F9D];
	s0 =	simm.s32 @p0 $0x1  }
0x13: {  	[smem:$0x3FB8] =	sst s0;
	s0 =	simm.s32 @!p1 $0x0  }
0x14: {  	s2 =	sld [smem:$0x3F9C];
	s0 =	simm.s32 @p1 $0x1  }
0x15: {  	[smem:$0x3FB9] =	sst s0;
	s0 =	simm.s32 @!p2 $0x0  }
0x16: {  	s3 =	sld [smem:$0x3FDB];
	s0 =	simm.s32 @p2 $0x1  }
0x17: {  	s4 =	simm.s32 $0x1BF5;
	[smem:$0x3FBB] =	sst s0  }
0x18: {  	s0 =	sld [smem:$0x3F9E];
	_ =	swait.ge [sflag:s4], $0x0  }
0x19: {  	s7 =	sld [smem:$0x3F9F]  }
0x1a: {  	s8 =	sadd.s32 $0xFFFFE003, lr  }
0x1b: {  	s9 =	sadd.s32 $0xFFFFFEF7, lr;
	s5 =	simm.s32 $0xFFFFFFFF;
	p2 =	slt.u32 s8, $0xFFFFF086  }
0x1c: {  	p1 =	slt.u32 s9, $0xF7A;
	s5 =	simm.s32 @!p2 $0x0  }
0x1d: {  	s5 =	simm.s32 @p1 $0x1;
	p0 =	seq.s32 s7, s2  }
0x1e: {  	s7 =	smul.u32 @!p0 $0xF7A, s2;
	p2 =	seq.s32 @!p0 s5, $0x0  }
0x1f: {  	s9 =	smul.u32 $0xF7A, s1;
	s8 =	simm.s32 @!p0 $0x1BF5;
	p2 =	por !p2, p0  }
0x20: {  	[sflag:s8] =	ssyncset.s32 @!p0 $0xFFFFF086;
	s6 =	sadd.s32 @!p0 s3, s7;
	s7 =	simm.s32 @!p0 $0x108  }
0x21: {  	s3 =	sadd.s32 s3, s9;
	s6 =	sadd.s32 @!p0 $0x88, s6;
	s7 =	simm.s32 @p2 $0x1082  }
0x22: {  	[simem:s7], [sflag:s8] =	dma.local @!p0 [hbm:s6], $0xF7A  }
0x23: {  	s9 =	sor.u32 $0xD0000000, s2;
	s6 =	simm.s32 $0x108;
	_ =	swait.ge @!p0 [sflag:s8], $0x0  }
0x24: {  	s3 =	sadd.s32 $0x88, s3;
	s6 =	simm.s32 @!p1 $0x1082;
	[sflag:s4] =	ssyncset.s32 $0xFFFFF086  }
0x25: {  	[simem:s6], [sflag:s4] =	dma.local [hbm:s3], $0xF7A  }
0x26: {  	[smem:$0x3F9F] =	sst s1;
	(tag) =	ssettag s2;
	_ =	strace s9  }
0x27: {  	s1 =	sld [smem:$0x3FAF]  }
0x28: {  	s2 =	sld [smem:$0x3FB0]  }
0x29: {  	s4 =	sld [smem:$0x3FB2]  }
0x2a: {  	p0 =	seq.s32 s5, $0x0;
	s5 =	sld [smem:$0x3FB3]  }
0x2b: {  	s6 =	sld [smem:$0x3FB4]  }
0x2c: {  	s7 =	sld [smem:$0x3FB5]  }
0x2d: {  	s3 =	simm.s32 $0x108;
	s8 =	sld [smem:$0x3FB6]  }
0x2e: {  	s3 =	simm.s32 @!p0 $0x1082;
	s9 =	sld [smem:$0x3FB7]  }
0x2f: {  	lr =	sadd.s32 s0, s3;
	s0 =	sld [smem:$0x3FAE]  }
0x30: {  	s3 =	sld [smem:$0x3FB1]  }
0x31: {  	[smem:$0x3FBA] =	sst s10  }
0x32: {  	s10 =	sld [smem:$0x3FB8];
	_ =	sdelay $0x3  }
0x33: {  	p0 =	seq.s32 s10, $0x1;
	s10 =	sld [smem:$0x3FBA];
	_ =	sdelay $0x3  }
0x34: {  	[smem:$0x3FBA] =	sst s10  }
0x35: {  	s10 =	sld [smem:$0x3FB9];
	_ =	sdelay $0x3  }
0x36: {  	p1 =	seq.s32 s10, $0x1;
	s10 =	sld [smem:$0x3FBA];
	_ =	sdelay $0x3  }
0x37: {  	[smem:$0x3FBA] =	sst s10  }
0x38: {  	s10 =	sld [smem:$0x3FBB]  }
0x39: {  	_ = 	snop;
	(pc) =	sbr.ind lr, $3  }
0x3a: {  	_ = 	snop  }
0x3b: {  	_ = 	snop  }
0x3c: {  	p2 =	seq.s32 s10, $0x1;
	s10 =	sld [smem:$0x3FBA]  }
0x3d: {  	_ =	shalt  }
0x3e: {  	_ =	shalt  }
0x3f: {  	_ =	shalt  }
0x40: {  	_ =	shalt  }
0x41: {  	_ =	shalt  }
0x42: {  	_ =	shalt  }
0x43: {  	_ =	shalt  }
0x44: {  	_ =	shalt  }
0x45: {  	_ =	shalt  }
0x46: {  	_ =	shalt  }
0x47: {  	_ =	shalt  }
0x48: {  	_ =	shalt  }
0x49: {  	_ =	shalt  }
0x4a: {  	_ =	shalt  }
0x4b: {  	_ =	shalt  }
0x4c: {  	_ =	shalt  }
0x4d: {  	_ =	shalt  }
0x4e: {  	_ =	shalt  }
0x4f: {  	_ =	shalt  }
0x50: {  	_ =	shalt  }
0x51: {  	_ =	shalt  }
0x52: {  	_ =	shalt  }
0x53: {  	_ =	shalt  }
0x54: {  	_ =	shalt  }
0x55: {  	_ =	shalt  }
0x56: {  	_ =	shalt  }
0x57: {  	_ =	shalt  }
0x58: {  	_ =	shalt  }
0x59: {  	_ =	shalt  }
0x5a: {  	_ =	shalt  }
0x5b: {  	_ =	shalt  }
0x5c: {  	_ =	shalt  }
0x5d: {  	_ =	shalt  }
0x5e: {  	_ =	shalt  }
0x5f: {  	_ =	shalt  }
0x60: {  	_ =	shalt  }
0x61: {  	_ =	shalt  }
0x62: {  	_ =	shalt  }
0x63: {  	_ =	shalt  }
0x64: {  	_ =	shalt  }
0x65: {  	_ =	shalt  }
0x66: {  	_ =	shalt  }
0x67: {  	_ =	shalt  }
0x68: {  	_ =	shalt  }
0x69: {  	_ =	shalt  }
0x6a: {  	_ =	shalt  }
0x6b: {  	_ =	shalt  }
0x6c: {  	_ =	shalt  }
0x6d: {  	_ =	shalt  }
0x6e: {  	_ =	shalt  }
0x6f: {  	_ =	shalt  }
0x70: {  	_ =	shalt  }
0x71: {  	_ =	shalt  }
0x72: {  	_ =	shalt  }
0x73: {  	_ =	shalt  }
0x74: {  	_ =	shalt  }
0x75: {  	_ =	shalt  }
0x76: {  	_ =	shalt  }
0x77: {  	_ =	shalt  }
0x78: {  	_ =	shalt  }
0x79: {  	_ =	shalt  }
0x7a: {  	_ =	shalt  }
0x7b: {  	_ =	shalt  }
0x7c: {  	_ =	shalt  }
0x7d: {  	_ =	shalt  }
0x7e: {  	_ =	shalt  }
0x7f: {  	_ =	shalt  }
0x80: {  	_ =	shalt  }
0x81: {  	_ =	shalt  }
0x82: {  	_ =	shalt  }
0x83: {  	_ =	shalt  }
0x84: {  	_ =	shalt  }
0x85: {  	_ =	shalt  }
0x86: {  	_ =	shalt  }
0x87: {  	_ =	shalt  }
.Lfunc_end0:
.L_simem_size_0:
called_computation_lowered:
.L_overlay_start_0:
0x88: {  	s2 =	sld [smem:$0x3FD9]  }
0x89: {  	s3 =	sld [smem:$0x3FFE];
	_ =	sdelay $0x1  }
0x8a: {  	s1 =	srdreg.scid  }
0x8b: {  	s0 =	sand.u32 $0x1, s1  }
0x8c: {  	s17 =	sshll.u32 s0, $0xA;
	s2 =	sadd.s32 s3, s2  }
0x8d: {  	s2 =	sadd.s32 s2, s17  }
0x8e: {  	[smem:$0x3FC6] =	sst s2  }
0x8f: {  	_ = 	snop  }
0x90: {  	s2 =	sld [smem:$0x3FC9]  }
0x91: {  	s18 =	sld [smem:$0x3FD0];
	(tm) =	ssettm $0x1  }
0x92: {  	s4 =	sld [smem:$0x3FFB];
	_ =	sdelay $0x3  }
0x93: {  	_ =	strace s4  }
0x94: {  	s4 =	sld [smem:$0x3FFC];
	_ =	sdelay $0x3  }
0x95: {  	_ =	strace s4  }
0x96: {  	s4 =	sld [smem:$0x3FFD];
	_ =	sdelay $0x3  }
0x97: {  	_ =	strace s4  }
0x98: {  	_ =	strace $0x8FFFFFFF  }
0x99: {  	s19 =	sld [smem:$0x3FDB];
	_ =	sdelay $0x1  }
0x9a: {  	s5 =	simm.s32 $_scs_section_size  }
0x9b: {  	s6 =	simm.s32 $_size__tile_overlayer_lowered;
	s7 =	simm.s32 $_tile_overlayer_lowered  }
0x9c: {  	s22 =	simm.s32 $0x1BFF;
	s21 =	sshll.u32 s7, $0x1;
	s4 =	sadd.s32 s5, s19  }
0x9d: {  	s8 =	simm.s32 $0x0;
	s20 =	sshll.u32 s6, $0x1;
	s6 =	sadd.s32 s21, s4  }
0x9e: {  	[timem:s8], [sflag:s22] =	dma.local [hbm:s6], s20  }
0x9f: {  	_ =	swait.ge [sflag:s22], s20  }
0xa0: {  	s5 =	ssub.s32 $0x0, s20;
	[sflag:s22] =	ssyncset.done $0x0  }
0xa1: {  	[sflag:s22] =	ssyncadd.s32 s5;
	_ =	sdelay $0x1  }
0xa2: {  	s23 =	simm.s32 $0x1B8B  }
0xa3: {  	_ =	swait.ge [sflag:s23], $0x1  }
0xa4: {  	[sflag:s23] =	ssyncset.done $0x0  }
0xa5: {  	s25 =	simm.s32 $0x1B8E;
	s24 =	sld [smem:$0x3FFE];
	[sflag:s23] =	ssyncadd.s32 $0xFFFFFFFF  }
0xa6: {  	s26 =	simm.s32 $execute0_lowered;
	[smem:$0x3FD2] =	sst s25  }
0xa7: {  	s6 =	sshll.u32 s26, $0x1;
	_ =	strace $0x80000046;
	[dreg:$0x1] =	wrdreg $0xFFFFFFFF  }
0xa8: {  	s28 =	simm.s32 $_size_execute0_lowered;
	s4 =	sadd.s32 s4, s6;
	[dreg:$0x0] =	wrdreg $0x0  }
0xa9: {  	s6 =	sshll.u32 s28, $0x1;
	[dreg:$0x2] =	wrdreg s4  }
0xaa: {  	[dreg:$0x3] =	wrdreg s6  }
0xab: {  	[dreg:$0x4] =	wrdreg $0xC0  }
0xac: {  	_ =	task [dreg:s8], $0x5FFFF  }
0xad: {  	[dreg:$0x1] =	wrdreg $0xFFFFFFFF  }
0xae: {  	[dreg:$0x0] =	wrdreg $0x60  }
0xaf: {  	[dreg:$0x2] =	wrdreg s2  }
0xb0: {  	[dreg:$0x3] =	wrdreg s24  }
0xb1: {  	[dreg:$0x4] =	wrdreg s18  }
0xb2: {  	[dreg:$0x5] =	wrdreg $0x9  }
0xb3: {  	_ =	task.clear_ibuf [dreg:s8], $0x6FFFF;
	_ =	strace $0x90000046  }
0xb4: {  	s29 =	simm.s32 $0x9;
	_ =	strace $0x80000048  }
0xb5: {  	_ =	swait.ge [sflag:s29], $0x1  }
0xb6: {  	[sflag:s29] =	ssyncadd.s32 $0xFFFFFFFF  }
0xb7: {  	_ =	strace $0x90000048  }
0xb8: {  	_ =	sfence  }
0xb9: {  	s30 =	sld [smem:$0x0];
	_ =	sdelay $0x2  }
0xba: {  	s31 =	sshll.u32 s1, $0xD;
	s1 =	sshrl.u32 s1, $0x2  }
0xbb: {  	s3 =	sand.u32 $0x4000, s31;
	s1 =	sadd.s32 s1, s30  }
0xbc: {  	s0 =	sor.u32 s3, s0;
	s1 =	sshll.u32 s1, $0x11  }
0xbd: {  	s0 =	sor.u32 s1, s0  }
0xbe: {  	s0 =	sadd.s32 $0x8F2B, s0  }
0xbf: {  	[sflag:s0] =	ssyncadd.remote.s32 $0x1  }
0xc0: {  	_ =	sfence.sel $0xFFFF  }
0xc1: {  	[dreg:$0x0] =	wrdreg $0xFFFFFFFF;
	(pc) =	sbr.abs _section_cstart, $3  }
0xc2: {  	[dreg:$0x1] =	wrdreg $0xFFFFFFFF  }
0xc3: {  	_ =	task.clear_ibuf [dreg:s8], $0x2FFFF;
	_ =	strace $0x9FFFFFFF  }
0xc4: {  	(tm) =	ssettm $0x7FFFFFFF  }
0xc5: {  	_ =	shalt  }
tec
execute0_lowered:
.L_overlay_start_1:
0x0: {  	(tag) =	ssettag $0x1  }
0x1: {  	s1 =	rddreg [dreg:$0x0]  }
0x2: {  	s4 =	rddreg [dreg:$0x1];
	s2 =	srdreg.scid  }
0x3: {  	s0 =	stileid.u32;
	s9 =	rddreg [dreg:$0x2];
	s3 =	simm.s32 $0x0  }
0x4: {  	s12 =	simm.s32 $0x1;
	s13 =	simm.s32 $0x640;
	s14 =	simm.s32 $0x3  }
0x5: {  	s15 =	simm.s32 $0x2;
	s16 =	simm.s32 $0xCE40;
	s17 =	simm.s32 $0x4  }
0x6: {  	s18 =	simm.s32 $0x19640;
	s19 =	simm.s32 $0x5;
	s20 =	simm.s32 $0x0  }
0x7: {  	s5 =	sand.u32 $0x1, s2;
	s6 =	sshll.u32 s0, $0x1;
	s2 =	rddreg [dreg:$0x3]  }
0x8: {  	[smem:$0x7FF] =	sst s3;
	s4 =	sadd.s32 $0x400, s4;
	s10 =	sor.u32 s5, s6  }
.Ltmp0:
0x9: {  	_ =	strace $0x80000047;
	s7 =	ssub.s32 $0x2, s5;
	(pc) =	sbr.rel .LBB2_1-.Ltmp0, $4  }
0xa: {  	s6 =	smul.u32 $0xC80, s10;
	s8 =	sshrl.u32 s7, $0x1;
	s31 =	sshll.u32 s10, $0x7  }
0xb: {  	s10 =	sshll.u32 s10, $0xA;
	s11 =	ssub.s32 s7, s8;
	s7 =	sor.u32 $0x8, s31  }
0xc: {  	s8 =	sor.u32 $0xC, s31;
	s9 =	sadd.s32 s9, s10;
	s5 =	sadd.s32 s1, s6  }
0xd: {  	s10 =	smax.u32 s11, $0x1;
	s11 =	simm.s32 $0x320;
	s6 =	sadd.s32 $0x64, s5  }
.LBB2_20:
0xe: {  	s20 =	sadd.s32 $0x1, s20  }
0xf: {  	p0 =	sne.s32 s20, s10  }
.Ltmp1:
0x10: {  	_ = 	snop;
	(pc) =	sbr.rel @!p0 .LBB2_21-.Ltmp1, $4  }
0x11: {  	[hbm4b:s9+s3] =	stream.linear.scatter [tilespmem:s18], [sflag:$0x5], $0x2000, $0x38;
	[tilespmem:$0x1B640] =	vst v63  }
0x12: {  	_ =	swait.ge [sflag:s19], $0x2000  }
0x13: {  	[sflag:s19] =	ssyncset.done $0x0  }
0x14: {  	[sflag:s19] =	ssyncadd.s32 $0xFFFFE000  }
.LBB2_1:
0x15: {  	[tilespmem:s3], [sflag:$0x1] =	stream.linear.gather [hbm4b:s5+s3], $0x320, $0x38;
	[tilespmem:$0x1B640] =	vst v63  }
0x16: {  	_ = 	snop  }
0x17: {  	[tilespmem:s11], [sflag:$0x2] =	stream.linear.gather [hbm4b:s6+s3], $0x320, $0x38;
	[tilespmem:$0x1B640] =	vst v63  }
0x18: {  	_ =	swait.ge [sflag:s12], $0x320  }
0x19: {  	[sflag:s12] =	ssyncset.done $0x0  }
0x1a: {  	s21 =	simm.s32 $0x0;
	[sflag:s12] =	ssyncadd.s32 $0xFFFFFCE0  }
0x1b: {  	[tilespmem:s13], [sflag:$0x3] =	stream.indirect.gather [hbm4b:s4+s11], $0x40, s3, s11, $0xb8;
	[tilespmem:$0x1B640] =	vst v63  }
.LBB2_2:
0x1c: {  	p0 =	seq.s32 s21, $0xF  }
0x1d: {  	s23 =	sshll.u32 @!p0 s21, $0x3  }
0x1e: {  	s22 =	sadd.s32 @!p0 s23, s7  }
0x1f: {  	_ =	swait.ge [sflag:s14], $0xC800;
	s22 =	smul.u32 @!p0 $0x19, s22  }
0x20: {  	s31 =	simm.s32 $0x740;
	[sflag:s14] =	ssyncset.done $0x0  }
0x21: {  	s24 =	simm.s32 @!p0 $0x0;
	[sflag:s14] =	ssyncadd.s32 $0xFFFF3800;
	s22 =	sadd.s32 @!p0 s1, s22  }
0x22: {  	[tilespmem:s24], [sflag:$0x1] =	stream.linear.gather @!p0 [hbm4b:s22+s24], $0x320, $0x38;
	[tilespmem:$0x1B640] =	vst v63  }
0x23: {  	v0 =	vld [tilespmem:s31+$0xC0]  }
0x24: {  	v1 =	vld [tilespmem:s31+$0xD0]  }
0x25: {  	v2 =	vld [tilespmem:s31+$0x80]  }
0x26: {  	v3 =	vld [tilespmem:s31+$0x90]  }
0x27: {  	v9 =	vld [tilespmem:s31+$0x40]  }
0x28: {  	v12 =	vld [tilespmem:s31+$0x50]  }
0x29: {  	v7 =	vld [tilespmem:s31+$0x0]  }
0x2a: {  	v8 =	vld [tilespmem:s31+$0x10]  }
0x2b: {  	v5 =	vld [tilespmem:s31+$0xFFFFFFC0]  }
0x2c: {  	v6 =	vld [tilespmem:s31+$0xFFFFFFD0]  }
0x2d: {  	v4 =	vld [tilespmem:s31+$0xFFFFFF80]  }
0x2e: {  	v10 =	vld [tilespmem:s31+$0xFFFFFF90]  }
0x2f: {  	v11 =	vld [tilespmem:s31+$0xFFFFFF40]  }
0x30: {  	v13 =	vld [tilespmem:s31+$0xFFFFFF50]  }
0x31: {  	v14 =	vld [tilespmem:s31+$0xFFFFFF00]  }
0x32: {  	v15 =	vld [tilespmem:s31+$0xFFFFFF10]  }
0x33: {  	v16 =	vld [tilespmem:s31+$0xFFFFFF20]  }
0x34: {  	v17 =	vld [tilespmem:s31+$0xFFFFFF30]  }
0x35: {  	v18 =	vld [tilespmem:s31+$0xFFFFFF60]  }
0x36: {  	v19 =	vld [tilespmem:s31+$0xFFFFFF70]  }
0x37: {  	v20 =	vimm.f32 $0.0e+00;
	v21 =	vld [tilespmem:s31+$0xFFFFFFA0]  }
0x38: {  	v22 =	vld [tilespmem:s31+$0xFFFFFFB0];
	v14 =	vadd.f32 v14, v20;
	v15 =	vadd.f32 v15, v20  }
0x39: {  	v59 =	vld [tilespmem:s31+$0xFFFFFFE0];
	v16 =	vadd.f32 v16, v20;
	v17 =	vadd.f32 v17, v20  }
0x3a: {  	v11 =	vadd.f32 v11, v14;
	v13 =	vadd.f32 v13, v15;
	v14 =	vld [tilespmem:s31+$0xFFFFFFF0]  }
0x3b: {  	v61 =	vld [tilespmem:s31+$0x20];
	v15 =	vadd.f32 v18, v16;
	v60 =	vadd.f32 v19, v17  }
0x3c: {  	v11 =	vadd.f32 v4, v11;
	v10 =	vadd.f32 v10, v13;
	v13 =	vld [tilespmem:s31+$0x30]  }
0x3d: {  	v15 =	vadd.f32 v21, v15;
	v16 =	vadd.f32 v22, v60;
	v4 =	vld [tilespmem:s31+$0x60]  }
0x3e: {  	v11 =	vadd.f32 v5, v11;
	v10 =	vadd.f32 v6, v10;
	v6 =	vld [tilespmem:s31+$0x70]  }
0x3f: {  	v15 =	vadd.f32 v59, v15;
	v5 =	vld [tilespmem:s31+$0xA0];
	v14 =	vadd.f32 v14, v16  }
0x40: {  	v62 =	vadd.f32 v7, v11;
	v63 =	vadd.f32 v8, v10;
	v8 =	vld [tilespmem:s31+$0xB0]  }
0x41: {  	v11 =	vadd.f32 v61, v15;
	v7 =	vld [tilespmem:s31+$0xE0];
	v10 =	vadd.f32 v13, v14  }
0x42: {  	s22 =	simm.s32 $0x0;
	s24 =	simm.s32 $0x940;
	v13 =	vadd.f32 v9, v62;
	v12 =	vadd.f32 v12, v63;
	v9 =	vld [tilespmem:s31+$0xF0]  }
.LBB2_3:
0x43: {  	v14 =	vld [tilespmem:s24+$0xC0];
	v4 =	vadd.f32 v4, v11;
	v6 =	vadd.f32 v6, v10  }
0x44: {  	v10 =	vld [tilespmem:s24+$0xD0];
	v11 =	vadd.f32 v2, v13;
	v12 =	vadd.f32 v3, v12  }
0x45: {  	v2 =	vld [tilespmem:s24+$0x80];
	v4 =	vadd.f32 v5, v4;
	v5 =	vadd.f32 v8, v6  }
0x46: {  	v3 =	vld [tilespmem:s24+$0x90];
	v6 =	vadd.f32 v0, v11;
	v8 =	vadd.f32 v1, v12  }
0x47: {  	v12 =	vld [tilespmem:s24+$0x40];
	v4 =	vadd.f32 v7, v4;
	v5 =	vadd.f32 v9, v5  }
0x48: {  	v9 =	vld [tilespmem:s24+$0x50];
	v0 =	vmov v14  }
0x49: {  	v7 =	vld [tilespmem:s24+$0x0];
	v1 =	vmov v10  }
0x4a: {  	v10 =	vld [tilespmem:s24+$0x10]  }
0x4b: {  	v11 =	vld [tilespmem:s24+$0xFFFFFFC0]  }
0x4c: {  	v13 =	vld [tilespmem:s24+$0xFFFFFFD0]  }
0x4d: {  	v14 =	vld [tilespmem:s24+$0xFFFFFF80]  }
0x4e: {  	v15 =	vld [tilespmem:s24+$0xFFFFFF90]  }
0x4f: {  	v16 =	vld [tilespmem:s24+$0xFFFFFF40]  }
0x50: {  	v17 =	vld [tilespmem:s24+$0xFFFFFF50]  }
0x51: {  	v18 =	vld [tilespmem:s24+$0xFFFFFF00]  }
0x52: {  	v19 =	vld [tilespmem:s24+$0xFFFFFF10]  }
0x53: {  	v20 =	vld [tilespmem:s24+$0xFFFFFF20]  }
0x54: {  	s22 =	sadd.s32 $0x8, s22;
	v21 =	vld [tilespmem:s24+$0xFFFFFF30]  }
0x55: {  	p1 =	slt.u32 s22, $0xC0;
	v22 =	vld [tilespmem:s24+$0xFFFFFF60]  }
0x56: {  	v23 =	vld [tilespmem:s24+$0xFFFFFF70]  }
0x57: {  	v24 =	vld [tilespmem:s24+$0xFFFFFFA0]  }
0x58: {  	v6 =	vadd.f32 v18, v6;
	v8 =	vadd.f32 v19, v8;
	v18 =	vld [tilespmem:s24+$0xFFFFFFB0]  }
0x59: {  	v4 =	vadd.f32 v20, v4;
	v5 =	vadd.f32 v21, v5;
	v19 =	vld [tilespmem:s24+$0xFFFFFFE0]  }
0x5a: {  	v6 =	vadd.f32 v16, v6;
	v8 =	vadd.f32 v17, v8;
	v16 =	vld [tilespmem:s24+$0xFFFFFFF0]  }
0x5b: {  	v4 =	vadd.f32 v22, v4;
	v5 =	vadd.f32 v23, v5;
	v17 =	vld [tilespmem:s24+$0x20]  }
0x5c: {  	v6 =	vadd.f32 v14, v6;
	v8 =	vadd.f32 v15, v8;
	v14 =	vld [tilespmem:s24+$0x30]  }
0x5d: {  	v15 =	vadd.f32 v24, v4;
	v5 =	vadd.f32 v18, v5;
	v4 =	vld [tilespmem:s24+$0x60]  }
.Ltmp2:
0x5e: {  	v11 =	vadd.f32 v11, v6;
	v8 =	vadd.f32 v13, v8;
	v6 =	vld [tilespmem:s24+$0x70];
	(pc) =	sbr.rel @p1 .LBB2_3-.Ltmp2, $4  }
0x5f: {  	v13 =	vadd.f32 v19, v15;
	v15 =	vadd.f32 v16, v5;
	v5 =	vld [tilespmem:s24+$0xA0]  }
0x60: {  	v16 =	vadd.f32 v7, v11;
	v18 =	vadd.f32 v10, v8;
	v8 =	vld [tilespmem:s24+$0xB0]  }
0x61: {  	v11 =	vadd.f32 v17, v13;
	v10 =	vadd.f32 v14, v15;
	v7 =	vld [tilespmem:s24+$0xE0]  }
0x62: {  	v13 =	vadd.f32 v12, v16;
	v12 =	vadd.f32 v9, v18;
	v9 =	vld [tilespmem:s24+$0xF0];
	s24 =	sadd.s32 $0x200, s24  }
0x63: {  	_ = 	snop  }
0x64: {  	v4 =	vadd.f32 v4, v11;
	v2 =	vadd.f32 v2, v13  }
0x65: {  	v6 =	vadd.f32 v6, v10;
	v3 =	vadd.f32 v3, v12  }
0x66: {  	v4 =	vadd.f32 v5, v4;
	v0 =	vadd.f32 v0, v2  }
0x67: {  	v2 =	vadd.f32 v8, v6;
	v1 =	vadd.f32 v1, v3  }
0x68: {  	s22 =	sshll.u32 s21, $0x9;
	v3 =	vadd.f32 v7, v4;
	v0 =	vmul.f32 $4.999999890e-03, v0  }
0x69: {  	s22 =	sand.u32 $0x3FFFFE00, s22;
	v2 =	vadd.f32 v9, v2;
	v1 =	vmul.f32 $4.999999890e-03, v1  }
0x6a: {  	[tilespmem:s22+$0x19640] =	vst v0;
	v0 =	vmul.f32 $4.999999890e-03, v3  }
0x6b: {  	[tilespmem:s22+$0x19650] =	vst v1;
	v1 =	vmul.f32 $4.999999890e-03, v2  }
0x6c: {  	[tilespmem:s22+$0x19660] =	vst v0  }
0x6d: {  	s25 =	simm.s32 $0x3A30;
	[tilespmem:s22+$0x19670] =	vst v1  }
0x6e: {  	v0 =	vld [tilespmem:s25+$0xFFFFFFD0]  }
0x6f: {  	v1 =	vld [tilespmem:s25+$0xFFFFFFE0]  }
0x70: {  	v2 =	vld [tilespmem:s25+$0xFFFFFF90]  }
0x71: {  	v3 =	vld [tilespmem:s25+$0xFFFFFFA0]  }
0x72: {  	v9 =	vld [tilespmem:s25+$0xFFFFFF50]  }
0x73: {  	v12 =	vld [tilespmem:s25+$0xFFFFFF60]  }
0x74: {  	v7 =	vld [tilespmem:s25+$0xFFFFFF10]  }
0x75: {  	v8 =	vld [tilespmem:s25+$0xFFFFFF20]  }
0x76: {  	v5 =	vld [tilespmem:s25+$0xFFFFFED0]  }
0x77: {  	v6 =	vld [tilespmem:s25+$0xFFFFFEE0]  }
0x78: {  	v4 =	vld [tilespmem:s25+$0xFFFFFE90]  }
0x79: {  	v10 =	vld [tilespmem:s25+$0xFFFFFEA0]  }
0x7a: {  	v11 =	vld [tilespmem:s25+$0xFFFFFE50]  }
0x7b: {  	v13 =	vld [tilespmem:s25+$0xFFFFFE60]  }
0x7c: {  	v14 =	vld [tilespmem:s25+$0xFFFFFE10]  }
0x7d: {  	v15 =	vld [tilespmem:s25+$0xFFFFFE20]  }
0x7e: {  	v16 =	vld [tilespmem:s25+$0xFFFFFE30]  }
0x7f: {  	v17 =	vld [tilespmem:s25+$0xFFFFFE40]  }
0x80: {  	v18 =	vld [tilespmem:s25+$0xFFFFFE70]  }
0x81: {  	v19 =	vld [tilespmem:s25+$0xFFFFFE80]  }
0x82: {  	v20 =	vimm.f32 $0.0e+00;
	v21 =	vld [tilespmem:s25+$0xFFFFFEB0]  }
0x83: {  	v22 =	vld [tilespmem:s25+$0xFFFFFEC0];
	v14 =	vadd.f32 v14, v20;
	v15 =	vadd.f32 v15, v20  }
0x84: {  	v59 =	vld [tilespmem:s25+$0xFFFFFEF0];
	v16 =	vadd.f32 v16, v20;
	v17 =	vadd.f32 v17, v20  }
0x85: {  	v11 =	vadd.f32 v11, v14;
	v13 =	vadd.f32 v13, v15;
	v14 =	vld [tilespmem:s25+$0xFFFFFF00]  }
0x86: {  	v61 =	vld [tilespmem:s25+$0xFFFFFF30];
	v15 =	vadd.f32 v18, v16;
	v60 =	vadd.f32 v19, v17  }
0x87: {  	v11 =	vadd.f32 v4, v11;
	v10 =	vadd.f32 v10, v13;
	v13 =	vld [tilespmem:s25+$0xFFFFFF40]  }
0x88: {  	v15 =	vadd.f32 v21, v15;
	v16 =	vadd.f32 v22, v60;
	v4 =	vld [tilespmem:s25+$0xFFFFFF70]  }
0x89: {  	v11 =	vadd.f32 v5, v11;
	v10 =	vadd.f32 v6, v10;
	v6 =	vld [tilespmem:s25+$0xFFFFFF80]  }
0x8a: {  	v15 =	vadd.f32 v59, v15;
	v5 =	vld [tilespmem:s25+$0xFFFFFFB0];
	v14 =	vadd.f32 v14, v16  }
0x8b: {  	v62 =	vadd.f32 v7, v11;
	v63 =	vadd.f32 v8, v10;
	v8 =	vld [tilespmem:s25+$0xFFFFFFC0]  }
0x8c: {  	v11 =	vadd.f32 v61, v15;
	v7 =	vld [tilespmem:s25+$0xFFFFFFF0];
	v10 =	vadd.f32 v13, v14  }
0x8d: {  	s24 =	simm.s32 $0x0;
	v13 =	vadd.f32 v9, v62;
	v12 =	vadd.f32 v12, v63;
	v9 =	vld [tilespmem:s25+$0x0];
	s25 =	simm.s32 $0x3C30  }
.LBB2_5:
0x8e: {  	v14 =	vld [tilespmem:s25+$0xFFFFFFD0];
	v4 =	vadd.f32 v4, v11;
	v6 =	vadd.f32 v6, v10  }
0x8f: {  	v10 =	vld [tilespmem:s25+$0xFFFFFFE0];
	v11 =	vadd.f32 v2, v13;
	v12 =	vadd.f32 v3, v12  }
0x90: {  	v2 =	vld [tilespmem:s25+$0xFFFFFF90];
	v4 =	vadd.f32 v5, v4;
	v5 =	vadd.f32 v8, v6  }
0x91: {  	v3 =	vld [tilespmem:s25+$0xFFFFFFA0];
	v6 =	vadd.f32 v0, v11;
	v8 =	vadd.f32 v1, v12  }
0x92: {  	v12 =	vld [tilespmem:s25+$0xFFFFFF50];
	v4 =	vadd.f32 v7, v4;
	v5 =	vadd.f32 v9, v5  }
0x93: {  	v9 =	vld [tilespmem:s25+$0xFFFFFF60];
	v0 =	vmov v14  }
0x94: {  	v7 =	vld [tilespmem:s25+$0xFFFFFF10];
	v1 =	vmov v10  }
0x95: {  	v10 =	vld [tilespmem:s25+$0xFFFFFF20]  }
0x96: {  	v11 =	vld [tilespmem:s25+$0xFFFFFED0]  }
0x97: {  	v13 =	vld [tilespmem:s25+$0xFFFFFEE0]  }
0x98: {  	v14 =	vld [tilespmem:s25+$0xFFFFFE90]  }
0x99: {  	v15 =	vld [tilespmem:s25+$0xFFFFFEA0]  }
0x9a: {  	v16 =	vld [tilespmem:s25+$0xFFFFFE50]  }
0x9b: {  	v17 =	vld [tilespmem:s25+$0xFFFFFE60]  }
0x9c: {  	v18 =	vld [tilespmem:s25+$0xFFFFFE10]  }
0x9d: {  	v19 =	vld [tilespmem:s25+$0xFFFFFE20]  }
0x9e: {  	v20 =	vld [tilespmem:s25+$0xFFFFFE30]  }
0x9f: {  	s24 =	sadd.s32 $0x8, s24;
	v21 =	vld [tilespmem:s25+$0xFFFFFE40]  }
0xa0: {  	p1 =	slt.u32 s24, $0xC0;
	v22 =	vld [tilespmem:s25+$0xFFFFFE70]  }
0xa1: {  	v23 =	vld [tilespmem:s25+$0xFFFFFE80]  }
0xa2: {  	v24 =	vld [tilespmem:s25+$0xFFFFFEB0]  }
0xa3: {  	v6 =	vadd.f32 v18, v6;
	v8 =	vadd.f32 v19, v8;
	v18 =	vld [tilespmem:s25+$0xFFFFFEC0]  }
0xa4: {  	v4 =	vadd.f32 v20, v4;
	v5 =	vadd.f32 v21, v5;
	v19 =	vld [tilespmem:s25+$0xFFFFFEF0]  }
0xa5: {  	v6 =	vadd.f32 v16, v6;
	v8 =	vadd.f32 v17, v8;
	v16 =	vld [tilespmem:s25+$0xFFFFFF00]  }
0xa6: {  	v4 =	vadd.f32 v22, v4;
	v5 =	vadd.f32 v23, v5;
	v17 =	vld [tilespmem:s25+$0xFFFFFF30]  }
0xa7: {  	v6 =	vadd.f32 v14, v6;
	v8 =	vadd.f32 v15, v8;
	v14 =	vld [tilespmem:s25+$0xFFFFFF40]  }
0xa8: {  	v15 =	vadd.f32 v24, v4;
	v5 =	vadd.f32 v18, v5;
	v4 =	vld [tilespmem:s25+$0xFFFFFF70]  }
.Ltmp3:
0xa9: {  	v11 =	vadd.f32 v11, v6;
	v8 =	vadd.f32 v13, v8;
	v6 =	vld [tilespmem:s25+$0xFFFFFF80];
	(pc) =	sbr.rel @p1 .LBB2_5-.Ltmp3, $4  }
0xaa: {  	v13 =	vadd.f32 v19, v15;
	v15 =	vadd.f32 v16, v5;
	v5 =	vld [tilespmem:s25+$0xFFFFFFB0]  }
0xab: {  	v16 =	vadd.f32 v7, v11;
	v18 =	vadd.f32 v10, v8;
	v8 =	vld [tilespmem:s25+$0xFFFFFFC0]  }
0xac: {  	v11 =	vadd.f32 v17, v13;
	v10 =	vadd.f32 v14, v15;
	v7 =	vld [tilespmem:s25+$0xFFFFFFF0]  }
0xad: {  	v13 =	vadd.f32 v12, v16;
	v12 =	vadd.f32 v9, v18;
	v9 =	vld [tilespmem:s25+$0x0];
	s25 =	sadd.s32 $0x200, s25  }
0xae: {  	_ = 	snop  }
0xaf: {  	v4 =	vadd.f32 v4, v11;
	v2 =	vadd.f32 v2, v13  }
0xb0: {  	v6 =	vadd.f32 v6, v10;
	v3 =	vadd.f32 v3, v12  }
0xb1: {  	v4 =	vadd.f32 v5, v4;
	v0 =	vadd.f32 v0, v2  }
0xb2: {  	v2 =	vadd.f32 v8, v6;
	v1 =	vadd.f32 v1, v3  }
0xb3: {  	v3 =	vadd.f32 v7, v4;
	v0 =	vmul.f32 $4.999999890e-03, v0  }
0xb4: {  	v2 =	vadd.f32 v9, v2;
	v1 =	vmul.f32 $4.999999890e-03, v1  }
0xb5: {  	[tilespmem:s22+$0x19680] =	vst v0;
	v0 =	vmul.f32 $4.999999890e-03, v3  }
0xb6: {  	[tilespmem:s22+$0x19690] =	vst v1;
	v1 =	vmul.f32 $4.999999890e-03, v2  }
0xb7: {  	[tilespmem:s22+$0x196A0] =	vst v0  }
0xb8: {  	s25 =	simm.s32 $0x6A40;
	[tilespmem:s22+$0x196B0] =	vst v1  }
0xb9: {  	v0 =	vld [tilespmem:s25+$0x1C0]  }
0xba: {  	v1 =	vld [tilespmem:s25+$0x1D0]  }
0xbb: {  	v2 =	vld [tilespmem:s25+$0x180]  }
0xbc: {  	v3 =	vld [tilespmem:s25+$0x190]  }
0xbd: {  	v9 =	vld [tilespmem:s25+$0x140]  }
0xbe: {  	v12 =	vld [tilespmem:s25+$0x150]  }
0xbf: {  	v7 =	vld [tilespmem:s25+$0x100]  }
0xc0: {  	v8 =	vld [tilespmem:s25+$0x110]  }
0xc1: {  	v5 =	vld [tilespmem:s25+$0xC0]  }
0xc2: {  	v6 =	vld [tilespmem:s25+$0xD0]  }
0xc3: {  	v4 =	vld [tilespmem:s25+$0x80]  }
0xc4: {  	v10 =	vld [tilespmem:s25+$0x90]  }
0xc5: {  	v11 =	vld [tilespmem:s25+$0x40]  }
0xc6: {  	v13 =	vld [tilespmem:s25+$0x50]  }
0xc7: {  	v14 =	vld [tilespmem:s25+$0x0]  }
0xc8: {  	v15 =	vld [tilespmem:s25+$0x10]  }
0xc9: {  	v16 =	vld [tilespmem:s25+$0x20]  }
0xca: {  	v17 =	vld [tilespmem:s25+$0x30]  }
0xcb: {  	v18 =	vld [tilespmem:s25+$0x60]  }
0xcc: {  	v19 =	vld [tilespmem:s25+$0x70]  }
0xcd: {  	v20 =	vimm.f32 $0.0e+00;
	v21 =	vld [tilespmem:s25+$0xA0]  }
0xce: {  	v22 =	vld [tilespmem:s25+$0xB0];
	v14 =	vadd.f32 v14, v20;
	v15 =	vadd.f32 v15, v20  }
0xcf: {  	v59 =	vld [tilespmem:s25+$0xE0];
	v16 =	vadd.f32 v16, v20;
	v17 =	vadd.f32 v17, v20  }
0xd0: {  	v11 =	vadd.f32 v11, v14;
	v13 =	vadd.f32 v13, v15;
	v14 =	vld [tilespmem:s25+$0xF0]  }
0xd1: {  	v61 =	vld [tilespmem:s25+$0x120];
	v15 =	vadd.f32 v18, v16;
	v60 =	vadd.f32 v19, v17  }
0xd2: {  	v11 =	vadd.f32 v4, v11;
	v10 =	vadd.f32 v10, v13;
	v13 =	vld [tilespmem:s25+$0x130]  }
0xd3: {  	v15 =	vadd.f32 v21, v15;
	v16 =	vadd.f32 v22, v60;
	v4 =	vld [tilespmem:s25+$0x160]  }
0xd4: {  	v11 =	vadd.f32 v5, v11;
	v10 =	vadd.f32 v6, v10;
	v6 =	vld [tilespmem:s25+$0x170]  }
0xd5: {  	v15 =	vadd.f32 v59, v15;
	v5 =	vld [tilespmem:s25+$0x1A0];
	v14 =	vadd.f32 v14, v16  }
0xd6: {  	v62 =	vadd.f32 v7, v11;
	v63 =	vadd.f32 v8, v10;
	v8 =	vld [tilespmem:s25+$0x1B0]  }
0xd7: {  	v11 =	vadd.f32 v61, v15;
	v7 =	vld [tilespmem:s25+$0x1E0];
	v10 =	vadd.f32 v13, v14  }
0xd8: {  	s24 =	simm.s32 $0x0;
	v13 =	vadd.f32 v9, v62;
	v12 =	vadd.f32 v12, v63;
	v9 =	vld [tilespmem:s25+$0x1F0];
	s25 =	simm.s32 $0x6C40  }
.LBB2_7:
0xd9: {  	v14 =	vld [tilespmem:s25+$0x1C0];
	v4 =	vadd.f32 v4, v11;
	v6 =	vadd.f32 v6, v10  }
0xda: {  	v10 =	vld [tilespmem:s25+$0x1D0];
	v11 =	vadd.f32 v2, v13;
	v12 =	vadd.f32 v3, v12  }
0xdb: {  	v2 =	vld [tilespmem:s25+$0x180];
	v4 =	vadd.f32 v5, v4;
	v5 =	vadd.f32 v8, v6  }
0xdc: {  	v3 =	vld [tilespmem:s25+$0x190];
	v6 =	vadd.f32 v0, v11;
	v8 =	vadd.f32 v1, v12  }
0xdd: {  	v12 =	vld [tilespmem:s25+$0x140];
	v4 =	vadd.f32 v7, v4;
	v5 =	vadd.f32 v9, v5  }
0xde: {  	v9 =	vld [tilespmem:s25+$0x150];
	v0 =	vmov v14  }
0xdf: {  	v7 =	vld [tilespmem:s25+$0x100];
	v1 =	vmov v10  }
0xe0: {  	v10 =	vld [tilespmem:s25+$0x110]  }
0xe1: {  	v11 =	vld [tilespmem:s25+$0xC0]  }
0xe2: {  	v13 =	vld [tilespmem:s25+$0xD0]  }
0xe3: {  	v14 =	vld [tilespmem:s25+$0x80]  }
0xe4: {  	v15 =	vld [tilespmem:s25+$0x90]  }
0xe5: {  	v16 =	vld [tilespmem:s25+$0x40]  }
0xe6: {  	v17 =	vld [tilespmem:s25+$0x50]  }
0xe7: {  	v18 =	vld [tilespmem:s25+$0x0]  }
0xe8: {  	v19 =	vld [tilespmem:s25+$0x10]  }
0xe9: {  	v20 =	vld [tilespmem:s25+$0x20]  }
0xea: {  	s24 =	sadd.s32 $0x8, s24;
	v21 =	vld [tilespmem:s25+$0x30]  }
0xeb: {  	p1 =	slt.u32 s24, $0xC0;
	v22 =	vld [tilespmem:s25+$0x60]  }
0xec: {  	v23 =	vld [tilespmem:s25+$0x70]  }
0xed: {  	v24 =	vld [tilespmem:s25+$0xA0]  }
0xee: {  	v6 =	vadd.f32 v18, v6;
	v8 =	vadd.f32 v19, v8;
	v18 =	vld [tilespmem:s25+$0xB0]  }
0xef: {  	v4 =	vadd.f32 v20, v4;
	v5 =	vadd.f32 v21, v5;
	v19 =	vld [tilespmem:s25+$0xE0]  }
0xf0: {  	v6 =	vadd.f32 v16, v6;
	v8 =	vadd.f32 v17, v8;
	v16 =	vld [tilespmem:s25+$0xF0]  }
0xf1: {  	v4 =	vadd.f32 v22, v4;
	v5 =	vadd.f32 v23, v5;
	v17 =	vld [tilespmem:s25+$0x120]  }
0xf2: {  	v6 =	vadd.f32 v14, v6;
	v8 =	vadd.f32 v15, v8;
	v14 =	vld [tilespmem:s25+$0x130]  }
0xf3: {  	v15 =	vadd.f32 v24, v4;
	v5 =	vadd.f32 v18, v5;
	v4 =	vld [tilespmem:s25+$0x160]  }
.Ltmp4:
0xf4: {  	v11 =	vadd.f32 v11, v6;
	v8 =	vadd.f32 v13, v8;
	v6 =	vld [tilespmem:s25+$0x170];
	(pc) =	sbr.rel @p1 .LBB2_7-.Ltmp4, $4  }
0xf5: {  	v13 =	vadd.f32 v19, v15;
	v15 =	vadd.f32 v16, v5;
	v5 =	vld [tilespmem:s25+$0x1A0]  }
0xf6: {  	v16 =	vadd.f32 v7, v11;
	v18 =	vadd.f32 v10, v8;
	v8 =	vld [tilespmem:s25+$0x1B0]  }
0xf7: {  	v11 =	vadd.f32 v17, v13;
	v10 =	vadd.f32 v14, v15;
	v7 =	vld [tilespmem:s25+$0x1E0]  }
0xf8: {  	v13 =	vadd.f32 v12, v16;
	v12 =	vadd.f32 v9, v18;
	v9 =	vld [tilespmem:s25+$0x1F0];
	s25 =	sadd.s32 $0x200, s25  }
0xf9: {  	_ = 	snop  }
0xfa: {  	v4 =	vadd.f32 v4, v11;
	v2 =	vadd.f32 v2, v13  }
0xfb: {  	v6 =	vadd.f32 v6, v10;
	v3 =	vadd.f32 v3, v12  }
0xfc: {  	v4 =	vadd.f32 v5, v4;
	v0 =	vadd.f32 v0, v2  }
0xfd: {  	v2 =	vadd.f32 v8, v6;
	v1 =	vadd.f32 v1, v3  }
0xfe: {  	v3 =	vadd.f32 v7, v4;
	v0 =	vmul.f32 $4.999999890e-03, v0  }
0xff: {  	v2 =	vadd.f32 v9, v2;
	v1 =	vmul.f32 $4.999999890e-03, v1  }
0x100: {  	[tilespmem:s22+$0x196C0] =	vst v0;
	v0 =	vmul.f32 $4.999999890e-03, v3  }
0x101: {  	[tilespmem:s22+$0x196D0] =	vst v1;
	v1 =	vmul.f32 $4.999999890e-03, v2  }
0x102: {  	[tilespmem:s22+$0x196E0] =	vst v0  }
0x103: {  	s25 =	simm.s32 $0x9C40;
	[tilespmem:s22+$0x196F0] =	vst v1  }
0x104: {  	v0 =	vld [tilespmem:s25+$0x1C0]  }
0x105: {  	v1 =	vld [tilespmem:s25+$0x1D0]  }
0x106: {  	v2 =	vld [tilespmem:s25+$0x180]  }
0x107: {  	v3 =	vld [tilespmem:s25+$0x190]  }
0x108: {  	v9 =	vld [tilespmem:s25+$0x140]  }
0x109: {  	v12 =	vld [tilespmem:s25+$0x150]  }
0x10a: {  	v7 =	vld [tilespmem:s25+$0x100]  }
0x10b: {  	v8 =	vld [tilespmem:s25+$0x110]  }
0x10c: {  	v5 =	vld [tilespmem:s25+$0xC0]  }
0x10d: {  	v6 =	vld [tilespmem:s25+$0xD0]  }
0x10e: {  	v4 =	vld [tilespmem:s25+$0x80]  }
0x10f: {  	v10 =	vld [tilespmem:s25+$0x90]  }
0x110: {  	v11 =	vld [tilespmem:s25+$0x40]  }
0x111: {  	v13 =	vld [tilespmem:s25+$0x50]  }
0x112: {  	v14 =	vld [tilespmem:s25+$0x0]  }
0x113: {  	v15 =	vld [tilespmem:s25+$0x10]  }
0x114: {  	v16 =	vld [tilespmem:s25+$0x20]  }
0x115: {  	v17 =	vld [tilespmem:s25+$0x30]  }
0x116: {  	v18 =	vld [tilespmem:s25+$0x60]  }
0x117: {  	v19 =	vld [tilespmem:s25+$0x70]  }
0x118: {  	v20 =	vimm.f32 $0.0e+00;
	v21 =	vld [tilespmem:s25+$0xA0]  }
0x119: {  	v22 =	vld [tilespmem:s25+$0xB0];
	v14 =	vadd.f32 v14, v20;
	v15 =	vadd.f32 v15, v20  }
0x11a: {  	v59 =	vld [tilespmem:s25+$0xE0];
	v16 =	vadd.f32 v16, v20;
	v17 =	vadd.f32 v17, v20  }
0x11b: {  	v11 =	vadd.f32 v11, v14;
	v13 =	vadd.f32 v13, v15;
	v14 =	vld [tilespmem:s25+$0xF0]  }
0x11c: {  	v61 =	vld [tilespmem:s25+$0x120];
	v15 =	vadd.f32 v18, v16;
	v60 =	vadd.f32 v19, v17  }
0x11d: {  	v11 =	vadd.f32 v4, v11;
	v10 =	vadd.f32 v10, v13;
	v13 =	vld [tilespmem:s25+$0x130]  }
0x11e: {  	v15 =	vadd.f32 v21, v15;
	v16 =	vadd.f32 v22, v60;
	v4 =	vld [tilespmem:s25+$0x160]  }
0x11f: {  	v11 =	vadd.f32 v5, v11;
	v10 =	vadd.f32 v6, v10;
	v6 =	vld [tilespmem:s25+$0x170]  }
0x120: {  	v15 =	vadd.f32 v59, v15;
	v5 =	vld [tilespmem:s25+$0x1A0];
	v14 =	vadd.f32 v14, v16  }
0x121: {  	v62 =	vadd.f32 v7, v11;
	v63 =	vadd.f32 v8, v10;
	v8 =	vld [tilespmem:s25+$0x1B0]  }
0x122: {  	v11 =	vadd.f32 v61, v15;
	v7 =	vld [tilespmem:s25+$0x1E0];
	v10 =	vadd.f32 v13, v14  }
0x123: {  	s24 =	simm.s32 $0x0;
	v13 =	vadd.f32 v9, v62;
	v12 =	vadd.f32 v12, v63;
	v9 =	vld [tilespmem:s25+$0x1F0];
	s25 =	simm.s32 $0x9E40  }
.LBB2_9:
0x124: {  	v14 =	vld [tilespmem:s25+$0x1C0];
	v4 =	vadd.f32 v4, v11;
	v6 =	vadd.f32 v6, v10  }
0x125: {  	v10 =	vld [tilespmem:s25+$0x1D0];
	v11 =	vadd.f32 v2, v13;
	v12 =	vadd.f32 v3, v12  }
0x126: {  	v2 =	vld [tilespmem:s25+$0x180];
	v4 =	vadd.f32 v5, v4;
	v5 =	vadd.f32 v8, v6  }
0x127: {  	v3 =	vld [tilespmem:s25+$0x190];
	v6 =	vadd.f32 v0, v11;
	v8 =	vadd.f32 v1, v12  }
0x128: {  	v12 =	vld [tilespmem:s25+$0x140];
	v4 =	vadd.f32 v7, v4;
	v5 =	vadd.f32 v9, v5  }
0x129: {  	v9 =	vld [tilespmem:s25+$0x150];
	v0 =	vmov v14  }
0x12a: {  	v7 =	vld [tilespmem:s25+$0x100];
	v1 =	vmov v10  }
0x12b: {  	v10 =	vld [tilespmem:s25+$0x110]  }
0x12c: {  	v11 =	vld [tilespmem:s25+$0xC0]  }
0x12d: {  	v13 =	vld [tilespmem:s25+$0xD0]  }
0x12e: {  	v14 =	vld [tilespmem:s25+$0x80]  }
0x12f: {  	v15 =	vld [tilespmem:s25+$0x90]  }
0x130: {  	v16 =	vld [tilespmem:s25+$0x40]  }
0x131: {  	v17 =	vld [tilespmem:s25+$0x50]  }
0x132: {  	v18 =	vld [tilespmem:s25+$0x0]  }
0x133: {  	v19 =	vld [tilespmem:s25+$0x10]  }
0x134: {  	v20 =	vld [tilespmem:s25+$0x20]  }
0x135: {  	s24 =	sadd.s32 $0x8, s24;
	v21 =	vld [tilespmem:s25+$0x30]  }
0x136: {  	p1 =	slt.u32 s24, $0xC0;
	v22 =	vld [tilespmem:s25+$0x60]  }
0x137: {  	v23 =	vld [tilespmem:s25+$0x70]  }
0x138: {  	v24 =	vld [tilespmem:s25+$0xA0]  }
0x139: {  	v6 =	vadd.f32 v18, v6;
	v8 =	vadd.f32 v19, v8;
	v18 =	vld [tilespmem:s25+$0xB0]  }
0x13a: {  	v4 =	vadd.f32 v20, v4;
	v5 =	vadd.f32 v21, v5;
	v19 =	vld [tilespmem:s25+$0xE0]  }
0x13b: {  	v6 =	vadd.f32 v16, v6;
	v8 =	vadd.f32 v17, v8;
	v16 =	vld [tilespmem:s25+$0xF0]  }
0x13c: {  	v4 =	vadd.f32 v22, v4;
	v5 =	vadd.f32 v23, v5;
	v17 =	vld [tilespmem:s25+$0x120]  }
0x13d: {  	v6 =	vadd.f32 v14, v6;
	v8 =	vadd.f32 v15, v8;
	v14 =	vld [tilespmem:s25+$0x130]  }
0x13e: {  	v15 =	vadd.f32 v24, v4;
	v5 =	vadd.f32 v18, v5;
	v4 =	vld [tilespmem:s25+$0x160]  }
.Ltmp5:
0x13f: {  	v11 =	vadd.f32 v11, v6;
	v8 =	vadd.f32 v13, v8;
	v6 =	vld [tilespmem:s25+$0x170];
	(pc) =	sbr.rel @p1 .LBB2_9-.Ltmp5, $4  }
0x140: {  	v13 =	vadd.f32 v19, v15;
	v15 =	vadd.f32 v16, v5;
	v5 =	vld [tilespmem:s25+$0x1A0]  }
0x141: {  	v16 =	vadd.f32 v7, v11;
	v18 =	vadd.f32 v10, v8;
	v8 =	vld [tilespmem:s25+$0x1B0]  }
0x142: {  	v11 =	vadd.f32 v17, v13;
	v10 =	vadd.f32 v14, v15;
	v7 =	vld [tilespmem:s25+$0x1E0]  }
0x143: {  	v13 =	vadd.f32 v12, v16;
	v12 =	vadd.f32 v9, v18;
	v9 =	vld [tilespmem:s25+$0x1F0];
	s25 =	sadd.s32 $0x200, s25  }
0x144: {  	_ = 	snop  }
0x145: {  	v4 =	vadd.f32 v4, v11;
	v2 =	vadd.f32 v2, v13  }
0x146: {  	v6 =	vadd.f32 v6, v10;
	v3 =	vadd.f32 v3, v12  }
0x147: {  	v4 =	vadd.f32 v5, v4;
	v0 =	vadd.f32 v0, v2  }
0x148: {  	v2 =	vadd.f32 v8, v6;
	v1 =	vadd.f32 v1, v3  }
0x149: {  	v3 =	vadd.f32 v7, v4;
	v0 =	vmul.f32 $4.999999890e-03, v0  }
0x14a: {  	v2 =	vadd.f32 v9, v2;
	v1 =	vmul.f32 $4.999999890e-03, v1  }
0x14b: {  	[tilespmem:s22+$0x19700] =	vst v0;
	v0 =	vmul.f32 $4.999999890e-03, v3  }
0x14c: {  	[tilespmem:s22+$0x19710] =	vst v1;
	v1 =	vmul.f32 $4.999999890e-03, v2  }
0x14d: {  	[tilespmem:s22+$0x19720] =	vst v0  }
0x14e: {  	[tilespmem:s22+$0x19730] =	vst v1  }
0x14f: {  	_ =	swait.ge [sflag:s15], $0x320  }
0x150: {  	[sflag:s15] =	ssyncset.done $0x0  }
0x151: {  	s23 =	sadd.s32 @!p0 s23, s8;
	[sflag:s15] =	ssyncadd.s32 $0xFFFFFCE0  }
0x152: {  	[tilespmem:s16], [sflag:$0x4] =	stream.indirect.gather [hbm4b:s4+s11], $0x40, s11, s11, $0xb8;
	[tilespmem:$0x1B640] =	vst v63  }
0x153: {  	s23 =	smul.u32 @!p0 $0x19, s23;
	_ =	swait.ge [sflag:s17], $0xC800  }
0x154: {  	s24 =	simm.s32 @!p0 $0x0;
	s25 =	simm.s32 @!p0 $0x320;
	[sflag:s17] =	ssyncset.done $0x0  }
0x155: {  	s31 =	simm.s32 $0xCE40;
	s23 =	sadd.s32 @!p0 s1, s23;
	[sflag:s17] =	ssyncadd.s32 $0xFFFF3800  }
0x156: {  	[tilespmem:s25], [sflag:$0x2] =	stream.linear.gather @!p0 [hbm4b:s23+s24], $0x320, $0x38;
	[tilespmem:$0x1B640] =	vst v63  }
0x157: {  	v0 =	vld [tilespmem:s31+$0x1C0]  }
0x158: {  	v1 =	vld [tilespmem:s31+$0x1D0]  }
0x159: {  	v2 =	vld [tilespmem:s31+$0x180]  }
0x15a: {  	v3 =	vld [tilespmem:s31+$0x190]  }
0x15b: {  	v9 =	vld [tilespmem:s31+$0x140]  }
0x15c: {  	v12 =	vld [tilespmem:s31+$0x150]  }
0x15d: {  	v7 =	vld [tilespmem:s31+$0x100]  }
0x15e: {  	v8 =	vld [tilespmem:s31+$0x110]  }
0x15f: {  	v5 =	vld [tilespmem:s31+$0xC0]  }
0x160: {  	v6 =	vld [tilespmem:s31+$0xD0]  }
0x161: {  	v4 =	vld [tilespmem:s31+$0x80]  }
0x162: {  	v10 =	vld [tilespmem:s31+$0x90]  }
0x163: {  	v11 =	vld [tilespmem:s31+$0x40]  }
0x164: {  	v13 =	vld [tilespmem:s31+$0x50]  }
0x165: {  	v14 =	vld [tilespmem:s31+$0x0]  }
0x166: {  	v15 =	vld [tilespmem:s31+$0x10]  }
0x167: {  	v16 =	vld [tilespmem:s31+$0x20]  }
0x168: {  	v17 =	vld [tilespmem:s31+$0x30]  }
0x169: {  	v18 =	vld [tilespmem:s31+$0x60]  }
0x16a: {  	v19 =	vld [tilespmem:s31+$0x70]  }
0x16b: {  	v20 =	vimm.f32 $0.0e+00;
	v21 =	vld [tilespmem:s31+$0xA0]  }
0x16c: {  	v22 =	vld [tilespmem:s31+$0xB0];
	v14 =	vadd.f32 v14, v20;
	v15 =	vadd.f32 v15, v20  }
0x16d: {  	v59 =	vld [tilespmem:s31+$0xE0];
	v16 =	vadd.f32 v16, v20;
	v17 =	vadd.f32 v17, v20  }
0x16e: {  	v11 =	vadd.f32 v11, v14;
	v13 =	vadd.f32 v13, v15;
	v14 =	vld [tilespmem:s31+$0xF0]  }
0x16f: {  	v61 =	vld [tilespmem:s31+$0x120];
	v15 =	vadd.f32 v18, v16;
	v60 =	vadd.f32 v19, v17  }
0x170: {  	v11 =	vadd.f32 v4, v11;
	v10 =	vadd.f32 v10, v13;
	v13 =	vld [tilespmem:s31+$0x130]  }
0x171: {  	v15 =	vadd.f32 v21, v15;
	v16 =	vadd.f32 v22, v60;
	v4 =	vld [tilespmem:s31+$0x160]  }
0x172: {  	v11 =	vadd.f32 v5, v11;
	v10 =	vadd.f32 v6, v10;
	v6 =	vld [tilespmem:s31+$0x170]  }
0x173: {  	v15 =	vadd.f32 v59, v15;
	v5 =	vld [tilespmem:s31+$0x1A0];
	v14 =	vadd.f32 v14, v16  }
0x174: {  	v62 =	vadd.f32 v7, v11;
	v63 =	vadd.f32 v8, v10;
	v8 =	vld [tilespmem:s31+$0x1B0]  }
0x175: {  	v11 =	vadd.f32 v61, v15;
	v7 =	vld [tilespmem:s31+$0x1E0];
	v10 =	vadd.f32 v13, v14  }
0x176: {  	s23 =	simm.s32 $0x0;
	s24 =	simm.s32 $0xD040;
	v13 =	vadd.f32 v9, v62;
	v12 =	vadd.f32 v12, v63;
	v9 =	vld [tilespmem:s31+$0x1F0]  }
.LBB2_11:
0x177: {  	v14 =	vld [tilespmem:s24+$0x1C0];
	v4 =	vadd.f32 v4, v11;
	v6 =	vadd.f32 v6, v10  }
0x178: {  	v10 =	vld [tilespmem:s24+$0x1D0];
	v11 =	vadd.f32 v2, v13;
	v12 =	vadd.f32 v3, v12  }
0x179: {  	v2 =	vld [tilespmem:s24+$0x180];
	v4 =	vadd.f32 v5, v4;
	v5 =	vadd.f32 v8, v6  }
0x17a: {  	v3 =	vld [tilespmem:s24+$0x190];
	v6 =	vadd.f32 v0, v11;
	v8 =	vadd.f32 v1, v12  }
0x17b: {  	v12 =	vld [tilespmem:s24+$0x140];
	v4 =	vadd.f32 v7, v4;
	v5 =	vadd.f32 v9, v5  }
0x17c: {  	v9 =	vld [tilespmem:s24+$0x150];
	v0 =	vmov v14  }
0x17d: {  	v7 =	vld [tilespmem:s24+$0x100];
	v1 =	vmov v10  }
0x17e: {  	v10 =	vld [tilespmem:s24+$0x110]  }
0x17f: {  	v11 =	vld [tilespmem:s24+$0xC0]  }
0x180: {  	v13 =	vld [tilespmem:s24+$0xD0]  }
0x181: {  	v14 =	vld [tilespmem:s24+$0x80]  }
0x182: {  	v15 =	vld [tilespmem:s24+$0x90]  }
0x183: {  	v16 =	vld [tilespmem:s24+$0x40]  }
0x184: {  	v17 =	vld [tilespmem:s24+$0x50]  }
0x185: {  	v18 =	vld [tilespmem:s24+$0x0]  }
0x186: {  	v19 =	vld [tilespmem:s24+$0x10]  }
0x187: {  	v20 =	vld [tilespmem:s24+$0x20]  }
0x188: {  	s23 =	sadd.s32 $0x8, s23;
	v21 =	vld [tilespmem:s24+$0x30]  }
0x189: {  	p1 =	slt.u32 s23, $0xC0;
	v22 =	vld [tilespmem:s24+$0x60]  }
0x18a: {  	v23 =	vld [tilespmem:s24+$0x70]  }
0x18b: {  	v24 =	vld [tilespmem:s24+$0xA0]  }
0x18c: {  	v6 =	vadd.f32 v18, v6;
	v8 =	vadd.f32 v19, v8;
	v18 =	vld [tilespmem:s24+$0xB0]  }
0x18d: {  	v4 =	vadd.f32 v20, v4;
	v5 =	vadd.f32 v21, v5;
	v19 =	vld [tilespmem:s24+$0xE0]  }
0x18e: {  	v6 =	vadd.f32 v16, v6;
	v8 =	vadd.f32 v17, v8;
	v16 =	vld [tilespmem:s24+$0xF0]  }
0x18f: {  	v4 =	vadd.f32 v22, v4;
	v5 =	vadd.f32 v23, v5;
	v17 =	vld [tilespmem:s24+$0x120]  }
0x190: {  	v6 =	vadd.f32 v14, v6;
	v8 =	vadd.f32 v15, v8;
	v14 =	vld [tilespmem:s24+$0x130]  }
0x191: {  	v15 =	vadd.f32 v24, v4;
	v5 =	vadd.f32 v18, v5;
	v4 =	vld [tilespmem:s24+$0x160]  }
.Ltmp6:
0x192: {  	v11 =	vadd.f32 v11, v6;
	v8 =	vadd.f32 v13, v8;
	v6 =	vld [tilespmem:s24+$0x170];
	(pc) =	sbr.rel @p1 .LBB2_11-.Ltmp6, $4  }
0x193: {  	v13 =	vadd.f32 v19, v15;
	v15 =	vadd.f32 v16, v5;
	v5 =	vld [tilespmem:s24+$0x1A0]  }
0x194: {  	v16 =	vadd.f32 v7, v11;
	v18 =	vadd.f32 v10, v8;
	v8 =	vld [tilespmem:s24+$0x1B0]  }
0x195: {  	v11 =	vadd.f32 v17, v13;
	v10 =	vadd.f32 v14, v15;
	v7 =	vld [tilespmem:s24+$0x1E0]  }
0x196: {  	v13 =	vadd.f32 v12, v16;
	v12 =	vadd.f32 v9, v18;
	v9 =	vld [tilespmem:s24+$0x1F0];
	s24 =	sadd.s32 $0x200, s24  }
0x197: {  	_ = 	snop  }
0x198: {  	v4 =	vadd.f32 v4, v11;
	v2 =	vadd.f32 v2, v13  }
0x199: {  	v6 =	vadd.f32 v6, v10;
	v3 =	vadd.f32 v3, v12  }
0x19a: {  	v4 =	vadd.f32 v5, v4;
	v0 =	vadd.f32 v0, v2  }
0x19b: {  	v2 =	vadd.f32 v8, v6;
	v1 =	vadd.f32 v1, v3  }
0x19c: {  	v3 =	vadd.f32 v7, v4;
	v0 =	vmul.f32 $4.999999890e-03, v0  }
0x19d: {  	v2 =	vadd.f32 v9, v2;
	v1 =	vmul.f32 $4.999999890e-03, v1  }
0x19e: {  	[tilespmem:s22+$0x19740] =	vst v0;
	v0 =	vmul.f32 $4.999999890e-03, v3  }
0x19f: {  	[tilespmem:s22+$0x19750] =	vst v1;
	v1 =	vmul.f32 $4.999999890e-03, v2  }
0x1a0: {  	[tilespmem:s22+$0x19760] =	vst v0  }
0x1a1: {  	s24 =	simm.s32 $0x10040;
	[tilespmem:s22+$0x19770] =	vst v1  }
0x1a2: {  	v0 =	vld [tilespmem:s24+$0x1C0]  }
0x1a3: {  	v1 =	vld [tilespmem:s24+$0x1D0]  }
0x1a4: {  	v2 =	vld [tilespmem:s24+$0x180]  }
0x1a5: {  	v3 =	vld [tilespmem:s24+$0x190]  }
0x1a6: {  	v9 =	vld [tilespmem:s24+$0x140]  }
0x1a7: {  	v12 =	vld [tilespmem:s24+$0x150]  }
0x1a8: {  	v7 =	vld [tilespmem:s24+$0x100]  }
0x1a9: {  	v8 =	vld [tilespmem:s24+$0x110]  }
0x1aa: {  	v5 =	vld [tilespmem:s24+$0xC0]  }
0x1ab: {  	v6 =	vld [tilespmem:s24+$0xD0]  }
0x1ac: {  	v4 =	vld [tilespmem:s24+$0x80]  }
0x1ad: {  	v10 =	vld [tilespmem:s24+$0x90]  }
0x1ae: {  	v11 =	vld [tilespmem:s24+$0x40]  }
0x1af: {  	v13 =	vld [tilespmem:s24+$0x50]  }
0x1b0: {  	v14 =	vld [tilespmem:s24+$0x0]  }
0x1b1: {  	v15 =	vld [tilespmem:s24+$0x10]  }
0x1b2: {  	v16 =	vld [tilespmem:s24+$0x20]  }
0x1b3: {  	v17 =	vld [tilespmem:s24+$0x30]  }
0x1b4: {  	v18 =	vld [tilespmem:s24+$0x60]  }
0x1b5: {  	v19 =	vld [tilespmem:s24+$0x70]  }
0x1b6: {  	v20 =	vimm.f32 $0.0e+00;
	v21 =	vld [tilespmem:s24+$0xA0]  }
0x1b7: {  	v22 =	vld [tilespmem:s24+$0xB0];
	v14 =	vadd.f32 v14, v20;
	v15 =	vadd.f32 v15, v20  }
0x1b8: {  	v59 =	vld [tilespmem:s24+$0xE0];
	v16 =	vadd.f32 v16, v20;
	v17 =	vadd.f32 v17, v20  }
0x1b9: {  	v11 =	vadd.f32 v11, v14;
	v13 =	vadd.f32 v13, v15;
	v14 =	vld [tilespmem:s24+$0xF0]  }
0x1ba: {  	v61 =	vld [tilespmem:s24+$0x120];
	v15 =	vadd.f32 v18, v16;
	v60 =	vadd.f32 v19, v17  }
0x1bb: {  	v11 =	vadd.f32 v4, v11;
	v10 =	vadd.f32 v10, v13;
	v13 =	vld [tilespmem:s24+$0x130]  }
0x1bc: {  	v15 =	vadd.f32 v21, v15;
	v16 =	vadd.f32 v22, v60;
	v4 =	vld [tilespmem:s24+$0x160]  }
0x1bd: {  	v11 =	vadd.f32 v5, v11;
	v10 =	vadd.f32 v6, v10;
	v6 =	vld [tilespmem:s24+$0x170]  }
0x1be: {  	v15 =	vadd.f32 v59, v15;
	v5 =	vld [tilespmem:s24+$0x1A0];
	v14 =	vadd.f32 v14, v16  }
0x1bf: {  	v62 =	vadd.f32 v7, v11;
	v63 =	vadd.f32 v8, v10;
	v8 =	vld [tilespmem:s24+$0x1B0]  }
0x1c0: {  	v11 =	vadd.f32 v61, v15;
	v7 =	vld [tilespmem:s24+$0x1E0];
	v10 =	vadd.f32 v13, v14  }
0x1c1: {  	s23 =	simm.s32 $0x0;
	v13 =	vadd.f32 v9, v62;
	v12 =	vadd.f32 v12, v63;
	v9 =	vld [tilespmem:s24+$0x1F0];
	s24 =	simm.s32 $0x10240  }
.LBB2_13:
0x1c2: {  	v14 =	vld [tilespmem:s24+$0x1C0];
	v4 =	vadd.f32 v4, v11;
	v6 =	vadd.f32 v6, v10  }
0x1c3: {  	v10 =	vld [tilespmem:s24+$0x1D0];
	v11 =	vadd.f32 v2, v13;
	v12 =	vadd.f32 v3, v12  }
0x1c4: {  	v2 =	vld [tilespmem:s24+$0x180];
	v4 =	vadd.f32 v5, v4;
	v5 =	vadd.f32 v8, v6  }
0x1c5: {  	v3 =	vld [tilespmem:s24+$0x190];
	v6 =	vadd.f32 v0, v11;
	v8 =	vadd.f32 v1, v12  }
0x1c6: {  	v12 =	vld [tilespmem:s24+$0x140];
	v4 =	vadd.f32 v7, v4;
	v5 =	vadd.f32 v9, v5  }
0x1c7: {  	v9 =	vld [tilespmem:s24+$0x150];
	v0 =	vmov v14  }
0x1c8: {  	v7 =	vld [tilespmem:s24+$0x100];
	v1 =	vmov v10  }
0x1c9: {  	v10 =	vld [tilespmem:s24+$0x110]  }
0x1ca: {  	v11 =	vld [tilespmem:s24+$0xC0]  }
0x1cb: {  	v13 =	vld [tilespmem:s24+$0xD0]  }
0x1cc: {  	v14 =	vld [tilespmem:s24+$0x80]  }
0x1cd: {  	v15 =	vld [tilespmem:s24+$0x90]  }
0x1ce: {  	v16 =	vld [tilespmem:s24+$0x40]  }
0x1cf: {  	v17 =	vld [tilespmem:s24+$0x50]  }
0x1d0: {  	v18 =	vld [tilespmem:s24+$0x0]  }
0x1d1: {  	v19 =	vld [tilespmem:s24+$0x10]  }
0x1d2: {  	v20 =	vld [tilespmem:s24+$0x20]  }
0x1d3: {  	s23 =	sadd.s32 $0x8, s23;
	v21 =	vld [tilespmem:s24+$0x30]  }
0x1d4: {  	p1 =	slt.u32 s23, $0xC0;
	v22 =	vld [tilespmem:s24+$0x60]  }
0x1d5: {  	v23 =	vld [tilespmem:s24+$0x70]  }
0x1d6: {  	v24 =	vld [tilespmem:s24+$0xA0]  }
0x1d7: {  	v6 =	vadd.f32 v18, v6;
	v8 =	vadd.f32 v19, v8;
	v18 =	vld [tilespmem:s24+$0xB0]  }
0x1d8: {  	v4 =	vadd.f32 v20, v4;
	v5 =	vadd.f32 v21, v5;
	v19 =	vld [tilespmem:s24+$0xE0]  }
0x1d9: {  	v6 =	vadd.f32 v16, v6;
	v8 =	vadd.f32 v17, v8;
	v16 =	vld [tilespmem:s24+$0xF0]  }
0x1da: {  	v4 =	vadd.f32 v22, v4;
	v5 =	vadd.f32 v23, v5;
	v17 =	vld [tilespmem:s24+$0x120]  }
0x1db: {  	v6 =	vadd.f32 v14, v6;
	v8 =	vadd.f32 v15, v8;
	v14 =	vld [tilespmem:s24+$0x130]  }
0x1dc: {  	v15 =	vadd.f32 v24, v4;
	v5 =	vadd.f32 v18, v5;
	v4 =	vld [tilespmem:s24+$0x160]  }
.Ltmp7:
0x1dd: {  	v11 =	vadd.f32 v11, v6;
	v8 =	vadd.f32 v13, v8;
	v6 =	vld [tilespmem:s24+$0x170];
	(pc) =	sbr.rel @p1 .LBB2_13-.Ltmp7, $4  }
0x1de: {  	v13 =	vadd.f32 v19, v15;
	v15 =	vadd.f32 v16, v5;
	v5 =	vld [tilespmem:s24+$0x1A0]  }
0x1df: {  	v16 =	vadd.f32 v7, v11;
	v18 =	vadd.f32 v10, v8;
	v8 =	vld [tilespmem:s24+$0x1B0]  }
0x1e0: {  	v11 =	vadd.f32 v17, v13;
	v10 =	vadd.f32 v14, v15;
	v7 =	vld [tilespmem:s24+$0x1E0]  }
0x1e1: {  	v13 =	vadd.f32 v12, v16;
	v12 =	vadd.f32 v9, v18;
	v9 =	vld [tilespmem:s24+$0x1F0];
	s24 =	sadd.s32 $0x200, s24  }
0x1e2: {  	_ = 	snop  }
0x1e3: {  	v4 =	vadd.f32 v4, v11;
	v2 =	vadd.f32 v2, v13  }
0x1e4: {  	v6 =	vadd.f32 v6, v10;
	v3 =	vadd.f32 v3, v12  }
0x1e5: {  	v4 =	vadd.f32 v5, v4;
	v0 =	vadd.f32 v0, v2  }
0x1e6: {  	v2 =	vadd.f32 v8, v6;
	v1 =	vadd.f32 v1, v3  }
0x1e7: {  	v3 =	vadd.f32 v7, v4;
	v0 =	vmul.f32 $4.999999890e-03, v0  }
0x1e8: {  	v2 =	vadd.f32 v9, v2;
	v1 =	vmul.f32 $4.999999890e-03, v1  }
0x1e9: {  	[tilespmem:s22+$0x19780] =	vst v0;
	v0 =	vmul.f32 $4.999999890e-03, v3  }
0x1ea: {  	[tilespmem:s22+$0x19790] =	vst v1;
	v1 =	vmul.f32 $4.999999890e-03, v2  }
0x1eb: {  	[tilespmem:s22+$0x197A0] =	vst v0  }
0x1ec: {  	s24 =	simm.s32 $0x13240;
	[tilespmem:s22+$0x197B0] =	vst v1  }
0x1ed: {  	v0 =	vld [tilespmem:s24+$0x1C0]  }
0x1ee: {  	v1 =	vld [tilespmem:s24+$0x1D0]  }
0x1ef: {  	v2 =	vld [tilespmem:s24+$0x180]  }
0x1f0: {  	v3 =	vld [tilespmem:s24+$0x190]  }
0x1f1: {  	v9 =	vld [tilespmem:s24+$0x140]  }
0x1f2: {  	v12 =	vld [tilespmem:s24+$0x150]  }
0x1f3: {  	v7 =	vld [tilespmem:s24+$0x100]  }
0x1f4: {  	v8 =	vld [tilespmem:s24+$0x110]  }
0x1f5: {  	v5 =	vld [tilespmem:s24+$0xC0]  }
0x1f6: {  	v6 =	vld [tilespmem:s24+$0xD0]  }
0x1f7: {  	v4 =	vld [tilespmem:s24+$0x80]  }
0x1f8: {  	v10 =	vld [tilespmem:s24+$0x90]  }
0x1f9: {  	v11 =	vld [tilespmem:s24+$0x40]  }
0x1fa: {  	v13 =	vld [tilespmem:s24+$0x50]  }
0x1fb: {  	v14 =	vld [tilespmem:s24+$0x0]  }
0x1fc: {  	v15 =	vld [tilespmem:s24+$0x10]  }
0x1fd: {  	v16 =	vld [tilespmem:s24+$0x20]  }
0x1fe: {  	v17 =	vld [tilespmem:s24+$0x30]  }
0x1ff: {  	v18 =	vld [tilespmem:s24+$0x60]  }
0x200: {  	v19 =	vld [tilespmem:s24+$0x70]  }
0x201: {  	v20 =	vimm.f32 $0.0e+00;
	v21 =	vld [tilespmem:s24+$0xA0]  }
0x202: {  	v22 =	vld [tilespmem:s24+$0xB0];
	v14 =	vadd.f32 v14, v20;
	v15 =	vadd.f32 v15, v20  }
0x203: {  	v59 =	vld [tilespmem:s24+$0xE0];
	v16 =	vadd.f32 v16, v20;
	v17 =	vadd.f32 v17, v20  }
0x204: {  	v11 =	vadd.f32 v11, v14;
	v13 =	vadd.f32 v13, v15;
	v14 =	vld [tilespmem:s24+$0xF0]  }
0x205: {  	v61 =	vld [tilespmem:s24+$0x120];
	v15 =	vadd.f32 v18, v16;
	v60 =	vadd.f32 v19, v17  }
0x206: {  	v11 =	vadd.f32 v4, v11;
	v10 =	vadd.f32 v10, v13;
	v13 =	vld [tilespmem:s24+$0x130]  }
0x207: {  	v15 =	vadd.f32 v21, v15;
	v16 =	vadd.f32 v22, v60;
	v4 =	vld [tilespmem:s24+$0x160]  }
0x208: {  	v11 =	vadd.f32 v5, v11;
	v10 =	vadd.f32 v6, v10;
	v6 =	vld [tilespmem:s24+$0x170]  }
0x209: {  	v15 =	vadd.f32 v59, v15;
	v5 =	vld [tilespmem:s24+$0x1A0];
	v14 =	vadd.f32 v14, v16  }
0x20a: {  	v62 =	vadd.f32 v7, v11;
	v63 =	vadd.f32 v8, v10;
	v8 =	vld [tilespmem:s24+$0x1B0]  }
0x20b: {  	v11 =	vadd.f32 v61, v15;
	v7 =	vld [tilespmem:s24+$0x1E0];
	v10 =	vadd.f32 v13, v14  }
0x20c: {  	s23 =	simm.s32 $0x0;
	v13 =	vadd.f32 v9, v62;
	v12 =	vadd.f32 v12, v63;
	v9 =	vld [tilespmem:s24+$0x1F0];
	s24 =	simm.s32 $0x13440  }
.LBB2_15:
0x20d: {  	v14 =	vld [tilespmem:s24+$0x1C0];
	v4 =	vadd.f32 v4, v11;
	v6 =	vadd.f32 v6, v10  }
0x20e: {  	v10 =	vld [tilespmem:s24+$0x1D0];
	v11 =	vadd.f32 v2, v13;
	v12 =	vadd.f32 v3, v12  }
0x20f: {  	v2 =	vld [tilespmem:s24+$0x180];
	v4 =	vadd.f32 v5, v4;
	v5 =	vadd.f32 v8, v6  }
0x210: {  	v3 =	vld [tilespmem:s24+$0x190];
	v6 =	vadd.f32 v0, v11;
	v8 =	vadd.f32 v1, v12  }
0x211: {  	v12 =	vld [tilespmem:s24+$0x140];
	v4 =	vadd.f32 v7, v4;
	v5 =	vadd.f32 v9, v5  }
0x212: {  	v9 =	vld [tilespmem:s24+$0x150];
	v0 =	vmov v14  }
0x213: {  	v7 =	vld [tilespmem:s24+$0x100];
	v1 =	vmov v10  }
0x214: {  	v10 =	vld [tilespmem:s24+$0x110]  }
0x215: {  	v11 =	vld [tilespmem:s24+$0xC0]  }
0x216: {  	v13 =	vld [tilespmem:s24+$0xD0]  }
0x217: {  	v14 =	vld [tilespmem:s24+$0x80]  }
0x218: {  	v15 =	vld [tilespmem:s24+$0x90]  }
0x219: {  	v16 =	vld [tilespmem:s24+$0x40]  }
0x21a: {  	v17 =	vld [tilespmem:s24+$0x50]  }
0x21b: {  	v18 =	vld [tilespmem:s24+$0x0]  }
0x21c: {  	v19 =	vld [tilespmem:s24+$0x10]  }
0x21d: {  	v20 =	vld [tilespmem:s24+$0x20]  }
0x21e: {  	s23 =	sadd.s32 $0x8, s23;
	v21 =	vld [tilespmem:s24+$0x30]  }
0x21f: {  	p1 =	slt.u32 s23, $0xC0;
	v22 =	vld [tilespmem:s24+$0x60]  }
0x220: {  	v23 =	vld [tilespmem:s24+$0x70]  }
0x221: {  	v24 =	vld [tilespmem:s24+$0xA0]  }
0x222: {  	v6 =	vadd.f32 v18, v6;
	v8 =	vadd.f32 v19, v8;
	v18 =	vld [tilespmem:s24+$0xB0]  }
0x223: {  	v4 =	vadd.f32 v20, v4;
	v5 =	vadd.f32 v21, v5;
	v19 =	vld [tilespmem:s24+$0xE0]  }
0x224: {  	v6 =	vadd.f32 v16, v6;
	v8 =	vadd.f32 v17, v8;
	v16 =	vld [tilespmem:s24+$0xF0]  }
0x225: {  	v4 =	vadd.f32 v22, v4;
	v5 =	vadd.f32 v23, v5;
	v17 =	vld [tilespmem:s24+$0x120]  }
0x226: {  	v6 =	vadd.f32 v14, v6;
	v8 =	vadd.f32 v15, v8;
	v14 =	vld [tilespmem:s24+$0x130]  }
0x227: {  	v15 =	vadd.f32 v24, v4;
	v5 =	vadd.f32 v18, v5;
	v4 =	vld [tilespmem:s24+$0x160]  }
.Ltmp8:
0x228: {  	v11 =	vadd.f32 v11, v6;
	v8 =	vadd.f32 v13, v8;
	v6 =	vld [tilespmem:s24+$0x170];
	(pc) =	sbr.rel @p1 .LBB2_15-.Ltmp8, $4  }
0x229: {  	v13 =	vadd.f32 v19, v15;
	v15 =	vadd.f32 v16, v5;
	v5 =	vld [tilespmem:s24+$0x1A0]  }
0x22a: {  	v16 =	vadd.f32 v7, v11;
	v18 =	vadd.f32 v10, v8;
	v8 =	vld [tilespmem:s24+$0x1B0]  }
0x22b: {  	v11 =	vadd.f32 v17, v13;
	v10 =	vadd.f32 v14, v15;
	v7 =	vld [tilespmem:s24+$0x1E0]  }
0x22c: {  	v13 =	vadd.f32 v12, v16;
	v12 =	vadd.f32 v9, v18;
	v9 =	vld [tilespmem:s24+$0x1F0];
	s24 =	sadd.s32 $0x200, s24  }
0x22d: {  	_ = 	snop  }
0x22e: {  	v4 =	vadd.f32 v4, v11;
	v2 =	vadd.f32 v2, v13  }
0x22f: {  	v6 =	vadd.f32 v6, v10;
	v3 =	vadd.f32 v3, v12  }
0x230: {  	v4 =	vadd.f32 v5, v4;
	v0 =	vadd.f32 v0, v2  }
0x231: {  	v2 =	vadd.f32 v8, v6;
	v1 =	vadd.f32 v1, v3  }
0x232: {  	v3 =	vadd.f32 v7, v4;
	v0 =	vmul.f32 $4.999999890e-03, v0  }
0x233: {  	v2 =	vadd.f32 v9, v2;
	v1 =	vmul.f32 $4.999999890e-03, v1  }
0x234: {  	[tilespmem:s22+$0x197C0] =	vst v0;
	v0 =	vmul.f32 $4.999999890e-03, v3  }
0x235: {  	[tilespmem:s22+$0x197D0] =	vst v1;
	v1 =	vmul.f32 $4.999999890e-03, v2  }
0x236: {  	[tilespmem:s22+$0x197E0] =	vst v0  }
0x237: {  	s24 =	simm.s32 $0x16440;
	[tilespmem:s22+$0x197F0] =	vst v1  }
0x238: {  	v0 =	vld [tilespmem:s24+$0x1C0]  }
0x239: {  	v1 =	vld [tilespmem:s24+$0x1D0]  }
0x23a: {  	v2 =	vld [tilespmem:s24+$0x180]  }
0x23b: {  	v3 =	vld [tilespmem:s24+$0x190]  }
0x23c: {  	v9 =	vld [tilespmem:s24+$0x140]  }
0x23d: {  	v12 =	vld [tilespmem:s24+$0x150]  }
0x23e: {  	v7 =	vld [tilespmem:s24+$0x100]  }
0x23f: {  	v8 =	vld [tilespmem:s24+$0x110]  }
0x240: {  	v5 =	vld [tilespmem:s24+$0xC0]  }
0x241: {  	v6 =	vld [tilespmem:s24+$0xD0]  }
0x242: {  	v4 =	vld [tilespmem:s24+$0x80]  }
0x243: {  	v10 =	vld [tilespmem:s24+$0x90]  }
0x244: {  	v11 =	vld [tilespmem:s24+$0x40]  }
0x245: {  	v13 =	vld [tilespmem:s24+$0x50]  }
0x246: {  	v14 =	vld [tilespmem:s24+$0x0]  }
0x247: {  	v15 =	vld [tilespmem:s24+$0x10]  }
0x248: {  	v16 =	vld [tilespmem:s24+$0x20]  }
0x249: {  	v17 =	vld [tilespmem:s24+$0x30]  }
0x24a: {  	v18 =	vld [tilespmem:s24+$0x60]  }
0x24b: {  	v19 =	vld [tilespmem:s24+$0x70]  }
0x24c: {  	v20 =	vimm.f32 $0.0e+00;
	v21 =	vld [tilespmem:s24+$0xA0]  }
0x24d: {  	v22 =	vld [tilespmem:s24+$0xB0];
	v14 =	vadd.f32 v14, v20;
	v15 =	vadd.f32 v15, v20  }
0x24e: {  	v59 =	vld [tilespmem:s24+$0xE0];
	v16 =	vadd.f32 v16, v20;
	v17 =	vadd.f32 v17, v20  }
0x24f: {  	v11 =	vadd.f32 v11, v14;
	v13 =	vadd.f32 v13, v15;
	v14 =	vld [tilespmem:s24+$0xF0]  }
0x250: {  	v61 =	vld [tilespmem:s24+$0x120];
	v15 =	vadd.f32 v18, v16;
	v60 =	vadd.f32 v19, v17  }
0x251: {  	v11 =	vadd.f32 v4, v11;
	v10 =	vadd.f32 v10, v13;
	v13 =	vld [tilespmem:s24+$0x130]  }
0x252: {  	v15 =	vadd.f32 v21, v15;
	v16 =	vadd.f32 v22, v60;
	v4 =	vld [tilespmem:s24+$0x160]  }
0x253: {  	v11 =	vadd.f32 v5, v11;
	v10 =	vadd.f32 v6, v10;
	v6 =	vld [tilespmem:s24+$0x170]  }
0x254: {  	v15 =	vadd.f32 v59, v15;
	v5 =	vld [tilespmem:s24+$0x1A0];
	v14 =	vadd.f32 v14, v16  }
0x255: {  	v62 =	vadd.f32 v7, v11;
	v63 =	vadd.f32 v8, v10;
	v8 =	vld [tilespmem:s24+$0x1B0]  }
0x256: {  	v11 =	vadd.f32 v61, v15;
	v7 =	vld [tilespmem:s24+$0x1E0];
	v10 =	vadd.f32 v13, v14  }
0x257: {  	s23 =	simm.s32 $0x0;
	v13 =	vadd.f32 v9, v62;
	v12 =	vadd.f32 v12, v63;
	v9 =	vld [tilespmem:s24+$0x1F0];
	s24 =	simm.s32 $0x16640  }
.LBB2_17:
0x258: {  	v14 =	vld [tilespmem:s24+$0x1C0];
	v4 =	vadd.f32 v4, v11;
	v6 =	vadd.f32 v6, v10  }
0x259: {  	v10 =	vld [tilespmem:s24+$0x1D0];
	v11 =	vadd.f32 v2, v13;
	v12 =	vadd.f32 v3, v12  }
0x25a: {  	v2 =	vld [tilespmem:s24+$0x180];
	v4 =	vadd.f32 v5, v4;
	v5 =	vadd.f32 v8, v6  }
0x25b: {  	v3 =	vld [tilespmem:s24+$0x190];
	v6 =	vadd.f32 v0, v11;
	v8 =	vadd.f32 v1, v12  }
0x25c: {  	v12 =	vld [tilespmem:s24+$0x140];
	v4 =	vadd.f32 v7, v4;
	v5 =	vadd.f32 v9, v5  }
0x25d: {  	v9 =	vld [tilespmem:s24+$0x150];
	v0 =	vmov v14  }
0x25e: {  	v7 =	vld [tilespmem:s24+$0x100];
	v1 =	vmov v10  }
0x25f: {  	v10 =	vld [tilespmem:s24+$0x110]  }
0x260: {  	v11 =	vld [tilespmem:s24+$0xC0]  }
0x261: {  	v13 =	vld [tilespmem:s24+$0xD0]  }
0x262: {  	v14 =	vld [tilespmem:s24+$0x80]  }
0x263: {  	v15 =	vld [tilespmem:s24+$0x90]  }
0x264: {  	v16 =	vld [tilespmem:s24+$0x40]  }
0x265: {  	v17 =	vld [tilespmem:s24+$0x50]  }
0x266: {  	v18 =	vld [tilespmem:s24+$0x0]  }
0x267: {  	v19 =	vld [tilespmem:s24+$0x10]  }
0x268: {  	v20 =	vld [tilespmem:s24+$0x20]  }
0x269: {  	s23 =	sadd.s32 $0x8, s23;
	v21 =	vld [tilespmem:s24+$0x30]  }
0x26a: {  	p1 =	slt.u32 s23, $0xC0;
	v22 =	vld [tilespmem:s24+$0x60]  }
0x26b: {  	v23 =	vld [tilespmem:s24+$0x70]  }
0x26c: {  	v24 =	vld [tilespmem:s24+$0xA0]  }
0x26d: {  	v6 =	vadd.f32 v18, v6;
	v8 =	vadd.f32 v19, v8;
	v18 =	vld [tilespmem:s24+$0xB0]  }
0x26e: {  	v4 =	vadd.f32 v20, v4;
	v5 =	vadd.f32 v21, v5;
	v19 =	vld [tilespmem:s24+$0xE0]  }
0x26f: {  	v6 =	vadd.f32 v16, v6;
	v8 =	vadd.f32 v17, v8;
	v16 =	vld [tilespmem:s24+$0xF0]  }
0x270: {  	v4 =	vadd.f32 v22, v4;
	v5 =	vadd.f32 v23, v5;
	v17 =	vld [tilespmem:s24+$0x120]  }
0x271: {  	v6 =	vadd.f32 v14, v6;
	v8 =	vadd.f32 v15, v8;
	v14 =	vld [tilespmem:s24+$0x130]  }
0x272: {  	v15 =	vadd.f32 v24, v4;
	v5 =	vadd.f32 v18, v5;
	v4 =	vld [tilespmem:s24+$0x160]  }
.Ltmp9:
0x273: {  	v11 =	vadd.f32 v11, v6;
	v8 =	vadd.f32 v13, v8;
	v6 =	vld [tilespmem:s24+$0x170];
	(pc) =	sbr.rel @p1 .LBB2_17-.Ltmp9, $4  }
0x274: {  	v13 =	vadd.f32 v19, v15;
	v15 =	vadd.f32 v16, v5;
	v5 =	vld [tilespmem:s24+$0x1A0]  }
0x275: {  	v16 =	vadd.f32 v7, v11;
	v18 =	vadd.f32 v10, v8;
	v8 =	vld [tilespmem:s24+$0x1B0]  }
0x276: {  	v11 =	vadd.f32 v17, v13;
	v10 =	vadd.f32 v14, v15;
	v7 =	vld [tilespmem:s24+$0x1E0]  }
0x277: {  	v13 =	vadd.f32 v12, v16;
	v12 =	vadd.f32 v9, v18;
	v9 =	vld [tilespmem:s24+$0x1F0];
	s24 =	sadd.s32 $0x200, s24  }
0x278: {  	_ = 	snop  }
0x279: {  	v4 =	vadd.f32 v4, v11;
	v2 =	vadd.f32 v2, v13  }
0x27a: {  	v6 =	vadd.f32 v6, v10;
	v3 =	vadd.f32 v3, v12  }
0x27b: {  	v4 =	vadd.f32 v5, v4;
	v0 =	vadd.f32 v0, v2  }
0x27c: {  	v60 =	vadd.f32 v8, v6;
	v1 =	vadd.f32 v1, v3  }
0x27d: {  	v61 =	vadd.f32 v7, v4;
	v0 =	vmul.f32 $4.999999890e-03, v0  }
.Ltmp10:
0x27e: {  	v2 =	vadd.f32 v9, v60;
	v1 =	vmul.f32 $4.999999890e-03, v1;
	(pc) =	sbr.rel @p0 .LBB2_20-.Ltmp10, $4  }
0x27f: {  	v62 =	vmul.f32 $4.999999890e-03, v61;
	[tilespmem:s22+$0x19800] =	vst v0  }
0x280: {  	v63 =	vmul.f32 $4.999999890e-03, v2;
	[tilespmem:s22+$0x19810] =	vst v1  }
0x281: {  	[tilespmem:s22+$0x19820] =	vst v62  }
0x282: {  	[tilespmem:s22+$0x19830] =	vst v63  }
.Ltmp11:
0x283: {  	(pc) =	sbr.rel .LBB2_2-.Ltmp11, $4  }
0x284: {  	_ =	swait.ge [sflag:s12], $0x320  }
0x285: {  	[sflag:s12] =	ssyncset.done $0x0  }
0x286: {  	s21 =	sadd.s32 $0x1, s21;
	[sflag:s12] =	ssyncadd.s32 $0xFFFFFCE0  }
0x287: {  	[tilespmem:s13], [sflag:$0x3] =	stream.indirect.gather [hbm4b:s4+s11], $0x40, s3, s11, $0xb8;
	[tilespmem:$0x1B640] =	vst v63  }
.LBB2_21:
0x288: {  	_ =	sfence.sel $0x180000  }
0x289: {  	[bflag:$0x0] =	sbarrier.arrive $0xFFFF  }
0x28a: {  	p0 =	sne.s32 s0, $0x0;
	_ =	strace $0x90000047  }
0x28b: {  	s0 =	sadd.s32 @!p0 $0x100000, s2;
	[bflag:$0x2] =	sbarrier.arrive $0xFFFF  }
0x28c: {  	[sflag:s0] =	ssyncadd.tile.s32 @!p0 $0x1;
	_ =	shalt  }
.Lfunc_end2:
_tile_overlayer_lowered:
.L_overlay_start_2:
0x28d: {  	(tag) =	ssettag $0x2  }
0x28e: {  	s0 =	rddreg [dreg:$0x0];
	s2 =	stileid.u32  }
0x28f: {  	s1 =	rddreg [dreg:$0x1];
	p0 =	sne.s32 s2, $0x0  }
0x290: {  	s3 =	rddreg [dreg:$0x2];
	[bflag:$0x3] =	sbarrier.arrive $0xFFFF;
	s2 =	simm.s32 @!p0 $0x1C05  }
0x291: {  	[timem:s3], [sflag:s2] =	dma.local @!p0 [hbm:s0], s1  }
0x292: {  	s0 =	simm.s32 @!p0 $0x5  }
0x293: {  	_ =	swait.ge @!p0 [sflag:s0], s1  }
0x294: {  	s1 =	ssub.s32 @!p0 $0x0, s1;
	[sflag:s0] =	ssyncset.done @!p0 $0x0  }
0x295: {  	[sflag:s0] =	ssyncadd.s32 @!p0 s1  }
0x296: {  	[bflag:$0x3] =	sbarrier.arrive $0xFFFF  }
0x297: {  	_ =	shalt  }

</sc_bundles>
